<compile_context>
chip_gen: v7x
topology: tpu7x:2x2x1
jax: 0.10.2.dev20260603
libtpu: 0.0.44.dev20260713+nightly
codegen_flags: <defaults>
</compile_context>

<pallas_src>
import jax
import jax.numpy as jnp
from jax import lax
from jax.experimental import pallas as pl
from jax.experimental.pallas import tpu as pltpu
from jax.experimental.pallas import tpu_sc as plsc

NX, NY, NZ = 432, 496, 1
B = 2
P = 32000
C = 64
C_ADD = 3

NYNX = NY * NX
TOT = B * NYNX
NW = 32
CELLS_W = TOT // NW
NVR = CELLS_W // 16
CW = 128
CH = 6400
NCH = P // CH
RB = 128
PBUF = CELLS_W + RB
SENT = 0x7FFFFFFF

YB = 16
GRID_T = B * NY // YB
YBLKS = NY // YB

_mesh = plsc.VectorSubcoreMesh(
    core_axis_name="c", subcore_axis_name="s", num_cores=2, num_subcores=16)


def _sc_body(pfc, coords3, g, w,
             idxmap, cb0, cb1, pbuf, cellbuf, pidx2, cidx2,
             rowb, tmp16, sem_c, sem_g, sem_s):
    wid = lax.axis_index("c") * 16 + lax.axis_index("s")
    lo = wid * CELLS_W

    io = lax.iota(jnp.int32, 16)
    ionext = jnp.minimum(io + 1, 15)
    neg1 = jnp.full((16,), -1, jnp.int32)

    def init_body(i, carry):
        idxmap[pl.ds(i * 16, 16)] = neg1
        return carry

    lax.fori_loop(0, NVR, init_body, 0)

    cbufs = [cb0, cb1]
    pend = pltpu.async_copy(coords3.at[:, pl.ds(0, CH)], cb0, sem_c)
    for ch in range(NCH):
        cbuf = cbufs[ch % 2]
        base = ch * CH
        pend.wait()
        if ch + 1 < NCH:
            pend = pltpu.async_copy(
                coords3.at[:, pl.ds((ch + 1) * CH, CH)], cbufs[(ch + 1) % 2],
                sem_c)

        def scan_body(j, carry, base=base, cbuf=cbuf):
            bv = cbuf[0, pl.ds(j * 16, 16)]
            yv = cbuf[1, pl.ds(j * 16, 16)]
            xv = cbuf[2, pl.ds(j * 16, 16)]
            loc = bv * NYNX + yv * NX + xv - lo
            valid = (loc >= 0) & (loc < CELLS_W)
            pv = base + j * 16 + io
            key = jnp.where(valid, (loc << 15) | pv, SENT)
            ks, _ = plsc.sort_key_val(key, key)
            tmp16[...] = ks
            ksn = plsc.load_gather(tmp16, [ionext])
            keep = (ks != SENT) & (((ks >> 15) != (ksn >> 15)) | (io == 15))
            locs = jnp.where(keep, ks >> 15, 0)
            plsc.store_scatter(idxmap, [locs], ks & 0x7FFF, mask=keep)
            return carry

        lax.fori_loop(0, CH // 16, scan_body, 0)

    def comp_body(i, kvec):
        v = idxmap[pl.ds(i * 16, 16)]
        m = v >= 0
        pos = kvec + plsc.cumsum(m.astype(jnp.int32)) - 1
        plsc.store_scatter(pbuf, [pos], v, mask=m)
        cells = (lo + i * 16) + io
        plsc.store_scatter(cellbuf, [pos], cells, mask=m)
        return kvec + plsc.all_reduce_population_count(m)

    kvec = lax.fori_loop(0, NVR, comp_body, jnp.zeros((16,), jnp.int32))
    k = jnp.max(kvec)

    pltpu.sync_copy(idxmap, w.at[pl.ds(lo, CELLS_W)])

    @pl.when(k > 0)
    def _scatter_rows():
        klast = jnp.full((16,), k - 1, jnp.int32)
        lastp = plsc.load_gather(pbuf, [klast])
        lastc = plsc.load_gather(cellbuf, [klast])
        for u in range(RB // 16):
            dest = k + (u * 16 + io)
            plsc.store_scatter(pbuf, [dest], lastp)
            plsc.store_scatter(cellbuf, [dest], lastc)
        nblk = (k + (RB - 1)) >> 7

        def blk_body(blk, carry):
            o = blk * RB
            for u in range(RB // 16):
                src = o + (u * 16 + io)
                pidx2[0, pl.ds(u * 16, 16)] = plsc.load_gather(pbuf, [src])
                cidx2[0, pl.ds(u * 16, 16)] = plsc.load_gather(cellbuf, [src])
            pltpu.async_copy(pfc.at[pidx2.at[0]], rowb, sem_g).wait()
            pltpu.async_copy(rowb, g.at[cidx2.at[0]], sem_s).wait()
            return carry

        lax.fori_loop(0, nblk, blk_body, 0)


def _build_sc(interpret=False):
    return pl.kernel(
        _sc_body,
        out_type=(
            jax.ShapeDtypeStruct((TOT, CW), jnp.float32),
            jax.ShapeDtypeStruct((TOT,), jnp.int32),
        ),
        mesh=_mesh,
        compiler_params=pltpu.CompilerParams(needs_layout_passes=False),
        interpret=interpret,
        scratch_types=[
            pltpu.VMEM((CELLS_W,), jnp.int32),
            pltpu.VMEM((3, CH), jnp.int32),
            pltpu.VMEM((3, CH), jnp.int32),
            pltpu.VMEM((PBUF,), jnp.int32),
            pltpu.VMEM((PBUF,), jnp.int32),
            pltpu.VMEM((1, RB), jnp.int32),
            pltpu.VMEM((1, RB), jnp.int32),
            pltpu.VMEM((RB, CW), jnp.float32),
            pltpu.VMEM((16,), jnp.int32),
            pltpu.SemaphoreType.DMA,
            pltpu.SemaphoreType.DMA,
            pltpu.SemaphoreType.DMA,
        ],
    )


_sc_scatter = _build_sc()


def _tr_body(g_ref, w_ref, o64_ref, o4_ref):
    for yy in range(YB):
        t = g_ref[pl.ds(yy * NX, NX), :]
        m = (w_ref[yy, :] >= 0)[None, :]
        o64_ref[0, :, yy, :] = jnp.where(m, jnp.transpose(t[:, :C], (1, 0)), 0.0)
        o4_ref[0, :, yy, :] = jnp.where(
            m, jnp.transpose(t[:, C:C + C_ADD], (1, 0)), 0.0)


def _build_tr(interpret=False):
    return pl.pallas_call(
        _tr_body,
        grid=(GRID_T,),
        in_specs=[
            pl.BlockSpec((YB * NX, CW), lambda i: (i, 0)),
            pl.BlockSpec((YB, NX), lambda i: (i, 0)),
        ],
        out_specs=[
            pl.BlockSpec((1, C, YB, NX), lambda i: (i // YBLKS, 0, i % YBLKS, 0)),
            pl.BlockSpec((1, C_ADD, YB, NX),
                         lambda i: (i // YBLKS, 0, i % YBLKS, 0)),
        ],
        out_shape=[
            jax.ShapeDtypeStruct((B, C, NY, NX), jnp.float32),
            jax.ShapeDtypeStruct((B, C_ADD, NY, NX), jnp.float32),
        ],
        interpret=interpret,
    )


_transpose = _build_tr()


def kernel(pillar_features, add_features_to_map, voxel_coords):
    coords3 = voxel_coords[:, jnp.array([0, 2, 3])].T.astype(jnp.int32)
    pfc = jnp.pad(
        jnp.concatenate([pillar_features, add_features_to_map], axis=1),
        ((0, 0), (0, CW - C - C_ADD)))
    g, w = _sc_scatter(pfc, coords3)
    o64, o4 = _transpose(g, w.reshape(B * NY, NX))
    return o64, o4

# --- scband reference (transcript-rebuilt; emitter-appended) ---
"""Pipeline reference for scband-point-pillar-scatter-addfeatures-34059090657826 (READ-ONLY COPY).

The authoritative reference and input builder live on the scoring server;
editing this copy changes nothing except your own understanding.
"""

import jax, jax.numpy as jnp
import numpy as np

NX, NY, NZ = 432, 496, 1
B = 2
P = 32000
C = 64
C_ADD = 3

def setup_inputs(seed: int = 0) -> dict:
    key = jax.random.key(seed)
    k1, k2, k3, k4 = jax.random.split(key, 4)
    pillar_features = jax.random.normal(k1, (P, C), dtype=jnp.float32)
    add_features_to_map = jax.random.normal(k2, (P, C_ADD), dtype=jnp.float32)
    # coords layout: [batch_idx, z, y, x]; guarantee every batch index 0..B-1 appears
    bidx = jnp.repeat(jnp.arange(B, dtype=jnp.int32), P // B)
    z = jnp.zeros((P,), dtype=jnp.int32)
    y = jax.random.randint(k3, (P,), 0, NY, dtype=jnp.int32)
    x = jax.random.randint(k4, (P,), 0, NX, dtype=jnp.int32)
    voxel_coords = jnp.stack([bidx, z, y, x], axis=1)
    return {
        'pillar_features': pillar_features,
        'add_features_to_map': add_features_to_map,
        'voxel_coords': voxel_coords,
    }

def reference(pillar_features, add_features_to_map, voxel_coords):
    # Faithful vectorized form of the per-batch scatter-overwrite loop.
    # per-pillar linear index within a frame: z + y*nx + x  (nz == 1)
    inner = (voxel_coords[:, 1] + voxel_coords[:, 2] * NX + voxel_coords[:, 3]).astype(jnp.int32)
    flat = voxel_coords[:, 0].astype(jnp.int32) * (NZ * NY * NX) + inner
    canvas = jnp.zeros((B * NZ * NY * NX, C), dtype=pillar_features.dtype)
    canvas = canvas.at[flat].set(pillar_features)
    spatial_features = canvas.reshape(B, NY, NX, C).transpose(0, 3, 1, 2)
    spatial_features = spatial_features.reshape(B, C * NZ, NY, NX)
    canvas_add = jnp.zeros((B * NZ * NY * NX, C_ADD), dtype=add_features_to_map.dtype)
    canvas_add = canvas_add.at[flat].set(add_features_to_map)
    add_features = canvas_add.reshape(B, NY, NX, C_ADD).transpose(0, 3, 1, 2)
    add_features = add_features.reshape(B, C_ADD * NZ, NY, NX)
    return spatial_features, add_features

if __name__ == "__main__":
    import jax
    _d = setup_inputs()
    print(jax.jit(kernel)(*tuple(_d.values())))

</pallas_src>

<mosaic_0001>
#map = affine_map<(d0, d1) -> (0, 0)>
#map1 = affine_map<(d0, d1) -> (0)>
module attributes {stable_mosaic.version = 14 : i64} {
  func.func @_sc_body(%arg0: i32, %arg1: i32, %arg2: memref<32000x128xf32, #tpu.memory_space<hbm>>, %arg3: memref<3x32000xi32, #tpu.memory_space<hbm>>, %arg4: memref<428544x128xf32, #tpu.memory_space<hbm>>, %arg5: memref<428544xi32, #tpu.memory_space<hbm>>, %arg6: memref<13392xi32, #tpu.memory_space<vmem>>, %arg7: memref<3x6400xi32, #tpu.memory_space<vmem>>, %arg8: memref<3x6400xi32, #tpu.memory_space<vmem>>, %arg9: memref<13520xi32, #tpu.memory_space<vmem>>, %arg10: memref<13520xi32, #tpu.memory_space<vmem>>, %arg11: memref<1x128xi32, #tpu.memory_space<vmem>>, %arg12: memref<1x128xi32, #tpu.memory_space<vmem>>, %arg13: memref<128x128xf32, #tpu.memory_space<vmem>>, %arg14: memref<16xi32, #tpu.memory_space<vmem>>, %arg15: memref<!tpu.dma_semaphore, #tpu.memory_space<semaphore_mem>>, %arg16: memref<!tpu.dma_semaphore, #tpu.memory_space<semaphore_mem>>, %arg17: memref<!tpu.dma_semaphore, #tpu.memory_space<semaphore_mem>>) attributes {dimension_semantics = [#tpu.dimension_semantics<core_parallel>, #tpu.dimension_semantics<subcore_parallel>], iteration_bounds = array<i64: 2, 16>, scalar_prefetch = 0 : i64, scratch_operands = 12 : i64, tpu.core_type = #tpu.core_type<sc_vector_subcore>, window_params = [{transform_indices = #map}, {transform_indices = #map}, {transform_indices = #map}, {transform_indices = #map1}]} {
    %mul3A = arith.constant 16 : i32
    %mul3A_0 = arith.muli %arg0, %mul3A : i32
    %add3A = arith.addi %mul3A_0, %arg1 : i32
    %mul3A_1 = arith.constant 13392 : i32
    %mul3A_2 = arith.muli %add3A, %mul3A_1 : i32
    %iota3A = tpu.iota {dimensions = array<i32: 0>} : vector<16xi32>
    %add3A_3 = arith.constant 1 : i32
    %add3A_4 = vector.broadcast %add3A_3 : i32 to vector<16xi32>
    %add3A_5 = arith.addi %iota3A, %add3A_4 : vector<16xi32>
    %min3A = arith.constant 15 : i32
    %min3A_6 = vector.broadcast %min3A : i32 to vector<16xi32>
    %min3A_7 = arith.minsi %add3A_5, %min3A_6 : vector<16xi32>
    %broadcast_in_dim3A = arith.constant -1 : i32
    %broadcast_in_dim3A_8 = vector.broadcast %broadcast_in_dim3A : i32 to vector<16xi32>
    %scan3A = arith.constant 0 : i32
    %scan3A_9 = arith.constant 0 : i32
    %scan3A_10 = arith.constant 837 : i32
    %scan3A_11 = arith.addi %scan3A_9, %scan3A_10 : i32
    %scan3A_12 = arith.constant 1 : i32
    scf.for %scan3A_119 = %scan3A_9 to %scan3A_11 step %scan3A_12  : i32 {
      %mul3A_120 = arith.constant 16 : i32
      %mul3A_121 = arith.muli %scan3A_119, %mul3A_120 : i32
      %swap3A = arith.index_cast %mul3A_121 : i32 to index
      %swap3A_122 = tpu.vector_load %arg6[%swap3A] {strides = array<i32>} : memref<13392xi32, #tpu.memory_space<vmem>>, vector<16xi32>,
      tpu.vector_store %arg6[%swap3A], %broadcast_in_dim3A_8 {strides = array<i32>} : memref<13392xi32, #tpu.memory_space<vmem>>, vector<16xi32>,
    }
    %scan3A_13 = arith.constant 837 : i32
    %dma_start3A = arith.constant 0 : i32
    %dma_start3A_14 = arith.constant 0 : i32
    %dma_start3A_15 = tpu.memref_slice %arg3[%dma_start3A, %dma_start3A_14] : memref<3x32000xi32, #tpu.memory_space<hbm>> -> memref<3x6400xi32, #tpu.memory_space<hbm>>
    %dma_start3A_16 = arith.constant 0 : i32
    %dma_start3A_17 = arith.constant 0 : i32
    %dma_start3A_18 = tpu.memref_slice %arg3[%dma_start3A_16, %dma_start3A_17] : memref<3x32000xi32, #tpu.memory_space<hbm>> -> memref<3x6400xi32, #tpu.memory_space<hbm>>
    tpu.enqueue_dma source(%dma_start3A_18 : memref<3x6400xi32, #tpu.memory_space<hbm>>) target(%arg7 : memref<3x6400xi32, #tpu.memory_space<vmem>>) target_semaphore(%arg15 : memref<!tpu.dma_semaphore, #tpu.memory_space<semaphore_mem>>)
    %dma_wait3A = arith.constant 0 : i32
    %dma_wait3A_19 = arith.constant 0 : i32
    %dma_wait3A_20 = tpu.memref_slice %arg3[%dma_wait3A, %dma_wait3A_19] : memref<3x32000xi32, #tpu.memory_space<hbm>> -> memref<3x6400xi32, #tpu.memory_space<hbm>>
    %dma_wait3A_21 = arith.constant 0 : i32
    %dma_wait3A_22 = arith.constant 0 : i32
    %dma_wait3A_23 = tpu.memref_slice %arg3[%dma_wait3A_21, %dma_wait3A_22] : memref<3x32000xi32, #tpu.memory_space<hbm>> -> memref<3x6400xi32, #tpu.memory_space<hbm>>
    tpu.wait_dma2 semaphore(%arg15 : memref<!tpu.dma_semaphore, #tpu.memory_space<semaphore_mem>>) src(%dma_wait3A_23 : memref<3x6400xi32, #tpu.memory_space<hbm>>) dst(%arg7 : memref<3x6400xi32, #tpu.memory_space<vmem>>)
    %dma_start3A_24 = arith.constant 0 : i32
    %dma_start3A_25 = arith.constant 6400 : i32
    %dma_start3A_26 = tpu.memref_slice %arg3[%dma_start3A_24, %dma_start3A_25] : memref<3x32000xi32, #tpu.memory_space<hbm>> -> memref<3x6400xi32, #tpu.memory_space<hbm>>
    %dma_start3A_27 = arith.constant 0 : i32
    %dma_start3A_28 = arith.constant 6400 : i32
    %dma_start3A_29 = tpu.memref_slice %arg3[%dma_start3A_27, %dma_start3A_28] : memref<3x32000xi32, #tpu.memory_space<hbm>> -> memref<3x6400xi32, #tpu.memory_space<hbm>>
    tpu.enqueue_dma source(%dma_start3A_29 : memref<3x6400xi32, #tpu.memory_space<hbm>>) target(%arg8 : memref<3x6400xi32, #tpu.memory_space<vmem>>) target_semaphore(%arg15 : memref<!tpu.dma_semaphore, #tpu.memory_space<semaphore_mem>>)
    %scan3A_30 = arith.constant 0 : i32
    %scan3A_31 = arith.constant 0 : i32
    %scan3A_32 = arith.constant 400 : i32
    %scan3A_33 = arith.addi %scan3A_31, %scan3A_32 : i32
    %scan3A_34 = arith.constant 1 : i32
    scf.for %scan3A_119 = %scan3A_31 to %scan3A_33 step %scan3A_34  : i32 {
      %mul3A_120 = arith.constant 16 : i32
      %mul3A_121 = arith.muli %scan3A_119, %mul3A_120 : i32
      %get3A = arith.constant 0 : i32
      %get3A_122 = arith.index_cast %get3A : i32 to index
      %get3A_123 = arith.index_cast %mul3A_121 : i32 to index
      %get3A_124 = tpu.vector_load %arg7[%get3A_122, %get3A_123] {strides = array<i32>} : memref<3x6400xi32, #tpu.memory_space<vmem>>, vector<16xi32>,
      %mul3A_125 = arith.constant 16 : i32
      %mul3A_126 = arith.muli %scan3A_119, %mul3A_125 : i32
      %get3A_127 = arith.constant 1 : i32
      %get3A_128 = arith.index_cast %get3A_127 : i32 to index
      %get3A_129 = arith.index_cast %mul3A_126 : i32 to index
      %get3A_130 = tpu.vector_load %arg7[%get3A_128, %get3A_129] {strides = array<i32>} : memref<3x6400xi32, #tpu.memory_space<vmem>>, vector<16xi32>,
      %mul3A_131 = arith.constant 16 : i32
      %mul3A_132 = arith.muli %scan3A_119, %mul3A_131 : i32
      %get3A_133 = arith.constant 2 : i32
      %get3A_134 = arith.index_cast %get3A_133 : i32 to index
      %get3A_135 = arith.index_cast %mul3A_132 : i32 to index
      %get3A_136 = tpu.vector_load %arg7[%get3A_134, %get3A_135] {strides = array<i32>} : memref<3x6400xi32, #tpu.memory_space<vmem>>, vector<16xi32>,
      %mul3A_137 = arith.constant 214272 : i32
      %mul3A_138 = vector.broadcast %mul3A_137 : i32 to vector<16xi32>
      %mul3A_139 = arith.muli %get3A_124, %mul3A_138 : vector<16xi32>
      %mul3A_140 = arith.constant 432 : i32
      %mul3A_141 = vector.broadcast %mul3A_140 : i32 to vector<16xi32>
      %mul3A_142 = arith.muli %get3A_130, %mul3A_141 : vector<16xi32>
      %add3A_143 = arith.addi %mul3A_139, %mul3A_142 : vector<16xi32>
      %add3A_144 = arith.addi %add3A_143, %get3A_136 : vector<16xi32>
      %sub3A = vector.broadcast %mul3A_2 : i32 to vector<16xi32>
      %sub3A_145 = arith.subi %add3A_144, %sub3A : vector<16xi32>
      %ge3A = arith.constant 0 : i32
      %ge3A_146 = vector.broadcast %ge3A : i32 to vector<16xi32>
      %ge3A_147 = arith.cmpi sge, %sub3A_145, %ge3A_146 : vector<16xi32>
      %lt3A = arith.constant 13392 : i32
      %lt3A_148 = vector.broadcast %lt3A : i32 to vector<16xi32>
      %lt3A_149 = arith.cmpi slt, %sub3A_145, %lt3A_148 : vector<16xi32>
      %and3A = arith.andi %ge3A_147, %lt3A_149 : vector<16xi1>
      %mul3A_150 = arith.constant 16 : i32
      %mul3A_151 = arith.muli %scan3A_119, %mul3A_150 : i32
      %add3A_152 = arith.constant 0 : i32
      %add3A_153 = arith.addi %add3A_152, %mul3A_151 : i32
      %add3A_154 = vector.broadcast %add3A_153 : i32 to vector<16xi32>
      %add3A_155 = arith.addi %add3A_154, %iota3A : vector<16xi32>
      %shift_left3A = arith.constant 15 : i32
      %shift_left3A_156 = vector.broadcast %shift_left3A : i32 to vector<16xi32>
      %shift_left3A_157 = arith.shli %sub3A_145, %shift_left3A_156 : vector<16xi32>
      %or3A = arith.ori %shift_left3A_157, %add3A_155 : vector<16xi32>
      %jit3A = arith.constant 2147483647 : i32
      %broadcast_in_dim3A_158 = vector.broadcast %jit3A : i32 to vector<16xi32>
      %select_n3A = arith.select %and3A, %or3A, %broadcast_in_dim3A_158 : vector<16xi1>, vector<16xi32>
      %masked_sort3A = arith.constant dense<true> : vector<16xi1>
      %masked_sort3A_159 = arith.constant -2147483648 : i32
      %masked_sort3A_160 = vector.broadcast %masked_sort3A_159 : i32 to vector<16xi32>
      %masked_sort3A_161 = arith.xori %select_n3A, %masked_sort3A_160 : vector<16xi32>
      %masked_sort3A_162, %masked_sort3A_163, %masked_sort3A_164 = tpu.sort %masked_sort3A_161, %select_n3A masked %masked_sort3A : (vector<16xi32>, vector<16xi32>, vector<16xi1>) -> (vector<16xi1>, vector<16xi32>, vector<16xi32>)
      %masked_sort3A_165 = arith.xori %masked_sort3A_163, %masked_sort3A_160 : vector<16xi32>
      %swap3A = arith.constant 0 : index
      %swap3A_166 = tpu.vector_load %arg14[%swap3A] {strides = array<i32>} : memref<16xi32, #tpu.memory_space<vmem>>, vector<16xi32>,
      tpu.vector_store %arg14[%swap3A], %masked_sort3A_165 {strides = array<i32>} : memref<16xi32, #tpu.memory_space<vmem>>, vector<16xi32>,
      %gather3A = tpu.vector_load_idx %arg14[%min3A_7] : memref<16xi32, #tpu.memory_space<vmem>>[vector<16xi32>], vector<16xi32>,
      %ne3A = arith.constant 2147483647 : i32
      %ne3A_167 = vector.broadcast %ne3A : i32 to vector<16xi32>
      %ne3A_168 = arith.cmpi ne, %masked_sort3A_165, %ne3A_167 : vector<16xi32>
      %shift_right_arithmetic3A = arith.constant 15 : i32
      %shift_right_arithmetic3A_169 = vector.broadcast %shift_right_arithmetic3A : i32 to vector<16xi32>
      %shift_right_arithmetic3A_170 = arith.shrsi %masked_sort3A_165, %shift_right_arithmetic3A_169 : vector<16xi32>
      %shift_right_arithmetic3A_171 = arith.constant 15 : i32
      %shift_right_arithmetic3A_172 = vector.broadcast %shift_right_arithmetic3A_171 : i32 to vector<16xi32>
      %shift_right_arithmetic3A_173 = arith.shrsi %gather3A, %shift_right_arithmetic3A_172 : vector<16xi32>
      %ne3A_174 = arith.cmpi ne, %shift_right_arithmetic3A_170, %shift_right_arithmetic3A_173 : vector<16xi32>
      %eq3A = arith.constant 15 : i32
      %eq3A_175 = vector.broadcast %eq3A : i32 to vector<16xi32>
      %eq3A_176 = arith.cmpi eq, %iota3A, %eq3A_175 : vector<16xi32>
      %or3A_177 = arith.ori %ne3A_174, %eq3A_176 : vector<16xi1>
      %and3A_178 = arith.andi %ne3A_168, %or3A_177 : vector<16xi1>
      %shift_right_arithmetic3A_179 = arith.constant 15 : i32
      %shift_right_arithmetic3A_180 = vector.broadcast %shift_right_arithmetic3A_179 : i32 to vector<16xi32>
      %shift_right_arithmetic3A_181 = arith.shrsi %masked_sort3A_165, %shift_right_arithmetic3A_180 : vector<16xi32>
      %jit3A_182 = arith.constant 0 : i32
      %broadcast_in_dim3A_183 = vector.broadcast %jit3A_182 : i32 to vector<16xi32>
      %select_n3A_184 = arith.select %and3A_178, %shift_right_arithmetic3A_181, %broadcast_in_dim3A_183 : vector<16xi1>, vector<16xi32>
      %and3A_185 = arith.constant 32767 : i32
      %and3A_186 = vector.broadcast %and3A_185 : i32 to vector<16xi32>
      %and3A_187 = arith.andi %masked_sort3A_165, %and3A_186 : vector<16xi32>
      tpu.vector_store_idx %arg6[%select_n3A_184], %and3A_187 masked %and3A_178 : memref<13392xi32, #tpu.memory_space<vmem>>[vector<16xi32>], vector<16xi32>, vector<16xi1>
    }
    %scan3A_35 = arith.constant 400 : i32
    %dma_wait3A_36 = arith.constant 0 : i32
    %dma_wait3A_37 = arith.constant 6400 : i32
    %dma_wait3A_38 = tpu.memref_slice %arg3[%dma_wait3A_36, %dma_wait3A_37] : memref<3x32000xi32, #tpu.memory_space<hbm>> -> memref<3x6400xi32, #tpu.memory_space<hbm>>
    %dma_wait3A_39 = arith.constant 0 : i32
    %dma_wait3A_40 = arith.constant 6400 : i32
    %dma_wait3A_41 = tpu.memref_slice %arg3[%dma_wait3A_39, %dma_wait3A_40] : memref<3x32000xi32, #tpu.memory_space<hbm>> -> memref<3x6400xi32, #tpu.memory_space<hbm>>
    tpu.wait_dma2 semaphore(%arg15 : memref<!tpu.dma_semaphore, #tpu.memory_space<semaphore_mem>>) src(%dma_wait3A_41 : memref<3x6400xi32, #tpu.memory_space<hbm>>) dst(%arg8 : memref<3x6400xi32, #tpu.memory_space<vmem>>)
    %dma_start3A_42 = arith.constant 0 : i32
    %dma_start3A_43 = arith.constant 12800 : i32
    %dma_start3A_44 = tpu.memref_slice %arg3[%dma_start3A_42, %dma_start3A_43] : memref<3x32000xi32, #tpu.memory_space<hbm>> -> memref<3x6400xi32, #tpu.memory_space<hbm>>
    %dma_start3A_45 = arith.constant 0 : i32
    %dma_start3A_46 = arith.constant 12800 : i32
    %dma_start3A_47 = tpu.memref_slice %arg3[%dma_start3A_45, %dma_start3A_46] : memref<3x32000xi32, #tpu.memory_space<hbm>> -> memref<3x6400xi32, #tpu.memory_space<hbm>>
    tpu.enqueue_dma source(%dma_start3A_47 : memref<3x6400xi32, #tpu.memory_space<hbm>>) target(%arg7 : memref<3x6400xi32, #tpu.memory_space<vmem>>) target_semaphore(%arg15 : memref<!tpu.dma_semaphore, #tpu.memory_space<semaphore_mem>>)
    %scan3A_48 = arith.constant 0 : i32
    %scan3A_49 = arith.constant 0 : i32
    %scan3A_50 = arith.constant 400 : i32
    %scan3A_51 = arith.addi %scan3A_49, %scan3A_50 : i32
    %scan3A_52 = arith.constant 1 : i32
    scf.for %scan3A_119 = %scan3A_49 to %scan3A_51 step %scan3A_52  : i32 {
      %mul3A_120 = arith.constant 16 : i32
      %mul3A_121 = arith.muli %scan3A_119, %mul3A_120 : i32
      %get3A = arith.constant 0 : i32
      %get3A_122 = arith.index_cast %get3A : i32 to index
      %get3A_123 = arith.index_cast %mul3A_121 : i32 to index
      %get3A_124 = tpu.vector_load %arg8[%get3A_122, %get3A_123] {strides = array<i32>} : memref<3x6400xi32, #tpu.memory_space<vmem>>, vector<16xi32>,
      %mul3A_125 = arith.constant 16 : i32
      %mul3A_126 = arith.muli %scan3A_119, %mul3A_125 : i32
      %get3A_127 = arith.constant 1 : i32
      %get3A_128 = arith.index_cast %get3A_127 : i32 to index
      %get3A_129 = arith.index_cast %mul3A_126 : i32 to index
      %get3A_130 = tpu.vector_load %arg8[%get3A_128, %get3A_129] {strides = array<i32>} : memref<3x6400xi32, #tpu.memory_space<vmem>>, vector<16xi32>,
      %mul3A_131 = arith.constant 16 : i32
      %mul3A_132 = arith.muli %scan3A_119, %mul3A_131 : i32
      %get3A_133 = arith.constant 2 : i32
      %get3A_134 = arith.index_cast %get3A_133 : i32 to index
      %get3A_135 = arith.index_cast %mul3A_132 : i32 to index
      %get3A_136 = tpu.vector_load %arg8[%get3A_134, %get3A_135] {strides = array<i32>} : memref<3x6400xi32, #tpu.memory_space<vmem>>, vector<16xi32>,
      %mul3A_137 = arith.constant 214272 : i32
      %mul3A_138 = vector.broadcast %mul3A_137 : i32 to vector<16xi32>
      %mul3A_139 = arith.muli %get3A_124, %mul3A_138 : vector<16xi32>
      %mul3A_140 = arith.constant 432 : i32
      %mul3A_141 = vector.broadcast %mul3A_140 : i32 to vector<16xi32>
      %mul3A_142 = arith.muli %get3A_130, %mul3A_141 : vector<16xi32>
      %add3A_143 = arith.addi %mul3A_139, %mul3A_142 : vector<16xi32>
      %add3A_144 = arith.addi %add3A_143, %get3A_136 : vector<16xi32>
      %sub3A = vector.broadcast %mul3A_2 : i32 to vector<16xi32>
      %sub3A_145 = arith.subi %add3A_144, %sub3A : vector<16xi32>
      %ge3A = arith.constant 0 : i32
      %ge3A_146 = vector.broadcast %ge3A : i32 to vector<16xi32>
      %ge3A_147 = arith.cmpi sge, %sub3A_145, %ge3A_146 : vector<16xi32>
      %lt3A = arith.constant 13392 : i32
      %lt3A_148 = vector.broadcast %lt3A : i32 to vector<16xi32>
      %lt3A_149 = arith.cmpi slt, %sub3A_145, %lt3A_148 : vector<16xi32>
      %and3A = arith.andi %ge3A_147, %lt3A_149 : vector<16xi1>
      %mul3A_150 = arith.constant 16 : i32
      %mul3A_151 = arith.muli %scan3A_119, %mul3A_150 : i32
      %add3A_152 = arith.constant 6400 : i32
      %add3A_153 = arith.addi %add3A_152, %mul3A_151 : i32
      %add3A_154 = vector.broadcast %add3A_153 : i32 to vector<16xi32>
      %add3A_155 = arith.addi %add3A_154, %iota3A : vector<16xi32>
      %shift_left3A = arith.constant 15 : i32
      %shift_left3A_156 = vector.broadcast %shift_left3A : i32 to vector<16xi32>
      %shift_left3A_157 = arith.shli %sub3A_145, %shift_left3A_156 : vector<16xi32>
      %or3A = arith.ori %shift_left3A_157, %add3A_155 : vector<16xi32>
      %jit3A = arith.constant 2147483647 : i32
      %broadcast_in_dim3A_158 = vector.broadcast %jit3A : i32 to vector<16xi32>
      %select_n3A = arith.select %and3A, %or3A, %broadcast_in_dim3A_158 : vector<16xi1>, vector<16xi32>
      %masked_sort3A = arith.constant dense<true> : vector<16xi1>
      %masked_sort3A_159 = arith.constant -2147483648 : i32
      %masked_sort3A_160 = vector.broadcast %masked_sort3A_159 : i32 to vector<16xi32>
      %masked_sort3A_161 = arith.xori %select_n3A, %masked_sort3A_160 : vector<16xi32>
      %masked_sort3A_162, %masked_sort3A_163, %masked_sort3A_164 = tpu.sort %masked_sort3A_161, %select_n3A masked %masked_sort3A : (vector<16xi32>, vector<16xi32>, vector<16xi1>) -> (vector<16xi1>, vector<16xi32>, vector<16xi32>)
      %masked_sort3A_165 = arith.xori %masked_sort3A_163, %masked_sort3A_160 : vector<16xi32>
      %swap3A = arith.constant 0 : index
      %swap3A_166 = tpu.vector_load %arg14[%swap3A] {strides = array<i32>} : memref<16xi32, #tpu.memory_space<vmem>>, vector<16xi32>,
      tpu.vector_store %arg14[%swap3A], %masked_sort3A_165 {strides = array<i32>} : memref<16xi32, #tpu.memory_space<vmem>>, vector<16xi32>,
      %gather3A = tpu.vector_load_idx %arg14[%min3A_7] : memref<16xi32, #tpu.memory_space<vmem>>[vector<16xi32>], vector<16xi32>,
      %ne3A = arith.constant 2147483647 : i32
      %ne3A_167 = vector.broadcast %ne3A : i32 to vector<16xi32>
      %ne3A_168 = arith.cmpi ne, %masked_sort3A_165, %ne3A_167 : vector<16xi32>
      %shift_right_arithmetic3A = arith.constant 15 : i32
      %shift_right_arithmetic3A_169 = vector.broadcast %shift_right_arithmetic3A : i32 to vector<16xi32>
      %shift_right_arithmetic3A_170 = arith.shrsi %masked_sort3A_165, %shift_right_arithmetic3A_169 : vector<16xi32>
      %shift_right_arithmetic3A_171 = arith.constant 15 : i32
      %shift_right_arithmetic3A_172 = vector.broadcast %shift_right_arithmetic3A_171 : i32 to vector<16xi32>
      %shift_right_arithmetic3A_173 = arith.shrsi %gather3A, %shift_right_arithmetic3A_172 : vector<16xi32>
      %ne3A_174 = arith.cmpi ne, %shift_right_arithmetic3A_170, %shift_right_arithmetic3A_173 : vector<16xi32>
      %eq3A = arith.constant 15 : i32
      %eq3A_175 = vector.broadcast %eq3A : i32 to vector<16xi32>
      %eq3A_176 = arith.cmpi eq, %iota3A, %eq3A_175 : vector<16xi32>
      %or3A_177 = arith.ori %ne3A_174, %eq3A_176 : vector<16xi1>
      %and3A_178 = arith.andi %ne3A_168, %or3A_177 : vector<16xi1>
      %shift_right_arithmetic3A_179 = arith.constant 15 : i32
      %shift_right_arithmetic3A_180 = vector.broadcast %shift_right_arithmetic3A_179 : i32 to vector<16xi32>
      %shift_right_arithmetic3A_181 = arith.shrsi %masked_sort3A_165, %shift_right_arithmetic3A_180 : vector<16xi32>
      %jit3A_182 = arith.constant 0 : i32
      %broadcast_in_dim3A_183 = vector.broadcast %jit3A_182 : i32 to vector<16xi32>
      %select_n3A_184 = arith.select %and3A_178, %shift_right_arithmetic3A_181, %broadcast_in_dim3A_183 : vector<16xi1>, vector<16xi32>
      %and3A_185 = arith.constant 32767 : i32
      %and3A_186 = vector.broadcast %and3A_185 : i32 to vector<16xi32>
      %and3A_187 = arith.andi %masked_sort3A_165, %and3A_186 : vector<16xi32>
      tpu.vector_store_idx %arg6[%select_n3A_184], %and3A_187 masked %and3A_178 : memref<13392xi32, #tpu.memory_space<vmem>>[vector<16xi32>], vector<16xi32>, vector<16xi1>
    }
    %scan3A_53 = arith.constant 400 : i32
    %dma_wait3A_54 = arith.constant 0 : i32
    %dma_wait3A_55 = arith.constant 12800 : i32
    %dma_wait3A_56 = tpu.memref_slice %arg3[%dma_wait3A_54, %dma_wait3A_55] : memref<3x32000xi32, #tpu.memory_space<hbm>> -> memref<3x6400xi32, #tpu.memory_space<hbm>>
    %dma_wait3A_57 = arith.constant 0 : i32
    %dma_wait3A_58 = arith.constant 12800 : i32
    %dma_wait3A_59 = tpu.memref_slice %arg3[%dma_wait3A_57, %dma_wait3A_58] : memref<3x32000xi32, #tpu.memory_space<hbm>> -> memref<3x6400xi32, #tpu.memory_space<hbm>>
    tpu.wait_dma2 semaphore(%arg15 : memref<!tpu.dma_semaphore, #tpu.memory_space<semaphore_mem>>) src(%dma_wait3A_59 : memref<3x6400xi32, #tpu.memory_space<hbm>>) dst(%arg7 : memref<3x6400xi32, #tpu.memory_space<vmem>>)
    %dma_start3A_60 = arith.constant 0 : i32
    %dma_start3A_61 = arith.constant 19200 : i32
    %dma_start3A_62 = tpu.memref_slice %arg3[%dma_start3A_60, %dma_start3A_61] : memref<3x32000xi32, #tpu.memory_space<hbm>> -> memref<3x6400xi32, #tpu.memory_space<hbm>>
    %dma_start3A_63 = arith.constant 0 : i32
    %dma_start3A_64 = arith.constant 19200 : i32
    %dma_start3A_65 = tpu.memref_slice %arg3[%dma_start3A_63, %dma_start3A_64] : memref<3x32000xi32, #tpu.memory_space<hbm>> -> memref<3x6400xi32, #tpu.memory_space<hbm>>
    tpu.enqueue_dma source(%dma_start3A_65 : memref<3x6400xi32, #tpu.memory_space<hbm>>) target(%arg8 : memref<3x6400xi32, #tpu.memory_space<vmem>>) target_semaphore(%arg15 : memref<!tpu.dma_semaphore, #tpu.memory_space<semaphore_mem>>)
    %scan3A_66 = arith.constant 0 : i32
    %scan3A_67 = arith.constant 0 : i32
    %scan3A_68 = arith.constant 400 : i32
    %scan3A_69 = arith.addi %scan3A_67, %scan3A_68 : i32
    %scan3A_70 = arith.constant 1 : i32
    scf.for %scan3A_119 = %scan3A_67 to %scan3A_69 step %scan3A_70  : i32 {
      %mul3A_120 = arith.constant 16 : i32
      %mul3A_121 = arith.muli %scan3A_119, %mul3A_120 : i32
      %get3A = arith.constant 0 : i32
      %get3A_122 = arith.index_cast %get3A : i32 to index
      %get3A_123 = arith.index_cast %mul3A_121 : i32 to index
      %get3A_124 = tpu.vector_load %arg7[%get3A_122, %get3A_123] {strides = array<i32>} : memref<3x6400xi32, #tpu.memory_space<vmem>>, vector<16xi32>,
      %mul3A_125 = arith.constant 16 : i32
      %mul3A_126 = arith.muli %scan3A_119, %mul3A_125 : i32
      %get3A_127 = arith.constant 1 : i32
      %get3A_128 = arith.index_cast %get3A_127 : i32 to index
      %get3A_129 = arith.index_cast %mul3A_126 : i32 to index
      %get3A_130 = tpu.vector_load %arg7[%get3A_128, %get3A_129] {strides = array<i32>} : memref<3x6400xi32, #tpu.memory_space<vmem>>, vector<16xi32>,
      %mul3A_131 = arith.constant 16 : i32
      %mul3A_132 = arith.muli %scan3A_119, %mul3A_131 : i32
      %get3A_133 = arith.constant 2 : i32
      %get3A_134 = arith.index_cast %get3A_133 : i32 to index
      %get3A_135 = arith.index_cast %mul3A_132 : i32 to index
      %get3A_136 = tpu.vector_load %arg7[%get3A_134, %get3A_135] {strides = array<i32>} : memref<3x6400xi32, #tpu.memory_space<vmem>>, vector<16xi32>,
      %mul3A_137 = arith.constant 214272 : i32
      %mul3A_138 = vector.broadcast %mul3A_137 : i32 to vector<16xi32>
      %mul3A_139 = arith.muli %get3A_124, %mul3A_138 : vector<16xi32>
      %mul3A_140 = arith.constant 432 : i32
      %mul3A_141 = vector.broadcast %mul3A_140 : i32 to vector<16xi32>
      %mul3A_142 = arith.muli %get3A_130, %mul3A_141 : vector<16xi32>
      %add3A_143 = arith.addi %mul3A_139, %mul3A_142 : vector<16xi32>
      %add3A_144 = arith.addi %add3A_143, %get3A_136 : vector<16xi32>
      %sub3A = vector.broadcast %mul3A_2 : i32 to vector<16xi32>
      %sub3A_145 = arith.subi %add3A_144, %sub3A : vector<16xi32>
      %ge3A = arith.constant 0 : i32
      %ge3A_146 = vector.broadcast %ge3A : i32 to vector<16xi32>
      %ge3A_147 = arith.cmpi sge, %sub3A_145, %ge3A_146 : vector<16xi32>
      %lt3A = arith.constant 13392 : i32
      %lt3A_148 = vector.broadcast %lt3A : i32 to vector<16xi32>
      %lt3A_149 = arith.cmpi slt, %sub3A_145, %lt3A_148 : vector<16xi32>
      %and3A = arith.andi %ge3A_147, %lt3A_149 : vector<16xi1>
      %mul3A_150 = arith.constant 16 : i32
      %mul3A_151 = arith.muli %scan3A_119, %mul3A_150 : i32
      %add3A_152 = arith.constant 12800 : i32
      %add3A_153 = arith.addi %add3A_152, %mul3A_151 : i32
      %add3A_154 = vector.broadcast %add3A_153 : i32 to vector<16xi32>
      %add3A_155 = arith.addi %add3A_154, %iota3A : vector<16xi32>
      %shift_left3A = arith.constant 15 : i32
      %shift_left3A_156 = vector.broadcast %shift_left3A : i32 to vector<16xi32>
      %shift_left3A_157 = arith.shli %sub3A_145, %shift_left3A_156 : vector<16xi32>
      %or3A = arith.ori %shift_left3A_157, %add3A_155 : vector<16xi32>
      %jit3A = arith.constant 2147483647 : i32
      %broadcast_in_dim3A_158 = vector.broadcast %jit3A : i32 to vector<16xi32>
      %select_n3A = arith.select %and3A, %or3A, %broadcast_in_dim3A_158 : vector<16xi1>, vector<16xi32>
      %masked_sort3A = arith.constant dense<true> : vector<16xi1>
      %masked_sort3A_159 = arith.constant -2147483648 : i32
      %masked_sort3A_160 = vector.broadcast %masked_sort3A_159 : i32 to vector<16xi32>
      %masked_sort3A_161 = arith.xori %select_n3A, %masked_sort3A_160 : vector<16xi32>
      %masked_sort3A_162, %masked_sort3A_163, %masked_sort3A_164 = tpu.sort %masked_sort3A_161, %select_n3A masked %masked_sort3A : (vector<16xi32>, vector<16xi32>, vector<16xi1>) -> (vector<16xi1>, vector<16xi32>, vector<16xi32>)
      %masked_sort3A_165 = arith.xori %masked_sort3A_163, %masked_sort3A_160 : vector<16xi32>
      %swap3A = arith.constant 0 : index
      %swap3A_166 = tpu.vector_load %arg14[%swap3A] {strides = array<i32>} : memref<16xi32, #tpu.memory_space<vmem>>, vector<16xi32>,
      tpu.vector_store %arg14[%swap3A], %masked_sort3A_165 {strides = array<i32>} : memref<16xi32, #tpu.memory_space<vmem>>, vector<16xi32>,
      %gather3A = tpu.vector_load_idx %arg14[%min3A_7] : memref<16xi32, #tpu.memory_space<vmem>>[vector<16xi32>], vector<16xi32>,
      %ne3A = arith.constant 2147483647 : i32
      %ne3A_167 = vector.broadcast %ne3A : i32 to vector<16xi32>
      %ne3A_168 = arith.cmpi ne, %masked_sort3A_165, %ne3A_167 : vector<16xi32>
      %shift_right_arithmetic3A = arith.constant 15 : i32
      %shift_right_arithmetic3A_169 = vector.broadcast %shift_right_arithmetic3A : i32 to vector<16xi32>
      %shift_right_arithmetic3A_170 = arith.shrsi %masked_sort3A_165, %shift_right_arithmetic3A_169 : vector<16xi32>
      %shift_right_arithmetic3A_171 = arith.constant 15 : i32
      %shift_right_arithmetic3A_172 = vector.broadcast %shift_right_arithmetic3A_171 : i32 to vector<16xi32>
      %shift_right_arithmetic3A_173 = arith.shrsi %gather3A, %shift_right_arithmetic3A_172 : vector<16xi32>
      %ne3A_174 = arith.cmpi ne, %shift_right_arithmetic3A_170, %shift_right_arithmetic3A_173 : vector<16xi32>
      %eq3A = arith.constant 15 : i32
      %eq3A_175 = vector.broadcast %eq3A : i32 to vector<16xi32>
      %eq3A_176 = arith.cmpi eq, %iota3A, %eq3A_175 : vector<16xi32>
      %or3A_177 = arith.ori %ne3A_174, %eq3A_176 : vector<16xi1>
      %and3A_178 = arith.andi %ne3A_168, %or3A_177 : vector<16xi1>
      %shift_right_arithmetic3A_179 = arith.constant 15 : i32
      %shift_right_arithmetic3A_180 = vector.broadcast %shift_right_arithmetic3A_179 : i32 to vector<16xi32>
      %shift_right_arithmetic3A_181 = arith.shrsi %masked_sort3A_165, %shift_right_arithmetic3A_180 : vector<16xi32>
      %jit3A_182 = arith.constant 0 : i32
      %broadcast_in_dim3A_183 = vector.broadcast %jit3A_182 : i32 to vector<16xi32>
      %select_n3A_184 = arith.select %and3A_178, %shift_right_arithmetic3A_181, %broadcast_in_dim3A_183 : vector<16xi1>, vector<16xi32>
      %and3A_185 = arith.constant 32767 : i32
      %and3A_186 = vector.broadcast %and3A_185 : i32 to vector<16xi32>
      %and3A_187 = arith.andi %masked_sort3A_165, %and3A_186 : vector<16xi32>
      tpu.vector_store_idx %arg6[%select_n3A_184], %and3A_187 masked %and3A_178 : memref<13392xi32, #tpu.memory_space<vmem>>[vector<16xi32>], vector<16xi32>, vector<16xi1>
    }
    %scan3A_71 = arith.constant 400 : i32
    %dma_wait3A_72 = arith.constant 0 : i32
    %dma_wait3A_73 = arith.constant 19200 : i32
    %dma_wait3A_74 = tpu.memref_slice %arg3[%dma_wait3A_72, %dma_wait3A_73] : memref<3x32000xi32, #tpu.memory_space<hbm>> -> memref<3x6400xi32, #tpu.memory_space<hbm>>
    %dma_wait3A_75 = arith.constant 0 : i32
    %dma_wait3A_76 = arith.constant 19200 : i32
    %dma_wait3A_77 = tpu.memref_slice %arg3[%dma_wait3A_75, %dma_wait3A_76] : memref<3x32000xi32, #tpu.memory_space<hbm>> -> memref<3x6400xi32, #tpu.memory_space<hbm>>
    tpu.wait_dma2 semaphore(%arg15 : memref<!tpu.dma_semaphore, #tpu.memory_space<semaphore_mem>>) src(%dma_wait3A_77 : memref<3x6400xi32, #tpu.memory_space<hbm>>) dst(%arg8 : memref<3x6400xi32, #tpu.memory_space<vmem>>)
    %dma_start3A_78 = arith.constant 0 : i32
    %dma_start3A_79 = arith.constant 25600 : i32
    %dma_start3A_80 = tpu.memref_slice %arg3[%dma_start3A_78, %dma_start3A_79] : memref<3x32000xi32, #tpu.memory_space<hbm>> -> memref<3x6400xi32, #tpu.memory_space<hbm>>
    %dma_start3A_81 = arith.constant 0 : i32
    %dma_start3A_82 = arith.constant 25600 : i32
    %dma_start3A_83 = tpu.memref_slice %arg3[%dma_start3A_81, %dma_start3A_82] : memref<3x32000xi32, #tpu.memory_space<hbm>> -> memref<3x6400xi32, #tpu.memory_space<hbm>>
    tpu.enqueue_dma source(%dma_start3A_83 : memref<3x6400xi32, #tpu.memory_space<hbm>>) target(%arg7 : memref<3x6400xi32, #tpu.memory_space<vmem>>) target_semaphore(%arg15 : memref<!tpu.dma_semaphore, #tpu.memory_space<semaphore_mem>>)
    %scan3A_84 = arith.constant 0 : i32
    %scan3A_85 = arith.constant 0 : i32
    %scan3A_86 = arith.constant 400 : i32
    %scan3A_87 = arith.addi %scan3A_85, %scan3A_86 : i32
    %scan3A_88 = arith.constant 1 : i32
    scf.for %scan3A_119 = %scan3A_85 to %scan3A_87 step %scan3A_88  : i32 {
      %mul3A_120 = arith.constant 16 : i32
      %mul3A_121 = arith.muli %scan3A_119, %mul3A_120 : i32
      %get3A = arith.constant 0 : i32
      %get3A_122 = arith.index_cast %get3A : i32 to index
      %get3A_123 = arith.index_cast %mul3A_121 : i32 to index
      %get3A_124 = tpu.vector_load %arg8[%get3A_122, %get3A_123] {strides = array<i32>} : memref<3x6400xi32, #tpu.memory_space<vmem>>, vector<16xi32>,
      %mul3A_125 = arith.constant 16 : i32
      %mul3A_126 = arith.muli %scan3A_119, %mul3A_125 : i32
      %get3A_127 = arith.constant 1 : i32
      %get3A_128 = arith.index_cast %get3A_127 : i32 to index
      %get3A_129 = arith.index_cast %mul3A_126 : i32 to index
      %get3A_130 = tpu.vector_load %arg8[%get3A_128, %get3A_129] {strides = array<i32>} : memref<3x6400xi32, #tpu.memory_space<vmem>>, vector<16xi32>,
      %mul3A_131 = arith.constant 16 : i32
      %mul3A_132 = arith.muli %scan3A_119, %mul3A_131 : i32
      %get3A_133 = arith.constant 2 : i32
      %get3A_134 = arith.index_cast %get3A_133 : i32 to index
      %get3A_135 = arith.index_cast %mul3A_132 : i32 to index
      %get3A_136 = tpu.vector_load %arg8[%get3A_134, %get3A_135] {strides = array<i32>} : memref<3x6400xi32, #tpu.memory_space<vmem>>, vector<16xi32>,
      %mul3A_137 = arith.constant 214272 : i32
      %mul3A_138 = vector.broadcast %mul3A_137 : i32 to vector<16xi32>
      %mul3A_139 = arith.muli %get3A_124, %mul3A_138 : vector<16xi32>
      %mul3A_140 = arith.constant 432 : i32
      %mul3A_141 = vector.broadcast %mul3A_140 : i32 to vector<16xi32>
      %mul3A_142 = arith.muli %get3A_130, %mul3A_141 : vector<16xi32>
      %add3A_143 = arith.addi %mul3A_139, %mul3A_142 : vector<16xi32>
      %add3A_144 = arith.addi %add3A_143, %get3A_136 : vector<16xi32>
      %sub3A = vector.broadcast %mul3A_2 : i32 to vector<16xi32>
      %sub3A_145 = arith.subi %add3A_144, %sub3A : vector<16xi32>
      %ge3A = arith.constant 0 : i32
      %ge3A_146 = vector.broadcast %ge3A : i32 to vector<16xi32>
      %ge3A_147 = arith.cmpi sge, %sub3A_145, %ge3A_146 : vector<16xi32>
      %lt3A = arith.constant 13392 : i32
      %lt3A_148 = vector.broadcast %lt3A : i32 to vector<16xi32>
      %lt3A_149 = arith.cmpi slt, %sub3A_145, %lt3A_148 : vector<16xi32>
      %and3A = arith.andi %ge3A_147, %lt3A_149 : vector<16xi1>
      %mul3A_150 = arith.constant 16 : i32
      %mul3A_151 = arith.muli %scan3A_119, %mul3A_150 : i32
      %add3A_152 = arith.constant 19200 : i32
      %add3A_153 = arith.addi %add3A_152, %mul3A_151 : i32
      %add3A_154 = vector.broadcast %add3A_153 : i32 to vector<16xi32>
      %add3A_155 = arith.addi %add3A_154, %iota3A : vector<16xi32>
      %shift_left3A = arith.constant 15 : i32
      %shift_left3A_156 = vector.broadcast %shift_left3A : i32 to vector<16xi32>
      %shift_left3A_157 = arith.shli %sub3A_145, %shift_left3A_156 : vector<16xi32>
      %or3A = arith.ori %shift_left3A_157, %add3A_155 : vector<16xi32>
      %jit3A = arith.constant 2147483647 : i32
      %broadcast_in_dim3A_158 = vector.broadcast %jit3A : i32 to vector<16xi32>
      %select_n3A = arith.select %and3A, %or3A, %broadcast_in_dim3A_158 : vector<16xi1>, vector<16xi32>
      %masked_sort3A = arith.constant dense<true> : vector<16xi1>
      %masked_sort3A_159 = arith.constant -2147483648 : i32
      %masked_sort3A_160 = vector.broadcast %masked_sort3A_159 : i32 to vector<16xi32>
      %masked_sort3A_161 = arith.xori %select_n3A, %masked_sort3A_160 : vector<16xi32>
      %masked_sort3A_162, %masked_sort3A_163, %masked_sort3A_164 = tpu.sort %masked_sort3A_161, %select_n3A masked %masked_sort3A : (vector<16xi32>, vector<16xi32>, vector<16xi1>) -> (vector<16xi1>, vector<16xi32>, vector<16xi32>)
      %masked_sort3A_165 = arith.xori %masked_sort3A_163, %masked_sort3A_160 : vector<16xi32>
      %swap3A = arith.constant 0 : index
      %swap3A_166 = tpu.vector_load %arg14[%swap3A] {strides = array<i32>} : memref<16xi32, #tpu.memory_space<vmem>>, vector<16xi32>,
      tpu.vector_store %arg14[%swap3A], %masked_sort3A_165 {strides = array<i32>} : memref<16xi32, #tpu.memory_space<vmem>>, vector<16xi32>,
      %gather3A = tpu.vector_load_idx %arg14[%min3A_7] : memref<16xi32, #tpu.memory_space<vmem>>[vector<16xi32>], vector<16xi32>,
      %ne3A = arith.constant 2147483647 : i32
      %ne3A_167 = vector.broadcast %ne3A : i32 to vector<16xi32>
      %ne3A_168 = arith.cmpi ne, %masked_sort3A_165, %ne3A_167 : vector<16xi32>
      %shift_right_arithmetic3A = arith.constant 15 : i32
      %shift_right_arithmetic3A_169 = vector.broadcast %shift_right_arithmetic3A : i32 to vector<16xi32>
      %shift_right_arithmetic3A_170 = arith.shrsi %masked_sort3A_165, %shift_right_arithmetic3A_169 : vector<16xi32>
      %shift_right_arithmetic3A_171 = arith.constant 15 : i32
      %shift_right_arithmetic3A_172 = vector.broadcast %shift_right_arithmetic3A_171 : i32 to vector<16xi32>
      %shift_right_arithmetic3A_173 = arith.shrsi %gather3A, %shift_right_arithmetic3A_172 : vector<16xi32>
      %ne3A_174 = arith.cmpi ne, %shift_right_arithmetic3A_170, %shift_right_arithmetic3A_173 : vector<16xi32>
      %eq3A = arith.constant 15 : i32
      %eq3A_175 = vector.broadcast %eq3A : i32 to vector<16xi32>
      %eq3A_176 = arith.cmpi eq, %iota3A, %eq3A_175 : vector<16xi32>
      %or3A_177 = arith.ori %ne3A_174, %eq3A_176 : vector<16xi1>
      %and3A_178 = arith.andi %ne3A_168, %or3A_177 : vector<16xi1>
      %shift_right_arithmetic3A_179 = arith.constant 15 : i32
      %shift_right_arithmetic3A_180 = vector.broadcast %shift_right_arithmetic3A_179 : i32 to vector<16xi32>
      %shift_right_arithmetic3A_181 = arith.shrsi %masked_sort3A_165, %shift_right_arithmetic3A_180 : vector<16xi32>
      %jit3A_182 = arith.constant 0 : i32
      %broadcast_in_dim3A_183 = vector.broadcast %jit3A_182 : i32 to vector<16xi32>
      %select_n3A_184 = arith.select %and3A_178, %shift_right_arithmetic3A_181, %broadcast_in_dim3A_183 : vector<16xi1>, vector<16xi32>
      %and3A_185 = arith.constant 32767 : i32
      %and3A_186 = vector.broadcast %and3A_185 : i32 to vector<16xi32>
      %and3A_187 = arith.andi %masked_sort3A_165, %and3A_186 : vector<16xi32>
      tpu.vector_store_idx %arg6[%select_n3A_184], %and3A_187 masked %and3A_178 : memref<13392xi32, #tpu.memory_space<vmem>>[vector<16xi32>], vector<16xi32>, vector<16xi1>
    }
    %scan3A_89 = arith.constant 400 : i32
    %dma_wait3A_90 = arith.constant 0 : i32
    %dma_wait3A_91 = arith.constant 25600 : i32
    %dma_wait3A_92 = tpu.memref_slice %arg3[%dma_wait3A_90, %dma_wait3A_91] : memref<3x32000xi32, #tpu.memory_space<hbm>> -> memref<3x6400xi32, #tpu.memory_space<hbm>>
    %dma_wait3A_93 = arith.constant 0 : i32
    %dma_wait3A_94 = arith.constant 25600 : i32
    %dma_wait3A_95 = tpu.memref_slice %arg3[%dma_wait3A_93, %dma_wait3A_94] : memref<3x32000xi32, #tpu.memory_space<hbm>> -> memref<3x6400xi32, #tpu.memory_space<hbm>>
    tpu.wait_dma2 semaphore(%arg15 : memref<!tpu.dma_semaphore, #tpu.memory_space<semaphore_mem>>) src(%dma_wait3A_95 : memref<3x6400xi32, #tpu.memory_space<hbm>>) dst(%arg7 : memref<3x6400xi32, #tpu.memory_space<vmem>>)
    %scan3A_96 = arith.constant 0 : i32
    %scan3A_97 = arith.constant 0 : i32
    %scan3A_98 = arith.constant 400 : i32
    %scan3A_99 = arith.addi %scan3A_97, %scan3A_98 : i32
    %scan3A_100 = arith.constant 1 : i32
    scf.for %scan3A_119 = %scan3A_97 to %scan3A_99 step %scan3A_100  : i32 {
      %mul3A_120 = arith.constant 16 : i32
      %mul3A_121 = arith.muli %scan3A_119, %mul3A_120 : i32
      %get3A = arith.constant 0 : i32
      %get3A_122 = arith.index_cast %get3A : i32 to index
      %get3A_123 = arith.index_cast %mul3A_121 : i32 to index
      %get3A_124 = tpu.vector_load %arg7[%get3A_122, %get3A_123] {strides = array<i32>} : memref<3x6400xi32, #tpu.memory_space<vmem>>, vector<16xi32>,
      %mul3A_125 = arith.constant 16 : i32
      %mul3A_126 = arith.muli %scan3A_119, %mul3A_125 : i32
      %get3A_127 = arith.constant 1 : i32
      %get3A_128 = arith.index_cast %get3A_127 : i32 to index
      %get3A_129 = arith.index_cast %mul3A_126 : i32 to index
      %get3A_130 = tpu.vector_load %arg7[%get3A_128, %get3A_129] {strides = array<i32>} : memref<3x6400xi32, #tpu.memory_space<vmem>>, vector<16xi32>,
      %mul3A_131 = arith.constant 16 : i32
      %mul3A_132 = arith.muli %scan3A_119, %mul3A_131 : i32
      %get3A_133 = arith.constant 2 : i32
      %get3A_134 = arith.index_cast %get3A_133 : i32 to index
      %get3A_135 = arith.index_cast %mul3A_132 : i32 to index
      %get3A_136 = tpu.vector_load %arg7[%get3A_134, %get3A_135] {strides = array<i32>} : memref<3x6400xi32, #tpu.memory_space<vmem>>, vector<16xi32>,
      %mul3A_137 = arith.constant 214272 : i32
      %mul3A_138 = vector.broadcast %mul3A_137 : i32 to vector<16xi32>
      %mul3A_139 = arith.muli %get3A_124, %mul3A_138 : vector<16xi32>
      %mul3A_140 = arith.constant 432 : i32
      %mul3A_141 = vector.broadcast %mul3A_140 : i32 to vector<16xi32>
      %mul3A_142 = arith.muli %get3A_130, %mul3A_141 : vector<16xi32>
      %add3A_143 = arith.addi %mul3A_139, %mul3A_142 : vector<16xi32>
      %add3A_144 = arith.addi %add3A_143, %get3A_136 : vector<16xi32>
      %sub3A = vector.broadcast %mul3A_2 : i32 to vector<16xi32>
      %sub3A_145 = arith.subi %add3A_144, %sub3A : vector<16xi32>
      %ge3A = arith.constant 0 : i32
      %ge3A_146 = vector.broadcast %ge3A : i32 to vector<16xi32>
      %ge3A_147 = arith.cmpi sge, %sub3A_145, %ge3A_146 : vector<16xi32>
      %lt3A = arith.constant 13392 : i32
      %lt3A_148 = vector.broadcast %lt3A : i32 to vector<16xi32>
      %lt3A_149 = arith.cmpi slt, %sub3A_145, %lt3A_148 : vector<16xi32>
      %and3A = arith.andi %ge3A_147, %lt3A_149 : vector<16xi1>
      %mul3A_150 = arith.constant 16 : i32
      %mul3A_151 = arith.muli %scan3A_119, %mul3A_150 : i32
      %add3A_152 = arith.constant 25600 : i32
      %add3A_153 = arith.addi %add3A_152, %mul3A_151 : i32
      %add3A_154 = vector.broadcast %add3A_153 : i32 to vector<16xi32>
      %add3A_155 = arith.addi %add3A_154, %iota3A : vector<16xi32>
      %shift_left3A = arith.constant 15 : i32
      %shift_left3A_156 = vector.broadcast %shift_left3A : i32 to vector<16xi32>
      %shift_left3A_157 = arith.shli %sub3A_145, %shift_left3A_156 : vector<16xi32>
      %or3A = arith.ori %shift_left3A_157, %add3A_155 : vector<16xi32>
      %jit3A = arith.constant 2147483647 : i32
      %broadcast_in_dim3A_158 = vector.broadcast %jit3A : i32 to vector<16xi32>
      %select_n3A = arith.select %and3A, %or3A, %broadcast_in_dim3A_158 : vector<16xi1>, vector<16xi32>
      %masked_sort3A = arith.constant dense<true> : vector<16xi1>
      %masked_sort3A_159 = arith.constant -2147483648 : i32
      %masked_sort3A_160 = vector.broadcast %masked_sort3A_159 : i32 to vector<16xi32>
      %masked_sort3A_161 = arith.xori %select_n3A, %masked_sort3A_160 : vector<16xi32>
      %masked_sort3A_162, %masked_sort3A_163, %masked_sort3A_164 = tpu.sort %masked_sort3A_161, %select_n3A masked %masked_sort3A : (vector<16xi32>, vector<16xi32>, vector<16xi1>) -> (vector<16xi1>, vector<16xi32>, vector<16xi32>)
      %masked_sort3A_165 = arith.xori %masked_sort3A_163, %masked_sort3A_160 : vector<16xi32>
      %swap3A = arith.constant 0 : index
      %swap3A_166 = tpu.vector_load %arg14[%swap3A] {strides = array<i32>} : memref<16xi32, #tpu.memory_space<vmem>>, vector<16xi32>,
      tpu.vector_store %arg14[%swap3A], %masked_sort3A_165 {strides = array<i32>} : memref<16xi32, #tpu.memory_space<vmem>>, vector<16xi32>,
      %gather3A = tpu.vector_load_idx %arg14[%min3A_7] : memref<16xi32, #tpu.memory_space<vmem>>[vector<16xi32>], vector<16xi32>,
      %ne3A = arith.constant 2147483647 : i32
      %ne3A_167 = vector.broadcast %ne3A : i32 to vector<16xi32>
      %ne3A_168 = arith.cmpi ne, %masked_sort3A_165, %ne3A_167 : vector<16xi32>
      %shift_right_arithmetic3A = arith.constant 15 : i32
      %shift_right_arithmetic3A_169 = vector.broadcast %shift_right_arithmetic3A : i32 to vector<16xi32>
      %shift_right_arithmetic3A_170 = arith.shrsi %masked_sort3A_165, %shift_right_arithmetic3A_169 : vector<16xi32>
      %shift_right_arithmetic3A_171 = arith.constant 15 : i32
      %shift_right_arithmetic3A_172 = vector.broadcast %shift_right_arithmetic3A_171 : i32 to vector<16xi32>
      %shift_right_arithmetic3A_173 = arith.shrsi %gather3A, %shift_right_arithmetic3A_172 : vector<16xi32>
      %ne3A_174 = arith.cmpi ne, %shift_right_arithmetic3A_170, %shift_right_arithmetic3A_173 : vector<16xi32>
      %eq3A = arith.constant 15 : i32
      %eq3A_175 = vector.broadcast %eq3A : i32 to vector<16xi32>
      %eq3A_176 = arith.cmpi eq, %iota3A, %eq3A_175 : vector<16xi32>
      %or3A_177 = arith.ori %ne3A_174, %eq3A_176 : vector<16xi1>
      %and3A_178 = arith.andi %ne3A_168, %or3A_177 : vector<16xi1>
      %shift_right_arithmetic3A_179 = arith.constant 15 : i32
      %shift_right_arithmetic3A_180 = vector.broadcast %shift_right_arithmetic3A_179 : i32 to vector<16xi32>
      %shift_right_arithmetic3A_181 = arith.shrsi %masked_sort3A_165, %shift_right_arithmetic3A_180 : vector<16xi32>
      %jit3A_182 = arith.constant 0 : i32
      %broadcast_in_dim3A_183 = vector.broadcast %jit3A_182 : i32 to vector<16xi32>
      %select_n3A_184 = arith.select %and3A_178, %shift_right_arithmetic3A_181, %broadcast_in_dim3A_183 : vector<16xi1>, vector<16xi32>
      %and3A_185 = arith.constant 32767 : i32
      %and3A_186 = vector.broadcast %and3A_185 : i32 to vector<16xi32>
      %and3A_187 = arith.andi %masked_sort3A_165, %and3A_186 : vector<16xi32>
      tpu.vector_store_idx %arg6[%select_n3A_184], %and3A_187 masked %and3A_178 : memref<13392xi32, #tpu.memory_space<vmem>>[vector<16xi32>], vector<16xi32>, vector<16xi1>
    }
    %scan3A_101 = arith.constant 400 : i32
    %broadcast_in_dim3A_102 = arith.constant 0 : i32
    %broadcast_in_dim3A_103 = vector.broadcast %broadcast_in_dim3A_102 : i32 to vector<16xi32>
    %scan3A_104 = arith.constant 0 : i32
    %scan3A_105 = arith.constant 837 : i32
    %scan3A_106 = arith.addi %scan3A_104, %scan3A_105 : i32
    %scan3A_107 = arith.constant 1 : i32
    %scan3A_108 = scf.for %scan3A_119 = %scan3A_104 to %scan3A_106 step %scan3A_107 iter_args(%scan3A_120 = %broadcast_in_dim3A_103) -> (vector<16xi32>)  : i32 {
      %mul3A_121 = arith.constant 16 : i32
      %mul3A_122 = arith.muli %scan3A_119, %mul3A_121 : i32
      %get3A = arith.index_cast %mul3A_122 : i32 to index
      %get3A_123 = tpu.vector_load %arg6[%get3A] {strides = array<i32>} : memref<13392xi32, #tpu.memory_space<vmem>>, vector<16xi32>,
      %ge3A = arith.constant 0 : i32
      %ge3A_124 = vector.broadcast %ge3A : i32 to vector<16xi32>
      %ge3A_125 = arith.cmpi sge, %get3A_123, %ge3A_124 : vector<16xi32>
      %convert_element_type3A_126 = arith.extui %ge3A_125 : vector<16xi1> to vector<16xi32>
      %broadcast_in_dim3A_127 = arith.constant true
      %broadcast_in_dim3A_128 = vector.broadcast %broadcast_in_dim3A_127 : i1 to vector<16xi1>
      %masked_cumsum3A = tpu.scan <sum>, %convert_element_type3A_126 masked %broadcast_in_dim3A_128 : vector<16xi32>, vector<16xi1> -> vector<16xi32>
      %add3A_129 = arith.addi %scan3A_120, %masked_cumsum3A : vector<16xi32>
      %sub3A = arith.constant 1 : i32
      %sub3A_130 = vector.broadcast %sub3A : i32 to vector<16xi32>
      %sub3A_131 = arith.subi %add3A_129, %sub3A_130 : vector<16xi32>
      tpu.vector_store_idx %arg9[%sub3A_131], %get3A_123 masked %ge3A_125 : memref<13520xi32, #tpu.memory_space<vmem>>[vector<16xi32>], vector<16xi32>, vector<16xi1>
      %mul3A_132 = arith.constant 16 : i32
      %mul3A_133 = arith.muli %scan3A_119, %mul3A_132 : i32
      %add3A_134 = arith.addi %mul3A_2, %mul3A_133 : i32
      %add3A_135 = vector.broadcast %add3A_134 : i32 to vector<16xi32>
      %add3A_136 = arith.addi %add3A_135, %iota3A : vector<16xi32>
      tpu.vector_store_idx %arg10[%sub3A_131], %add3A_136 masked %ge3A_125 : memref<13520xi32, #tpu.memory_space<vmem>>[vector<16xi32>], vector<16xi32>, vector<16xi1>
      %all_reduce_population_count3A = tpu.all_reduce %ge3A_125 {dim = 0 : i64, kind = #tpu.reduction_kind<sum>} : vector<16xi1> -> vector<16xi32>
      %add3A_137 = arith.addi %scan3A_120, %all_reduce_population_count3A : vector<16xi32>
      scf.yield %add3A_137 : vector<16xi32>
    }
    %scan3A_109 = arith.constant 837 : i32
    %reduce_max3A = arith.constant true
    %reduce_max3A_110 = vector.broadcast %reduce_max3A : i1 to vector<16xi1>
    %reduce_max3A_111 = arith.constant -2147483648 : i32
    %reduce_max3A_112 = vector.broadcast %reduce_max3A_111 : i32 to vector<16xi32>
    %reduce_max3A_113 = arith.xori %scan3A_108, %reduce_max3A_112 : vector<16xi32>
    %reduce_max3A_114 = tpu.scan <max>, %reduce_max3A_113 masked %reduce_max3A_110 : vector<16xi32>, vector<16xi1> -> vector<16xi32>
    %reduce_max3A_115 = arith.xori %reduce_max3A_114, %reduce_max3A_112 : vector<16xi32>
    %reduce_max3A_116 = vector.extract %reduce_max3A_115[15] : i32 from vector<16xi32>
    "tpu.region"() ({
      %run_scoped3A = tpu.sem_alloc : memref<!tpu.dma_semaphore, #tpu.memory_space<semaphore_mem>>
      %dma_start3A_119 = tpu.memref_slice %arg5[%mul3A_2] : memref<428544xi32, #tpu.memory_space<hbm>> -> memref<13392xi32, #tpu.memory_space<hbm>>
      %dma_start3A_120 = tpu.memref_slice %arg5[%mul3A_2] : memref<428544xi32, #tpu.memory_space<hbm>> -> memref<13392xi32, #tpu.memory_space<hbm>>
      tpu.enqueue_dma source(%arg6 : memref<13392xi32, #tpu.memory_space<vmem>>) target(%dma_start3A_120 : memref<13392xi32, #tpu.memory_space<hbm>>) target_semaphore(%run_scoped3A : memref<!tpu.dma_semaphore, #tpu.memory_space<semaphore_mem>>)
      %dma_wait3A_121 = tpu.memref_slice %arg5[%mul3A_2] : memref<428544xi32, #tpu.memory_space<hbm>> -> memref<13392xi32, #tpu.memory_space<hbm>>
      %dma_wait3A_122 = tpu.memref_slice %arg5[%mul3A_2] : memref<428544xi32, #tpu.memory_space<hbm>> -> memref<13392xi32, #tpu.memory_space<hbm>>
      tpu.wait_dma2 semaphore(%run_scoped3A : memref<!tpu.dma_semaphore, #tpu.memory_space<semaphore_mem>>) src(%arg6 : memref<13392xi32, #tpu.memory_space<vmem>>) dst(%dma_wait3A_122 : memref<13392xi32, #tpu.memory_space<hbm>>)
      tpu.yield
    }) : () -> ()
    %gt3A = arith.constant 0 : i32
    %gt3A_117 = arith.cmpi sgt, %reduce_max3A_116, %gt3A : i32
    %convert_element_type3A = arith.extui %gt3A_117 : i1 to i32
    %cond3A = arith.constant 0 : i32
    %cond3A_118 = arith.cmpi ne, %convert_element_type3A, %cond3A : i32
    scf.if %cond3A_118 {
      %sub3A = arith.constant 1 : i32
      %sub3A_119 = arith.subi %reduce_max3A_116, %sub3A : i32
      %broadcast_in_dim3A_120 = vector.broadcast %sub3A_119 : i32 to vector<16xi32>
      %gather3A = tpu.vector_load_idx %arg9[%broadcast_in_dim3A_120] : memref<13520xi32, #tpu.memory_space<vmem>>[vector<16xi32>], vector<16xi32>,
      %gather3A_121 = tpu.vector_load_idx %arg10[%broadcast_in_dim3A_120] : memref<13520xi32, #tpu.memory_space<vmem>>[vector<16xi32>], vector<16xi32>,
      %add3A_122 = arith.constant 0 : i32
      %add3A_123 = vector.broadcast %add3A_122 : i32 to vector<16xi32>
      %add3A_124 = arith.addi %add3A_123, %iota3A : vector<16xi32>
      %add3A_125 = vector.broadcast %reduce_max3A_116 : i32 to vector<16xi32>
      %add3A_126 = arith.addi %add3A_125, %add3A_124 : vector<16xi32>
      tpu.vector_store_idx %arg9[%add3A_126], %gather3A : memref<13520xi32, #tpu.memory_space<vmem>>[vector<16xi32>], vector<16xi32>,
      tpu.vector_store_idx %arg10[%add3A_126], %gather3A_121 : memref<13520xi32, #tpu.memory_space<vmem>>[vector<16xi32>], vector<16xi32>,
      %add3A_127 = arith.constant 16 : i32
      %add3A_128 = vector.broadcast %add3A_127 : i32 to vector<16xi32>
      %add3A_129 = arith.addi %add3A_128, %iota3A : vector<16xi32>
      %add3A_130 = vector.broadcast %reduce_max3A_116 : i32 to vector<16xi32>
      %add3A_131 = arith.addi %add3A_130, %add3A_129 : vector<16xi32>
      tpu.vector_store_idx %arg9[%add3A_131], %gather3A : memref<13520xi32, #tpu.memory_space<vmem>>[vector<16xi32>], vector<16xi32>,
      tpu.vector_store_idx %arg10[%add3A_131], %gather3A_121 : memref<13520xi32, #tpu.memory_space<vmem>>[vector<16xi32>], vector<16xi32>,
      %add3A_132 = arith.constant 32 : i32
      %add3A_133 = vector.broadcast %add3A_132 : i32 to vector<16xi32>
      %add3A_134 = arith.addi %add3A_133, %iota3A : vector<16xi32>
      %add3A_135 = vector.broadcast %reduce_max3A_116 : i32 to vector<16xi32>
      %add3A_136 = arith.addi %add3A_135, %add3A_134 : vector<16xi32>
      tpu.vector_store_idx %arg9[%add3A_136], %gather3A : memref<13520xi32, #tpu.memory_space<vmem>>[vector<16xi32>], vector<16xi32>,
      tpu.vector_store_idx %arg10[%add3A_136], %gather3A_121 : memref<13520xi32, #tpu.memory_space<vmem>>[vector<16xi32>], vector<16xi32>,
      %add3A_137 = arith.constant 48 : i32
      %add3A_138 = vector.broadcast %add3A_137 : i32 to vector<16xi32>
      %add3A_139 = arith.addi %add3A_138, %iota3A : vector<16xi32>
      %add3A_140 = vector.broadcast %reduce_max3A_116 : i32 to vector<16xi32>
      %add3A_141 = arith.addi %add3A_140, %add3A_139 : vector<16xi32>
      tpu.vector_store_idx %arg9[%add3A_141], %gather3A : memref<13520xi32, #tpu.memory_space<vmem>>[vector<16xi32>], vector<16xi32>,
      tpu.vector_store_idx %arg10[%add3A_141], %gather3A_121 : memref<13520xi32, #tpu.memory_space<vmem>>[vector<16xi32>], vector<16xi32>,
      %add3A_142 = arith.constant 64 : i32
      %add3A_143 = vector.broadcast %add3A_142 : i32 to vector<16xi32>
      %add3A_144 = arith.addi %add3A_143, %iota3A : vector<16xi32>
      %add3A_145 = vector.broadcast %reduce_max3A_116 : i32 to vector<16xi32>
      %add3A_146 = arith.addi %add3A_145, %add3A_144 : vector<16xi32>
      tpu.vector_store_idx %arg9[%add3A_146], %gather3A : memref<13520xi32, #tpu.memory_space<vmem>>[vector<16xi32>], vector<16xi32>,
      tpu.vector_store_idx %arg10[%add3A_146], %gather3A_121 : memref<13520xi32, #tpu.memory_space<vmem>>[vector<16xi32>], vector<16xi32>,
      %add3A_147 = arith.constant 80 : i32
      %add3A_148 = vector.broadcast %add3A_147 : i32 to vector<16xi32>
      %add3A_149 = arith.addi %add3A_148, %iota3A : vector<16xi32>
      %add3A_150 = vector.broadcast %reduce_max3A_116 : i32 to vector<16xi32>
      %add3A_151 = arith.addi %add3A_150, %add3A_149 : vector<16xi32>
      tpu.vector_store_idx %arg9[%add3A_151], %gather3A : memref<13520xi32, #tpu.memory_space<vmem>>[vector<16xi32>], vector<16xi32>,
      tpu.vector_store_idx %arg10[%add3A_151], %gather3A_121 : memref<13520xi32, #tpu.memory_space<vmem>>[vector<16xi32>], vector<16xi32>,
      %add3A_152 = arith.constant 96 : i32
      %add3A_153 = vector.broadcast %add3A_152 : i32 to vector<16xi32>
      %add3A_154 = arith.addi %add3A_153, %iota3A : vector<16xi32>
      %add3A_155 = vector.broadcast %reduce_max3A_116 : i32 to vector<16xi32>
      %add3A_156 = arith.addi %add3A_155, %add3A_154 : vector<16xi32>
      tpu.vector_store_idx %arg9[%add3A_156], %gather3A : memref<13520xi32, #tpu.memory_space<vmem>>[vector<16xi32>], vector<16xi32>,
      tpu.vector_store_idx %arg10[%add3A_156], %gather3A_121 : memref<13520xi32, #tpu.memory_space<vmem>>[vector<16xi32>], vector<16xi32>,
      %add3A_157 = arith.constant 112 : i32
      %add3A_158 = vector.broadcast %add3A_157 : i32 to vector<16xi32>
      %add3A_159 = arith.addi %add3A_158, %iota3A : vector<16xi32>
      %add3A_160 = vector.broadcast %reduce_max3A_116 : i32 to vector<16xi32>
      %add3A_161 = arith.addi %add3A_160, %add3A_159 : vector<16xi32>
      tpu.vector_store_idx %arg9[%add3A_161], %gather3A : memref<13520xi32, #tpu.memory_space<vmem>>[vector<16xi32>], vector<16xi32>,
      tpu.vector_store_idx %arg10[%add3A_161], %gather3A_121 : memref<13520xi32, #tpu.memory_space<vmem>>[vector<16xi32>], vector<16xi32>,
      %add3A_162 = arith.constant 127 : i32
      %add3A_163 = arith.addi %reduce_max3A_116, %add3A_162 : i32
      %shift_right_arithmetic3A = arith.constant 7 : i32
      %shift_right_arithmetic3A_164 = arith.shrsi %add3A_163, %shift_right_arithmetic3A : i32
      %while3A = arith.constant 0 : i32
      %while3A_165 = arith.constant 0 : i32
      %while3A_166 = arith.subi %shift_right_arithmetic3A_164, %while3A_165 : i32
      %while3A_167 = arith.addi %while3A_165, %while3A_166 : i32
      %while3A_168 = arith.constant 1 : i32
      %while3A_169 = arith.divsi %while3A_166, %while3A_168 : i32
      %while3A_170 = arith.muli %while3A_169, %while3A_168 : i32
      %while3A_171 = arith.addi %while3A_165, %while3A_170 : i32
      %while3A_172 = arith.constant 1 : i32
      scf.for %while3A_174 = %while3A_165 to %while3A_171 step %while3A_172  : i32 {
        %mul3A_175 = arith.constant 128 : i32
        %mul3A_176 = arith.muli %while3A_174, %mul3A_175 : i32
        %add3A_177 = arith.constant 0 : i32
        %add3A_178 = vector.broadcast %add3A_177 : i32 to vector<16xi32>
        %add3A_179 = arith.addi %add3A_178, %iota3A : vector<16xi32>
        %add3A_180 = vector.broadcast %mul3A_176 : i32 to vector<16xi32>
        %add3A_181 = arith.addi %add3A_180, %add3A_179 : vector<16xi32>
        %gather3A_182 = tpu.vector_load_idx %arg9[%add3A_181] : memref<13520xi32, #tpu.memory_space<vmem>>[vector<16xi32>], vector<16xi32>,
        %swap3A = arith.constant 0 : i32
        %swap3A_183 = arith.index_cast %swap3A : i32 to index
        %swap3A_184 = arith.constant 0 : index
        %swap3A_185 = tpu.vector_load %arg11[%swap3A_183, %swap3A_184] {strides = array<i32>} : memref<1x128xi32, #tpu.memory_space<vmem>>, vector<16xi32>,
        tpu.vector_store %arg11[%swap3A_183, %swap3A_184], %gather3A_182 {strides = array<i32>} : memref<1x128xi32, #tpu.memory_space<vmem>>, vector<16xi32>,
        %gather3A_186 = tpu.vector_load_idx %arg10[%add3A_181] : memref<13520xi32, #tpu.memory_space<vmem>>[vector<16xi32>], vector<16xi32>,
        %swap3A_187 = arith.constant 0 : i32
        %swap3A_188 = arith.index_cast %swap3A_187 : i32 to index
        %swap3A_189 = arith.constant 0 : index
        %swap3A_190 = tpu.vector_load %arg12[%swap3A_188, %swap3A_189] {strides = array<i32>} : memref<1x128xi32, #tpu.memory_space<vmem>>, vector<16xi32>,
        tpu.vector_store %arg12[%swap3A_188, %swap3A_189], %gather3A_186 {strides = array<i32>} : memref<1x128xi32, #tpu.memory_space<vmem>>, vector<16xi32>,
        %add3A_191 = arith.constant 16 : i32
        %add3A_192 = vector.broadcast %add3A_191 : i32 to vector<16xi32>
        %add3A_193 = arith.addi %add3A_192, %iota3A : vector<16xi32>
        %add3A_194 = vector.broadcast %mul3A_176 : i32 to vector<16xi32>
        %add3A_195 = arith.addi %add3A_194, %add3A_193 : vector<16xi32>
        %gather3A_196 = tpu.vector_load_idx %arg9[%add3A_195] : memref<13520xi32, #tpu.memory_space<vmem>>[vector<16xi32>], vector<16xi32>,
        %swap3A_197 = arith.constant 0 : i32
        %swap3A_198 = arith.index_cast %swap3A_197 : i32 to index
        %swap3A_199 = arith.constant 16 : index
        %swap3A_200 = tpu.vector_load %arg11[%swap3A_198, %swap3A_199] {strides = array<i32>} : memref<1x128xi32, #tpu.memory_space<vmem>>, vector<16xi32>,
        tpu.vector_store %arg11[%swap3A_198, %swap3A_199], %gather3A_196 {strides = array<i32>} : memref<1x128xi32, #tpu.memory_space<vmem>>, vector<16xi32>,
        %gather3A_201 = tpu.vector_load_idx %arg10[%add3A_195] : memref<13520xi32, #tpu.memory_space<vmem>>[vector<16xi32>], vector<16xi32>,
        %swap3A_202 = arith.constant 0 : i32
        %swap3A_203 = arith.index_cast %swap3A_202 : i32 to index
        %swap3A_204 = arith.constant 16 : index
        %swap3A_205 = tpu.vector_load %arg12[%swap3A_203, %swap3A_204] {strides = array<i32>} : memref<1x128xi32, #tpu.memory_space<vmem>>, vector<16xi32>,
        tpu.vector_store %arg12[%swap3A_203, %swap3A_204], %gather3A_201 {strides = array<i32>} : memref<1x128xi32, #tpu.memory_space<vmem>>, vector<16xi32>,
        %add3A_206 = arith.constant 32 : i32
        %add3A_207 = vector.broadcast %add3A_206 : i32 to vector<16xi32>
        %add3A_208 = arith.addi %add3A_207, %iota3A : vector<16xi32>
        %add3A_209 = vector.broadcast %mul3A_176 : i32 to vector<16xi32>
        %add3A_210 = arith.addi %add3A_209, %add3A_208 : vector<16xi32>
        %gather3A_211 = tpu.vector_load_idx %arg9[%add3A_210] : memref<13520xi32, #tpu.memory_space<vmem>>[vector<16xi32>], vector<16xi32>,
        %swap3A_212 = arith.constant 0 : i32
        %swap3A_213 = arith.index_cast %swap3A_212 : i32 to index
        %swap3A_214 = arith.constant 32 : index
        %swap3A_215 = tpu.vector_load %arg11[%swap3A_213, %swap3A_214] {strides = array<i32>} : memref<1x128xi32, #tpu.memory_space<vmem>>, vector<16xi32>,
        tpu.vector_store %arg11[%swap3A_213, %swap3A_214], %gather3A_211 {strides = array<i32>} : memref<1x128xi32, #tpu.memory_space<vmem>>, vector<16xi32>,
        %gather3A_216 = tpu.vector_load_idx %arg10[%add3A_210] : memref<13520xi32, #tpu.memory_space<vmem>>[vector<16xi32>], vector<16xi32>,
        %swap3A_217 = arith.constant 0 : i32
        %swap3A_218 = arith.index_cast %swap3A_217 : i32 to index
        %swap3A_219 = arith.constant 32 : index
        %swap3A_220 = tpu.vector_load %arg12[%swap3A_218, %swap3A_219] {strides = array<i32>} : memref<1x128xi32, #tpu.memory_space<vmem>>, vector<16xi32>,
        tpu.vector_store %arg12[%swap3A_218, %swap3A_219], %gather3A_216 {strides = array<i32>} : memref<1x128xi32, #tpu.memory_space<vmem>>, vector<16xi32>,
        %add3A_221 = arith.constant 48 : i32
        %add3A_222 = vector.broadcast %add3A_221 : i32 to vector<16xi32>
        %add3A_223 = arith.addi %add3A_222, %iota3A : vector<16xi32>
        %add3A_224 = vector.broadcast %mul3A_176 : i32 to vector<16xi32>
        %add3A_225 = arith.addi %add3A_224, %add3A_223 : vector<16xi32>
        %gather3A_226 = tpu.vector_load_idx %arg9[%add3A_225] : memref<13520xi32, #tpu.memory_space<vmem>>[vector<16xi32>], vector<16xi32>,
        %swap3A_227 = arith.constant 0 : i32
        %swap3A_228 = arith.index_cast %swap3A_227 : i32 to index
        %swap3A_229 = arith.constant 48 : index
        %swap3A_230 = tpu.vector_load %arg11[%swap3A_228, %swap3A_229] {strides = array<i32>} : memref<1x128xi32, #tpu.memory_space<vmem>>, vector<16xi32>,
        tpu.vector_store %arg11[%swap3A_228, %swap3A_229], %gather3A_226 {strides = array<i32>} : memref<1x128xi32, #tpu.memory_space<vmem>>, vector<16xi32>,
        %gather3A_231 = tpu.vector_load_idx %arg10[%add3A_225] : memref<13520xi32, #tpu.memory_space<vmem>>[vector<16xi32>], vector<16xi32>,
        %swap3A_232 = arith.constant 0 : i32
        %swap3A_233 = arith.index_cast %swap3A_232 : i32 to index
        %swap3A_234 = arith.constant 48 : index
        %swap3A_235 = tpu.vector_load %arg12[%swap3A_233, %swap3A_234] {strides = array<i32>} : memref<1x128xi32, #tpu.memory_space<vmem>>, vector<16xi32>,
        tpu.vector_store %arg12[%swap3A_233, %swap3A_234], %gather3A_231 {strides = array<i32>} : memref<1x128xi32, #tpu.memory_space<vmem>>, vector<16xi32>,
        %add3A_236 = arith.constant 64 : i32
        %add3A_237 = vector.broadcast %add3A_236 : i32 to vector<16xi32>
        %add3A_238 = arith.addi %add3A_237, %iota3A : vector<16xi32>
        %add3A_239 = vector.broadcast %mul3A_176 : i32 to vector<16xi32>
        %add3A_240 = arith.addi %add3A_239, %add3A_238 : vector<16xi32>
        %gather3A_241 = tpu.vector_load_idx %arg9[%add3A_240] : memref<13520xi32, #tpu.memory_space<vmem>>[vector<16xi32>], vector<16xi32>,
        %swap3A_242 = arith.constant 0 : i32
        %swap3A_243 = arith.index_cast %swap3A_242 : i32 to index
        %swap3A_244 = arith.constant 64 : index
        %swap3A_245 = tpu.vector_load %arg11[%swap3A_243, %swap3A_244] {strides = array<i32>} : memref<1x128xi32, #tpu.memory_space<vmem>>, vector<16xi32>,
        tpu.vector_store %arg11[%swap3A_243, %swap3A_244], %gather3A_241 {strides = array<i32>} : memref<1x128xi32, #tpu.memory_space<vmem>>, vector<16xi32>,
        %gather3A_246 = tpu.vector_load_idx %arg10[%add3A_240] : memref<13520xi32, #tpu.memory_space<vmem>>[vector<16xi32>], vector<16xi32>,
        %swap3A_247 = arith.constant 0 : i32
        %swap3A_248 = arith.index_cast %swap3A_247 : i32 to index
        %swap3A_249 = arith.constant 64 : index
        %swap3A_250 = tpu.vector_load %arg12[%swap3A_248, %swap3A_249] {strides = array<i32>} : memref<1x128xi32, #tpu.memory_space<vmem>>, vector<16xi32>,
        tpu.vector_store %arg12[%swap3A_248, %swap3A_249], %gather3A_246 {strides = array<i32>} : memref<1x128xi32, #tpu.memory_space<vmem>>, vector<16xi32>,
        %add3A_251 = arith.constant 80 : i32
        %add3A_252 = vector.broadcast %add3A_251 : i32 to vector<16xi32>
        %add3A_253 = arith.addi %add3A_252, %iota3A : vector<16xi32>
        %add3A_254 = vector.broadcast %mul3A_176 : i32 to vector<16xi32>
        %add3A_255 = arith.addi %add3A_254, %add3A_253 : vector<16xi32>
        %gather3A_256 = tpu.vector_load_idx %arg9[%add3A_255] : memref<13520xi32, #tpu.memory_space<vmem>>[vector<16xi32>], vector<16xi32>,
        %swap3A_257 = arith.constant 0 : i32
        %swap3A_258 = arith.index_cast %swap3A_257 : i32 to index
        %swap3A_259 = arith.constant 80 : index
        %swap3A_260 = tpu.vector_load %arg11[%swap3A_258, %swap3A_259] {strides = array<i32>} : memref<1x128xi32, #tpu.memory_space<vmem>>, vector<16xi32>,
        tpu.vector_store %arg11[%swap3A_258, %swap3A_259], %gather3A_256 {strides = array<i32>} : memref<1x128xi32, #tpu.memory_space<vmem>>, vector<16xi32>,
        %gather3A_261 = tpu.vector_load_idx %arg10[%add3A_255] : memref<13520xi32, #tpu.memory_space<vmem>>[vector<16xi32>], vector<16xi32>,
        %swap3A_262 = arith.constant 0 : i32
        %swap3A_263 = arith.index_cast %swap3A_262 : i32 to index
        %swap3A_264 = arith.constant 80 : index
        %swap3A_265 = tpu.vector_load %arg12[%swap3A_263, %swap3A_264] {strides = array<i32>} : memref<1x128xi32, #tpu.memory_space<vmem>>, vector<16xi32>,
        tpu.vector_store %arg12[%swap3A_263, %swap3A_264], %gather3A_261 {strides = array<i32>} : memref<1x128xi32, #tpu.memory_space<vmem>>, vector<16xi32>,
        %add3A_266 = arith.constant 96 : i32
        %add3A_267 = vector.broadcast %add3A_266 : i32 to vector<16xi32>
        %add3A_268 = arith.addi %add3A_267, %iota3A : vector<16xi32>
        %add3A_269 = vector.broadcast %mul3A_176 : i32 to vector<16xi32>
        %add3A_270 = arith.addi %add3A_269, %add3A_268 : vector<16xi32>
        %gather3A_271 = tpu.vector_load_idx %arg9[%add3A_270] : memref<13520xi32, #tpu.memory_space<vmem>>[vector<16xi32>], vector<16xi32>,
        %swap3A_272 = arith.constant 0 : i32
        %swap3A_273 = arith.index_cast %swap3A_272 : i32 to index
        %swap3A_274 = arith.constant 96 : index
        %swap3A_275 = tpu.vector_load %arg11[%swap3A_273, %swap3A_274] {strides = array<i32>} : memref<1x128xi32, #tpu.memory_space<vmem>>, vector<16xi32>,
        tpu.vector_store %arg11[%swap3A_273, %swap3A_274], %gather3A_271 {strides = array<i32>} : memref<1x128xi32, #tpu.memory_space<vmem>>, vector<16xi32>,
        %gather3A_276 = tpu.vector_load_idx %arg10[%add3A_270] : memref<13520xi32, #tpu.memory_space<vmem>>[vector<16xi32>], vector<16xi32>,
        %swap3A_277 = arith.constant 0 : i32
        %swap3A_278 = arith.index_cast %swap3A_277 : i32 to index
        %swap3A_279 = arith.constant 96 : index
        %swap3A_280 = tpu.vector_load %arg12[%swap3A_278, %swap3A_279] {strides = array<i32>} : memref<1x128xi32, #tpu.memory_space<vmem>>, vector<16xi32>,
        tpu.vector_store %arg12[%swap3A_278, %swap3A_279], %gather3A_276 {strides = array<i32>} : memref<1x128xi32, #tpu.memory_space<vmem>>, vector<16xi32>,
        %add3A_281 = arith.constant 112 : i32
        %add3A_282 = vector.broadcast %add3A_281 : i32 to vector<16xi32>
        %add3A_283 = arith.addi %add3A_282, %iota3A : vector<16xi32>
        %add3A_284 = vector.broadcast %mul3A_176 : i32 to vector<16xi32>
        %add3A_285 = arith.addi %add3A_284, %add3A_283 : vector<16xi32>
        %gather3A_286 = tpu.vector_load_idx %arg9[%add3A_285] : memref<13520xi32, #tpu.memory_space<vmem>>[vector<16xi32>], vector<16xi32>,
        %swap3A_287 = arith.constant 0 : i32
        %swap3A_288 = arith.index_cast %swap3A_287 : i32 to index
        %swap3A_289 = arith.constant 112 : index
        %swap3A_290 = tpu.vector_load %arg11[%swap3A_288, %swap3A_289] {strides = array<i32>} : memref<1x128xi32, #tpu.memory_space<vmem>>, vector<16xi32>,
        tpu.vector_store %arg11[%swap3A_288, %swap3A_289], %gather3A_286 {strides = array<i32>} : memref<1x128xi32, #tpu.memory_space<vmem>>, vector<16xi32>,
        %gather3A_291 = tpu.vector_load_idx %arg10[%add3A_285] : memref<13520xi32, #tpu.memory_space<vmem>>[vector<16xi32>], vector<16xi32>,
        %swap3A_292 = arith.constant 0 : i32
        %swap3A_293 = arith.index_cast %swap3A_292 : i32 to index
        %swap3A_294 = arith.constant 112 : index
        %swap3A_295 = tpu.vector_load %arg12[%swap3A_293, %swap3A_294] {strides = array<i32>} : memref<1x128xi32, #tpu.memory_space<vmem>>, vector<16xi32>,
        tpu.vector_store %arg12[%swap3A_293, %swap3A_294], %gather3A_291 {strides = array<i32>} : memref<1x128xi32, #tpu.memory_space<vmem>>, vector<16xi32>,
        %dma_start3A_296 = arith.constant 0 : i32
        %dma_start3A_297 = arith.constant 0 : i32
        %dma_start3A_298 = tpu.memref_slice %arg11[%dma_start3A_296, %dma_start3A_297] : memref<1x128xi32, #tpu.memory_space<vmem>> -> memref<1x128xi32, #tpu.memory_space<vmem>>
        %dma_start3A_299 = tpu.memref_squeeze %dma_start3A_298 : memref<1x128xi32, #tpu.memory_space<vmem>> -> memref<128xi32, #tpu.memory_space<vmem>>
        %dma_start3A_300 = arith.constant 0 : i32
        %dma_start3A_301 = arith.constant 0 : i32
        %dma_start3A_302 = tpu.memref_slice %arg2[%dma_start3A_300, %dma_start3A_301] : memref<32000x128xf32, #tpu.memory_space<hbm>> -> memref<32000x128xf32, #tpu.memory_space<hbm>>
        tpu.enqueue_indirect_dma source(%dma_start3A_302 : memref<32000x128xf32, #tpu.memory_space<hbm>>) target(%arg13 : memref<128x128xf32, #tpu.memory_space<vmem>>) offsets(%dma_start3A_299 : memref<128xi32, #tpu.memory_space<vmem>>) semaphore(%arg16 : memref<!tpu.dma_semaphore, #tpu.memory_space<semaphore_mem>>)
        %dma_wait3A_303 = arith.constant 0 : i32
        %dma_wait3A_304 = arith.constant 0 : i32
        %dma_wait3A_305 = tpu.memref_slice %arg11[%dma_wait3A_303, %dma_wait3A_304] : memref<1x128xi32, #tpu.memory_space<vmem>> -> memref<1x128xi32, #tpu.memory_space<vmem>>
        %dma_wait3A_306 = tpu.memref_squeeze %dma_wait3A_305 : memref<1x128xi32, #tpu.memory_space<vmem>> -> memref<128xi32, #tpu.memory_space<vmem>>
        %dma_wait3A_307 = arith.constant 0 : i32
        %dma_wait3A_308 = arith.constant 0 : i32
        %dma_wait3A_309 = tpu.memref_slice %arg2[%dma_wait3A_307, %dma_wait3A_308] : memref<32000x128xf32, #tpu.memory_space<hbm>> -> memref<32000x128xf32, #tpu.memory_space<hbm>>
        tpu.wait_indirect_dma semaphore(%arg16 : memref<!tpu.dma_semaphore, #tpu.memory_space<semaphore_mem>>) src(%dma_wait3A_309 : memref<32000x128xf32, #tpu.memory_space<hbm>>) dst(%arg13 : memref<128x128xf32, #tpu.memory_space<vmem>>)
        %dma_start3A_310 = arith.constant 0 : i32
        %dma_start3A_311 = arith.constant 0 : i32
        %dma_start3A_312 = tpu.memref_slice %arg12[%dma_start3A_310, %dma_start3A_311] : memref<1x128xi32, #tpu.memory_space<vmem>> -> memref<1x128xi32, #tpu.memory_space<vmem>>
        %dma_start3A_313 = tpu.memref_squeeze %dma_start3A_312 : memref<1x128xi32, #tpu.memory_space<vmem>> -> memref<128xi32, #tpu.memory_space<vmem>>
        %dma_start3A_314 = arith.constant 0 : i32
        %dma_start3A_315 = arith.constant 0 : i32
        %dma_start3A_316 = tpu.memref_slice %arg4[%dma_start3A_314, %dma_start3A_315] : memref<428544x128xf32, #tpu.memory_space<hbm>> -> memref<428544x128xf32, #tpu.memory_space<hbm>>
        tpu.enqueue_indirect_dma source(%arg13 : memref<128x128xf32, #tpu.memory_space<vmem>>) target(%dma_start3A_316 : memref<428544x128xf32, #tpu.memory_space<hbm>>) offsets(%dma_start3A_313 : memref<128xi32, #tpu.memory_space<vmem>>) semaphore(%arg17 : memref<!tpu.dma_semaphore, #tpu.memory_space<semaphore_mem>>)
        %dma_wait3A_317 = arith.constant 0 : i32
        %dma_wait3A_318 = arith.constant 0 : i32
        %dma_wait3A_319 = tpu.memref_slice %arg12[%dma_wait3A_317, %dma_wait3A_318] : memref<1x128xi32, #tpu.memory_space<vmem>> -> memref<1x128xi32, #tpu.memory_space<vmem>>
        %dma_wait3A_320 = tpu.memref_squeeze %dma_wait3A_319 : memref<1x128xi32, #tpu.memory_space<vmem>> -> memref<128xi32, #tpu.memory_space<vmem>>
        %dma_wait3A_321 = arith.constant 0 : i32
        %dma_wait3A_322 = arith.constant 0 : i32
        %dma_wait3A_323 = tpu.memref_slice %arg4[%dma_wait3A_321, %dma_wait3A_322] : memref<428544x128xf32, #tpu.memory_space<hbm>> -> memref<428544x128xf32, #tpu.memory_space<hbm>>
        tpu.wait_indirect_dma semaphore(%arg17 : memref<!tpu.dma_semaphore, #tpu.memory_space<semaphore_mem>>) src(%arg13 : memref<128x128xf32, #tpu.memory_space<vmem>>) dst(%dma_wait3A_323 : memref<428544x128xf32, #tpu.memory_space<hbm>>)
      }
      %while3A_173 = arith.constant 1 : i32
      scf.for %while3A_174 = %while3A_171 to %while3A_167 step %while3A_173  : i32 {
        %mul3A_175 = arith.constant 128 : i32
        %mul3A_176 = arith.muli %while3A_174, %mul3A_175 : i32
        %add3A_177 = arith.constant 0 : i32
        %add3A_178 = vector.broadcast %add3A_177 : i32 to vector<16xi32>
        %add3A_179 = arith.addi %add3A_178, %iota3A : vector<16xi32>
        %add3A_180 = vector.broadcast %mul3A_176 : i32 to vector<16xi32>
        %add3A_181 = arith.addi %add3A_180, %add3A_179 : vector<16xi32>
        %gather3A_182 = tpu.vector_load_idx %arg9[%add3A_181] : memref<13520xi32, #tpu.memory_space<vmem>>[vector<16xi32>], vector<16xi32>,
        %swap3A = arith.constant 0 : i32
        %swap3A_183 = arith.index_cast %swap3A : i32 to index
        %swap3A_184 = arith.constant 0 : index
        %swap3A_185 = tpu.vector_load %arg11[%swap3A_183, %swap3A_184] {strides = array<i32>} : memref<1x128xi32, #tpu.memory_space<vmem>>, vector<16xi32>,
        tpu.vector_store %arg11[%swap3A_183, %swap3A_184], %gather3A_182 {strides = array<i32>} : memref<1x128xi32, #tpu.memory_space<vmem>>, vector<16xi32>,
        %gather3A_186 = tpu.vector_load_idx %arg10[%add3A_181] : memref<13520xi32, #tpu.memory_space<vmem>>[vector<16xi32>], vector<16xi32>,
        %swap3A_187 = arith.constant 0 : i32
        %swap3A_188 = arith.index_cast %swap3A_187 : i32 to index
        %swap3A_189 = arith.constant 0 : index
        %swap3A_190 = tpu.vector_load %arg12[%swap3A_188, %swap3A_189] {strides = array<i32>} : memref<1x128xi32, #tpu.memory_space<vmem>>, vector<16xi32>,
        tpu.vector_store %arg12[%swap3A_188, %swap3A_189], %gather3A_186 {strides = array<i32>} : memref<1x128xi32, #tpu.memory_space<vmem>>, vector<16xi32>,
        %add3A_191 = arith.constant 16 : i32
        %add3A_192 = vector.broadcast %add3A_191 : i32 to vector<16xi32>
        %add3A_193 = arith.addi %add3A_192, %iota3A : vector<16xi32>
        %add3A_194 = vector.broadcast %mul3A_176 : i32 to vector<16xi32>
        %add3A_195 = arith.addi %add3A_194, %add3A_193 : vector<16xi32>
        %gather3A_196 = tpu.vector_load_idx %arg9[%add3A_195] : memref<13520xi32, #tpu.memory_space<vmem>>[vector<16xi32>], vector<16xi32>,
        %swap3A_197 = arith.constant 0 : i32
        %swap3A_198 = arith.index_cast %swap3A_197 : i32 to index
        %swap3A_199 = arith.constant 16 : index
        %swap3A_200 = tpu.vector_load %arg11[%swap3A_198, %swap3A_199] {strides = array<i32>} : memref<1x128xi32, #tpu.memory_space<vmem>>, vector<16xi32>,
        tpu.vector_store %arg11[%swap3A_198, %swap3A_199], %gather3A_196 {strides = array<i32>} : memref<1x128xi32, #tpu.memory_space<vmem>>, vector<16xi32>,
        %gather3A_201 = tpu.vector_load_idx %arg10[%add3A_195] : memref<13520xi32, #tpu.memory_space<vmem>>[vector<16xi32>], vector<16xi32>,
        %swap3A_202 = arith.constant 0 : i32
        %swap3A_203 = arith.index_cast %swap3A_202 : i32 to index
        %swap3A_204 = arith.constant 16 : index
        %swap3A_205 = tpu.vector_load %arg12[%swap3A_203, %swap3A_204] {strides = array<i32>} : memref<1x128xi32, #tpu.memory_space<vmem>>, vector<16xi32>,
        tpu.vector_store %arg12[%swap3A_203, %swap3A_204], %gather3A_201 {strides = array<i32>} : memref<1x128xi32, #tpu.memory_space<vmem>>, vector<16xi32>,
        %add3A_206 = arith.constant 32 : i32
        %add3A_207 = vector.broadcast %add3A_206 : i32 to vector<16xi32>
        %add3A_208 = arith.addi %add3A_207, %iota3A : vector<16xi32>
        %add3A_209 = vector.broadcast %mul3A_176 : i32 to vector<16xi32>
        %add3A_210 = arith.addi %add3A_209, %add3A_208 : vector<16xi32>
        %gather3A_211 = tpu.vector_load_idx %arg9[%add3A_210] : memref<13520xi32, #tpu.memory_space<vmem>>[vector<16xi32>], vector<16xi32>,
        %swap3A_212 = arith.constant 0 : i32
        %swap3A_213 = arith.index_cast %swap3A_212 : i32 to index
        %swap3A_214 = arith.constant 32 : index
        %swap3A_215 = tpu.vector_load %arg11[%swap3A_213, %swap3A_214] {strides = array<i32>} : memref<1x128xi32, #tpu.memory_space<vmem>>, vector<16xi32>,
        tpu.vector_store %arg11[%swap3A_213, %swap3A_214], %gather3A_211 {strides = array<i32>} : memref<1x128xi32, #tpu.memory_space<vmem>>, vector<16xi32>,
        %gather3A_216 = tpu.vector_load_idx %arg10[%add3A_210] : memref<13520xi32, #tpu.memory_space<vmem>>[vector<16xi32>], vector<16xi32>,
        %swap3A_217 = arith.constant 0 : i32
        %swap3A_218 = arith.index_cast %swap3A_217 : i32 to index
        %swap3A_219 = arith.constant 32 : index
        %swap3A_220 = tpu.vector_load %arg12[%swap3A_218, %swap3A_219] {strides = array<i32>} : memref<1x128xi32, #tpu.memory_space<vmem>>, vector<16xi32>,
        tpu.vector_store %arg12[%swap3A_218, %swap3A_219], %gather3A_216 {strides = array<i32>} : memref<1x128xi32, #tpu.memory_space<vmem>>, vector<16xi32>,
        %add3A_221 = arith.constant 48 : i32
        %add3A_222 = vector.broadcast %add3A_221 : i32 to vector<16xi32>
        %add3A_223 = arith.addi %add3A_222, %iota3A : vector<16xi32>
        %add3A_224 = vector.broadcast %mul3A_176 : i32 to vector<16xi32>
        %add3A_225 = arith.addi %add3A_224, %add3A_223 : vector<16xi32>
        %gather3A_226 = tpu.vector_load_idx %arg9[%add3A_225] : memref<13520xi32, #tpu.memory_space<vmem>>[vector<16xi32>], vector<16xi32>,
        %swap3A_227 = arith.constant 0 : i32
        %swap3A_228 = arith.index_cast %swap3A_227 : i32 to index
        %swap3A_229 = arith.constant 48 : index
        %swap3A_230 = tpu.vector_load %arg11[%swap3A_228, %swap3A_229] {strides = array<i32>} : memref<1x128xi32, #tpu.memory_space<vmem>>, vector<16xi32>,
        tpu.vector_store %arg11[%swap3A_228, %swap3A_229], %gather3A_226 {strides = array<i32>} : memref<1x128xi32, #tpu.memory_space<vmem>>, vector<16xi32>,
        %gather3A_231 = tpu.vector_load_idx %arg10[%add3A_225] : memref<13520xi32, #tpu.memory_space<vmem>>[vector<16xi32>], vector<16xi32>,
        %swap3A_232 = arith.constant 0 : i32
        %swap3A_233 = arith.index_cast %swap3A_232 : i32 to index
        %swap3A_234 = arith.constant 48 : index
        %swap3A_235 = tpu.vector_load %arg12[%swap3A_233, %swap3A_234] {strides = array<i32>} : memref<1x128xi32, #tpu.memory_space<vmem>>, vector<16xi32>,
        tpu.vector_store %arg12[%swap3A_233, %swap3A_234], %gather3A_231 {strides = array<i32>} : memref<1x128xi32, #tpu.memory_space<vmem>>, vector<16xi32>,
        %add3A_236 = arith.constant 64 : i32
        %add3A_237 = vector.broadcast %add3A_236 : i32 to vector<16xi32>
        %add3A_238 = arith.addi %add3A_237, %iota3A : vector<16xi32>
        %add3A_239 = vector.broadcast %mul3A_176 : i32 to vector<16xi32>
        %add3A_240 = arith.addi %add3A_239, %add3A_238 : vector<16xi32>
        %gather3A_241 = tpu.vector_load_idx %arg9[%add3A_240] : memref<13520xi32, #tpu.memory_space<vmem>>[vector<16xi32>], vector<16xi32>,
        %swap3A_242 = arith.constant 0 : i32
        %swap3A_243 = arith.index_cast %swap3A_242 : i32 to index
        %swap3A_244 = arith.constant 64 : index
        %swap3A_245 = tpu.vector_load %arg11[%swap3A_243, %swap3A_244] {strides = array<i32>} : memref<1x128xi32, #tpu.memory_space<vmem>>, vector<16xi32>,
        tpu.vector_store %arg11[%swap3A_243, %swap3A_244], %gather3A_241 {strides = array<i32>} : memref<1x128xi32, #tpu.memory_space<vmem>>, vector<16xi32>,
        %gather3A_246 = tpu.vector_load_idx %arg10[%add3A_240] : memref<13520xi32, #tpu.memory_space<vmem>>[vector<16xi32>], vector<16xi32>,
        %swap3A_247 = arith.constant 0 : i32
        %swap3A_248 = arith.index_cast %swap3A_247 : i32 to index
        %swap3A_249 = arith.constant 64 : index
        %swap3A_250 = tpu.vector_load %arg12[%swap3A_248, %swap3A_249] {strides = array<i32>} : memref<1x128xi32, #tpu.memory_space<vmem>>, vector<16xi32>,
        tpu.vector_store %arg12[%swap3A_248, %swap3A_249], %gather3A_246 {strides = array<i32>} : memref<1x128xi32, #tpu.memory_space<vmem>>, vector<16xi32>,
        %add3A_251 = arith.constant 80 : i32
        %add3A_252 = vector.broadcast %add3A_251 : i32 to vector<16xi32>
        %add3A_253 = arith.addi %add3A_252, %iota3A : vector<16xi32>
        %add3A_254 = vector.broadcast %mul3A_176 : i32 to vector<16xi32>
        %add3A_255 = arith.addi %add3A_254, %add3A_253 : vector<16xi32>
        %gather3A_256 = tpu.vector_load_idx %arg9[%add3A_255] : memref<13520xi32, #tpu.memory_space<vmem>>[vector<16xi32>], vector<16xi32>,
        %swap3A_257 = arith.constant 0 : i32
        %swap3A_258 = arith.index_cast %swap3A_257 : i32 to index
        %swap3A_259 = arith.constant 80 : index
        %swap3A_260 = tpu.vector_load %arg11[%swap3A_258, %swap3A_259] {strides = array<i32>} : memref<1x128xi32, #tpu.memory_space<vmem>>, vector<16xi32>,
        tpu.vector_store %arg11[%swap3A_258, %swap3A_259], %gather3A_256 {strides = array<i32>} : memref<1x128xi32, #tpu.memory_space<vmem>>, vector<16xi32>,
        %gather3A_261 = tpu.vector_load_idx %arg10[%add3A_255] : memref<13520xi32, #tpu.memory_space<vmem>>[vector<16xi32>], vector<16xi32>,
        %swap3A_262 = arith.constant 0 : i32
        %swap3A_263 = arith.index_cast %swap3A_262 : i32 to index
        %swap3A_264 = arith.constant 80 : index
        %swap3A_265 = tpu.vector_load %arg12[%swap3A_263, %swap3A_264] {strides = array<i32>} : memref<1x128xi32, #tpu.memory_space<vmem>>, vector<16xi32>,
        tpu.vector_store %arg12[%swap3A_263, %swap3A_264], %gather3A_261 {strides = array<i32>} : memref<1x128xi32, #tpu.memory_space<vmem>>, vector<16xi32>,
        %add3A_266 = arith.constant 96 : i32
        %add3A_267 = vector.broadcast %add3A_266 : i32 to vector<16xi32>
        %add3A_268 = arith.addi %add3A_267, %iota3A : vector<16xi32>
        %add3A_269 = vector.broadcast %mul3A_176 : i32 to vector<16xi32>
        %add3A_270 = arith.addi %add3A_269, %add3A_268 : vector<16xi32>
        %gather3A_271 = tpu.vector_load_idx %arg9[%add3A_270] : memref<13520xi32, #tpu.memory_space<vmem>>[vector<16xi32>], vector<16xi32>,
        %swap3A_272 = arith.constant 0 : i32
        %swap3A_273 = arith.index_cast %swap3A_272 : i32 to index
        %swap3A_274 = arith.constant 96 : index
        %swap3A_275 = tpu.vector_load %arg11[%swap3A_273, %swap3A_274] {strides = array<i32>} : memref<1x128xi32, #tpu.memory_space<vmem>>, vector<16xi32>,
        tpu.vector_store %arg11[%swap3A_273, %swap3A_274], %gather3A_271 {strides = array<i32>} : memref<1x128xi32, #tpu.memory_space<vmem>>, vector<16xi32>,
        %gather3A_276 = tpu.vector_load_idx %arg10[%add3A_270] : memref<13520xi32, #tpu.memory_space<vmem>>[vector<16xi32>], vector<16xi32>,
        %swap3A_277 = arith.constant 0 : i32
        %swap3A_278 = arith.index_cast %swap3A_277 : i32 to index
        %swap3A_279 = arith.constant 96 : index
        %swap3A_280 = tpu.vector_load %arg12[%swap3A_278, %swap3A_279] {strides = array<i32>} : memref<1x128xi32, #tpu.memory_space<vmem>>, vector<16xi32>,
        tpu.vector_store %arg12[%swap3A_278, %swap3A_279], %gather3A_276 {strides = array<i32>} : memref<1x128xi32, #tpu.memory_space<vmem>>, vector<16xi32>,
        %add3A_281 = arith.constant 112 : i32
        %add3A_282 = vector.broadcast %add3A_281 : i32 to vector<16xi32>
        %add3A_283 = arith.addi %add3A_282, %iota3A : vector<16xi32>
        %add3A_284 = vector.broadcast %mul3A_176 : i32 to vector<16xi32>
        %add3A_285 = arith.addi %add3A_284, %add3A_283 : vector<16xi32>
        %gather3A_286 = tpu.vector_load_idx %arg9[%add3A_285] : memref<13520xi32, #tpu.memory_space<vmem>>[vector<16xi32>], vector<16xi32>,
        %swap3A_287 = arith.constant 0 : i32
        %swap3A_288 = arith.index_cast %swap3A_287 : i32 to index
        %swap3A_289 = arith.constant 112 : index
        %swap3A_290 = tpu.vector_load %arg11[%swap3A_288, %swap3A_289] {strides = array<i32>} : memref<1x128xi32, #tpu.memory_space<vmem>>, vector<16xi32>,
        tpu.vector_store %arg11[%swap3A_288, %swap3A_289], %gather3A_286 {strides = array<i32>} : memref<1x128xi32, #tpu.memory_space<vmem>>, vector<16xi32>,
        %gather3A_291 = tpu.vector_load_idx %arg10[%add3A_285] : memref<13520xi32, #tpu.memory_space<vmem>>[vector<16xi32>], vector<16xi32>,
        %swap3A_292 = arith.constant 0 : i32
        %swap3A_293 = arith.index_cast %swap3A_292 : i32 to index
        %swap3A_294 = arith.constant 112 : index
        %swap3A_295 = tpu.vector_load %arg12[%swap3A_293, %swap3A_294] {strides = array<i32>} : memref<1x128xi32, #tpu.memory_space<vmem>>, vector<16xi32>,
        tpu.vector_store %arg12[%swap3A_293, %swap3A_294], %gather3A_291 {strides = array<i32>} : memref<1x128xi32, #tpu.memory_space<vmem>>, vector<16xi32>,
        %dma_start3A_296 = arith.constant 0 : i32
        %dma_start3A_297 = arith.constant 0 : i32
        %dma_start3A_298 = tpu.memref_slice %arg11[%dma_start3A_296, %dma_start3A_297] : memref<1x128xi32, #tpu.memory_space<vmem>> -> memref<1x128xi32, #tpu.memory_space<vmem>>
        %dma_start3A_299 = tpu.memref_squeeze %dma_start3A_298 : memref<1x128xi32, #tpu.memory_space<vmem>> -> memref<128xi32, #tpu.memory_space<vmem>>
        %dma_start3A_300 = arith.constant 0 : i32
        %dma_start3A_301 = arith.constant 0 : i32
        %dma_start3A_302 = tpu.memref_slice %arg2[%dma_start3A_300, %dma_start3A_301] : memref<32000x128xf32, #tpu.memory_space<hbm>> -> memref<32000x128xf32, #tpu.memory_space<hbm>>
        tpu.enqueue_indirect_dma source(%dma_start3A_302 : memref<32000x128xf32, #tpu.memory_space<hbm>>) target(%arg13 : memref<128x128xf32, #tpu.memory_space<vmem>>) offsets(%dma_start3A_299 : memref<128xi32, #tpu.memory_space<vmem>>) semaphore(%arg16 : memref<!tpu.dma_semaphore, #tpu.memory_space<semaphore_mem>>)
        %dma_wait3A_303 = arith.constant 0 : i32
        %dma_wait3A_304 = arith.constant 0 : i32
        %dma_wait3A_305 = tpu.memref_slice %arg11[%dma_wait3A_303, %dma_wait3A_304] : memref<1x128xi32, #tpu.memory_space<vmem>> -> memref<1x128xi32, #tpu.memory_space<vmem>>
        %dma_wait3A_306 = tpu.memref_squeeze %dma_wait3A_305 : memref<1x128xi32, #tpu.memory_space<vmem>> -> memref<128xi32, #tpu.memory_space<vmem>>
        %dma_wait3A_307 = arith.constant 0 : i32
        %dma_wait3A_308 = arith.constant 0 : i32
        %dma_wait3A_309 = tpu.memref_slice %arg2[%dma_wait3A_307, %dma_wait3A_308] : memref<32000x128xf32, #tpu.memory_space<hbm>> -> memref<32000x128xf32, #tpu.memory_space<hbm>>
        tpu.wait_indirect_dma semaphore(%arg16 : memref<!tpu.dma_semaphore, #tpu.memory_space<semaphore_mem>>) src(%dma_wait3A_309 : memref<32000x128xf32, #tpu.memory_space<hbm>>) dst(%arg13 : memref<128x128xf32, #tpu.memory_space<vmem>>)
        %dma_start3A_310 = arith.constant 0 : i32
        %dma_start3A_311 = arith.constant 0 : i32
        %dma_start3A_312 = tpu.memref_slice %arg12[%dma_start3A_310, %dma_start3A_311] : memref<1x128xi32, #tpu.memory_space<vmem>> -> memref<1x128xi32, #tpu.memory_space<vmem>>
        %dma_start3A_313 = tpu.memref_squeeze %dma_start3A_312 : memref<1x128xi32, #tpu.memory_space<vmem>> -> memref<128xi32, #tpu.memory_space<vmem>>
        %dma_start3A_314 = arith.constant 0 : i32
        %dma_start3A_315 = arith.constant 0 : i32
        %dma_start3A_316 = tpu.memref_slice %arg4[%dma_start3A_314, %dma_start3A_315] : memref<428544x128xf32, #tpu.memory_space<hbm>> -> memref<428544x128xf32, #tpu.memory_space<hbm>>
        tpu.enqueue_indirect_dma source(%arg13 : memref<128x128xf32, #tpu.memory_space<vmem>>) target(%dma_start3A_316 : memref<428544x128xf32, #tpu.memory_space<hbm>>) offsets(%dma_start3A_313 : memref<128xi32, #tpu.memory_space<vmem>>) semaphore(%arg17 : memref<!tpu.dma_semaphore, #tpu.memory_space<semaphore_mem>>)
        %dma_wait3A_317 = arith.constant 0 : i32
        %dma_wait3A_318 = arith.constant 0 : i32
        %dma_wait3A_319 = tpu.memref_slice %arg12[%dma_wait3A_317, %dma_wait3A_318] : memref<1x128xi32, #tpu.memory_space<vmem>> -> memref<1x128xi32, #tpu.memory_space<vmem>>
        %dma_wait3A_320 = tpu.memref_squeeze %dma_wait3A_319 : memref<1x128xi32, #tpu.memory_space<vmem>> -> memref<128xi32, #tpu.memory_space<vmem>>
        %dma_wait3A_321 = arith.constant 0 : i32
        %dma_wait3A_322 = arith.constant 0 : i32
        %dma_wait3A_323 = tpu.memref_slice %arg4[%dma_wait3A_321, %dma_wait3A_322] : memref<428544x128xf32, #tpu.memory_space<hbm>> -> memref<428544x128xf32, #tpu.memory_space<hbm>>
        tpu.wait_indirect_dma semaphore(%arg17 : memref<!tpu.dma_semaphore, #tpu.memory_space<semaphore_mem>>) src(%arg13 : memref<128x128xf32, #tpu.memory_space<vmem>>) dst(%dma_wait3A_323 : memref<428544x128xf32, #tpu.memory_space<hbm>>)
      }
    } else {
    }
    return
  }
}

module attributes {stable_mosaic.version = 14 : i64} {
  func.func @_tr_body(%arg0: i32, %arg1: memref<6912x128xf32, #tpu.memory_space<vmem>>, %arg2: memref<16x432xi32, #tpu.memory_space<vmem>>, %arg3: memref<1x64x16x432xf32, #tpu.memory_space<vmem>>, %arg4: memref<1x3x16x432xf32, #tpu.memory_space<vmem>>) attributes {dimension_semantics = [#tpu.dimension_semantics<arbitrary>], iteration_bounds = array<i64: 62>, scalar_prefetch = 0 : i64, scratch_operands = 0 : i64, tpu.core_type = #tpu.core_type<tc>, window_params = [{transform_indices = @transform_0, window_bounds = array<i64: 6912, 128>}, {transform_indices = @transform_1, window_bounds = array<i64: 16, 432>}, {transform_indices = @transform_2, window_bounds = array<i64: 1, 64, 16, 432>}, {transform_indices = @transform_3, window_bounds = array<i64: 1, 3, 16, 432>}]} {
    %get3A = arith.constant 0 : index
    %get3A_0 = arith.constant 0 : index
    %get3A_1 = vector.load %arg1[%get3A, %get3A_0] : memref<6912x128xf32, #tpu.memory_space<vmem>>, vector<432x128xf32>
    %get3A_2 = arith.constant 0 : index
    %get3A_3 = arith.constant 0 : index
    %get3A_4 = vector.load %arg2[%get3A_2, %get3A_3] : memref<16x432xi32, #tpu.memory_space<vmem>>, vector<1x432xi32>
    %get3A_5 = vector.shape_cast %get3A_4 : vector<1x432xi32> to vector<432xi32>
    %ge3A = arith.constant 0 : i32
    %ge3A_6 = vector.broadcast %ge3A : i32 to vector<432xi32>
    %ge3A_7 = arith.cmpi sge, %get3A_5, %ge3A_6 : vector<432xi32>
    %broadcast_in_dim3A = vector.shape_cast %ge3A_7 : vector<432xi1> to vector<1x432xi1>
    %slice3A = vector.extract_strided_slice %get3A_1 {offsets = [0, 0], sizes = [432, 64], strides = [1, 1]} : vector<432x128xf32> to vector<432x64xf32>
    %transpose3A = tpu.transpose %slice3A, [1, 0] : vector<432x64xf32> -> vector<64x432xf32>
    %jit3A = arith.constant 0.000000e+00 : f32
    %broadcast_in_dim3A_8 = vector.shape_cast %broadcast_in_dim3A : vector<1x432xi1> to vector<1x432xi1>
    %broadcast_in_dim3A_9 = vector.broadcast %broadcast_in_dim3A_8 : vector<1x432xi1> to vector<64x432xi1>
    %broadcast_in_dim3A_10 = vector.broadcast %jit3A : f32 to vector<64x432xf32>
    %select_n3A = arith.select %broadcast_in_dim3A_9, %transpose3A, %broadcast_in_dim3A_10 : vector<64x432xi1>, vector<64x432xf32>
    %swap3A = arith.constant 0 : index
    %swap3A_11 = arith.constant 0 : index
    %swap3A_12 = arith.constant 0 : index
    %swap3A_13 = arith.constant 0 : index
    %swap3A_14 = vector.load %arg3[%swap3A, %swap3A_11, %swap3A_12, %swap3A_13] : memref<1x64x16x432xf32, #tpu.memory_space<vmem>>, vector<1x64x1x432xf32>
    %swap3A_15 = vector.shape_cast %swap3A_14 : vector<1x64x1x432xf32> to vector<64x432xf32>
    %swap3A_16 = vector.shape_cast %select_n3A : vector<64x432xf32> to vector<1x64x1x432xf32>
    tpu.vector_store %arg3[%swap3A, %swap3A_11, %swap3A_12, %swap3A_13], %swap3A_16 {strides = array<i32>} : memref<1x64x16x432xf32, #tpu.memory_space<vmem>>, vector<1x64x1x432xf32>,
    %slice3A_17 = vector.extract_strided_slice %get3A_1 {offsets = [0, 64], sizes = [432, 3], strides = [1, 1]} : vector<432x128xf32> to vector<432x3xf32>
    %transpose3A_18 = tpu.transpose %slice3A_17, [1, 0] : vector<432x3xf32> -> vector<3x432xf32>
    %jit3A_19 = arith.constant 0.000000e+00 : f32
    %broadcast_in_dim3A_20 = vector.shape_cast %broadcast_in_dim3A : vector<1x432xi1> to vector<1x432xi1>
    %broadcast_in_dim3A_21 = vector.broadcast %broadcast_in_dim3A_20 : vector<1x432xi1> to vector<3x432xi1>
    %broadcast_in_dim3A_22 = vector.broadcast %jit3A_19 : f32 to vector<3x432xf32>
    %select_n3A_23 = arith.select %broadcast_in_dim3A_21, %transpose3A_18, %broadcast_in_dim3A_22 : vector<3x432xi1>, vector<3x432xf32>
    %swap3A_24 = arith.constant 0 : index
    %swap3A_25 = arith.constant 0 : index
    %swap3A_26 = arith.constant 0 : index
    %swap3A_27 = arith.constant 0 : index
    %swap3A_28 = vector.load %arg4[%swap3A_24, %swap3A_25, %swap3A_26, %swap3A_27] : memref<1x3x16x432xf32, #tpu.memory_space<vmem>>, vector<1x3x1x432xf32>
    %swap3A_29 = vector.shape_cast %swap3A_28 : vector<1x3x1x432xf32> to vector<3x432xf32>
    %swap3A_30 = vector.shape_cast %select_n3A_23 : vector<3x432xf32> to vector<1x3x1x432xf32>
    tpu.vector_store %arg4[%swap3A_24, %swap3A_25, %swap3A_26, %swap3A_27], %swap3A_30 {strides = array<i32>} : memref<1x3x16x432xf32, #tpu.memory_space<vmem>>, vector<1x3x1x432xf32>,
    %get3A_31 = arith.constant 432 : index
    %get3A_32 = arith.constant 0 : index
    %get3A_33 = vector.load %arg1[%get3A_31, %get3A_32] : memref<6912x128xf32, #tpu.memory_space<vmem>>, vector<432x128xf32>
    %get3A_34 = arith.constant 1 : index
    %get3A_35 = arith.constant 0 : index
    %get3A_36 = vector.load %arg2[%get3A_34, %get3A_35] : memref<16x432xi32, #tpu.memory_space<vmem>>, vector<1x432xi32>
    %get3A_37 = vector.shape_cast %get3A_36 : vector<1x432xi32> to vector<432xi32>
    %ge3A_38 = arith.constant 0 : i32
    %ge3A_39 = vector.broadcast %ge3A_38 : i32 to vector<432xi32>
    %ge3A_40 = arith.cmpi sge, %get3A_37, %ge3A_39 : vector<432xi32>
    %broadcast_in_dim3A_41 = vector.shape_cast %ge3A_40 : vector<432xi1> to vector<1x432xi1>
    %slice3A_42 = vector.extract_strided_slice %get3A_33 {offsets = [0, 0], sizes = [432, 64], strides = [1, 1]} : vector<432x128xf32> to vector<432x64xf32>
    %transpose3A_43 = tpu.transpose %slice3A_42, [1, 0] : vector<432x64xf32> -> vector<64x432xf32>
    %jit3A_44 = arith.constant 0.000000e+00 : f32
    %broadcast_in_dim3A_45 = vector.shape_cast %broadcast_in_dim3A_41 : vector<1x432xi1> to vector<1x432xi1>
    %broadcast_in_dim3A_46 = vector.broadcast %broadcast_in_dim3A_45 : vector<1x432xi1> to vector<64x432xi1>
    %broadcast_in_dim3A_47 = vector.broadcast %jit3A_44 : f32 to vector<64x432xf32>
    %select_n3A_48 = arith.select %broadcast_in_dim3A_46, %transpose3A_43, %broadcast_in_dim3A_47 : vector<64x432xi1>, vector<64x432xf32>
    %swap3A_49 = arith.constant 0 : index
    %swap3A_50 = arith.constant 0 : index
    %swap3A_51 = arith.constant 1 : index
    %swap3A_52 = arith.constant 0 : index
    %swap3A_53 = vector.load %arg3[%swap3A_49, %swap3A_50, %swap3A_51, %swap3A_52] : memref<1x64x16x432xf32, #tpu.memory_space<vmem>>, vector<1x64x1x432xf32>
    %swap3A_54 = vector.shape_cast %swap3A_53 : vector<1x64x1x432xf32> to vector<64x432xf32>
    %swap3A_55 = vector.shape_cast %select_n3A_48 : vector<64x432xf32> to vector<1x64x1x432xf32>
    tpu.vector_store %arg3[%swap3A_49, %swap3A_50, %swap3A_51, %swap3A_52], %swap3A_55 {strides = array<i32>} : memref<1x64x16x432xf32, #tpu.memory_space<vmem>>, vector<1x64x1x432xf32>,
    %slice3A_56 = vector.extract_strided_slice %get3A_33 {offsets = [0, 64], sizes = [432, 3], strides = [1, 1]} : vector<432x128xf32> to vector<432x3xf32>
    %transpose3A_57 = tpu.transpose %slice3A_56, [1, 0] : vector<432x3xf32> -> vector<3x432xf32>
    %jit3A_58 = arith.constant 0.000000e+00 : f32
    %broadcast_in_dim3A_59 = vector.shape_cast %broadcast_in_dim3A_41 : vector<1x432xi1> to vector<1x432xi1>
    %broadcast_in_dim3A_60 = vector.broadcast %broadcast_in_dim3A_59 : vector<1x432xi1> to vector<3x432xi1>
    %broadcast_in_dim3A_61 = vector.broadcast %jit3A_58 : f32 to vector<3x432xf32>
    %select_n3A_62 = arith.select %broadcast_in_dim3A_60, %transpose3A_57, %broadcast_in_dim3A_61 : vector<3x432xi1>, vector<3x432xf32>
    %swap3A_63 = arith.constant 0 : index
    %swap3A_64 = arith.constant 0 : index
    %swap3A_65 = arith.constant 1 : index
    %swap3A_66 = arith.constant 0 : index
    %swap3A_67 = vector.load %arg4[%swap3A_63, %swap3A_64, %swap3A_65, %swap3A_66] : memref<1x3x16x432xf32, #tpu.memory_space<vmem>>, vector<1x3x1x432xf32>
    %swap3A_68 = vector.shape_cast %swap3A_67 : vector<1x3x1x432xf32> to vector<3x432xf32>
    %swap3A_69 = vector.shape_cast %select_n3A_62 : vector<3x432xf32> to vector<1x3x1x432xf32>
    tpu.vector_store %arg4[%swap3A_63, %swap3A_64, %swap3A_65, %swap3A_66], %swap3A_69 {strides = array<i32>} : memref<1x3x16x432xf32, #tpu.memory_space<vmem>>, vector<1x3x1x432xf32>,
    %get3A_70 = arith.constant 864 : index
    %get3A_71 = arith.constant 0 : index
    %get3A_72 = vector.load %arg1[%get3A_70, %get3A_71] : memref<6912x128xf32, #tpu.memory_space<vmem>>, vector<432x128xf32>
    %get3A_73 = arith.constant 2 : index
    %get3A_74 = arith.constant 0 : index
    %get3A_75 = vector.load %arg2[%get3A_73, %get3A_74] : memref<16x432xi32, #tpu.memory_space<vmem>>, vector<1x432xi32>
    %get3A_76 = vector.shape_cast %get3A_75 : vector<1x432xi32> to vector<432xi32>
    %ge3A_77 = arith.constant 0 : i32
    %ge3A_78 = vector.broadcast %ge3A_77 : i32 to vector<432xi32>
    %ge3A_79 = arith.cmpi sge, %get3A_76, %ge3A_78 : vector<432xi32>
    %broadcast_in_dim3A_80 = vector.shape_cast %ge3A_79 : vector<432xi1> to vector<1x432xi1>
    %slice3A_81 = vector.extract_strided_slice %get3A_72 {offsets = [0, 0], sizes = [432, 64], strides = [1, 1]} : vector<432x128xf32> to vector<432x64xf32>
    %transpose3A_82 = tpu.transpose %slice3A_81, [1, 0] : vector<432x64xf32> -> vector<64x432xf32>
    %jit3A_83 = arith.constant 0.000000e+00 : f32
    %broadcast_in_dim3A_84 = vector.shape_cast %broadcast_in_dim3A_80 : vector<1x432xi1> to vector<1x432xi1>
    %broadcast_in_dim3A_85 = vector.broadcast %broadcast_in_dim3A_84 : vector<1x432xi1> to vector<64x432xi1>
    %broadcast_in_dim3A_86 = vector.broadcast %jit3A_83 : f32 to vector<64x432xf32>
    %select_n3A_87 = arith.select %broadcast_in_dim3A_85, %transpose3A_82, %broadcast_in_dim3A_86 : vector<64x432xi1>, vector<64x432xf32>
    %swap3A_88 = arith.constant 0 : index
    %swap3A_89 = arith.constant 0 : index
    %swap3A_90 = arith.constant 2 : index
    %swap3A_91 = arith.constant 0 : index
    %swap3A_92 = vector.load %arg3[%swap3A_88, %swap3A_89, %swap3A_90, %swap3A_91] : memref<1x64x16x432xf32, #tpu.memory_space<vmem>>, vector<1x64x1x432xf32>
    %swap3A_93 = vector.shape_cast %swap3A_92 : vector<1x64x1x432xf32> to vector<64x432xf32>
    %swap3A_94 = vector.shape_cast %select_n3A_87 : vector<64x432xf32> to vector<1x64x1x432xf32>
    tpu.vector_store %arg3[%swap3A_88, %swap3A_89, %swap3A_90, %swap3A_91], %swap3A_94 {strides = array<i32>} : memref<1x64x16x432xf32, #tpu.memory_space<vmem>>, vector<1x64x1x432xf32>,
    %slice3A_95 = vector.extract_strided_slice %get3A_72 {offsets = [0, 64], sizes = [432, 3], strides = [1, 1]} : vector<432x128xf32> to vector<432x3xf32>
    %transpose3A_96 = tpu.transpose %slice3A_95, [1, 0] : vector<432x3xf32> -> vector<3x432xf32>
    %jit3A_97 = arith.constant 0.000000e+00 : f32
    %broadcast_in_dim3A_98 = vector.shape_cast %broadcast_in_dim3A_80 : vector<1x432xi1> to vector<1x432xi1>
    %broadcast_in_dim3A_99 = vector.broadcast %broadcast_in_dim3A_98 : vector<1x432xi1> to vector<3x432xi1>
    %broadcast_in_dim3A_100 = vector.broadcast %jit3A_97 : f32 to vector<3x432xf32>
    %select_n3A_101 = arith.select %broadcast_in_dim3A_99, %transpose3A_96, %broadcast_in_dim3A_100 : vector<3x432xi1>, vector<3x432xf32>
    %swap3A_102 = arith.constant 0 : index
    %swap3A_103 = arith.constant 0 : index
    %swap3A_104 = arith.constant 2 : index
    %swap3A_105 = arith.constant 0 : index
    %swap3A_106 = vector.load %arg4[%swap3A_102, %swap3A_103, %swap3A_104, %swap3A_105] : memref<1x3x16x432xf32, #tpu.memory_space<vmem>>, vector<1x3x1x432xf32>
    %swap3A_107 = vector.shape_cast %swap3A_106 : vector<1x3x1x432xf32> to vector<3x432xf32>
    %swap3A_108 = vector.shape_cast %select_n3A_101 : vector<3x432xf32> to vector<1x3x1x432xf32>
    tpu.vector_store %arg4[%swap3A_102, %swap3A_103, %swap3A_104, %swap3A_105], %swap3A_108 {strides = array<i32>} : memref<1x3x16x432xf32, #tpu.memory_space<vmem>>, vector<1x3x1x432xf32>,
    %get3A_109 = arith.constant 1296 : index
    %get3A_110 = arith.constant 0 : index
    %get3A_111 = vector.load %arg1[%get3A_109, %get3A_110] : memref<6912x128xf32, #tpu.memory_space<vmem>>, vector<432x128xf32>
    %get3A_112 = arith.constant 3 : index
    %get3A_113 = arith.constant 0 : index
    %get3A_114 = vector.load %arg2[%get3A_112, %get3A_113] : memref<16x432xi32, #tpu.memory_space<vmem>>, vector<1x432xi32>
    %get3A_115 = vector.shape_cast %get3A_114 : vector<1x432xi32> to vector<432xi32>
    %ge3A_116 = arith.constant 0 : i32
    %ge3A_117 = vector.broadcast %ge3A_116 : i32 to vector<432xi32>
    %ge3A_118 = arith.cmpi sge, %get3A_115, %ge3A_117 : vector<432xi32>
    %broadcast_in_dim3A_119 = vector.shape_cast %ge3A_118 : vector<432xi1> to vector<1x432xi1>
    %slice3A_120 = vector.extract_strided_slice %get3A_111 {offsets = [0, 0], sizes = [432, 64], strides = [1, 1]} : vector<432x128xf32> to vector<432x64xf32>
    %transpose3A_121 = tpu.transpose %slice3A_120, [1, 0] : vector<432x64xf32> -> vector<64x432xf32>
    %jit3A_122 = arith.constant 0.000000e+00 : f32
    %broadcast_in_dim3A_123 = vector.shape_cast %broadcast_in_dim3A_119 : vector<1x432xi1> to vector<1x432xi1>
    %broadcast_in_dim3A_124 = vector.broadcast %broadcast_in_dim3A_123 : vector<1x432xi1> to vector<64x432xi1>
    %broadcast_in_dim3A_125 = vector.broadcast %jit3A_122 : f32 to vector<64x432xf32>
    %select_n3A_126 = arith.select %broadcast_in_dim3A_124, %transpose3A_121, %broadcast_in_dim3A_125 : vector<64x432xi1>, vector<64x432xf32>
    %swap3A_127 = arith.constant 0 : index
    %swap3A_128 = arith.constant 0 : index
    %swap3A_129 = arith.constant 3 : index
    %swap3A_130 = arith.constant 0 : index
    %swap3A_131 = vector.load %arg3[%swap3A_127, %swap3A_128, %swap3A_129, %swap3A_130] : memref<1x64x16x432xf32, #tpu.memory_space<vmem>>, vector<1x64x1x432xf32>
    %swap3A_132 = vector.shape_cast %swap3A_131 : vector<1x64x1x432xf32> to vector<64x432xf32>
    %swap3A_133 = vector.shape_cast %select_n3A_126 : vector<64x432xf32> to vector<1x64x1x432xf32>
    tpu.vector_store %arg3[%swap3A_127, %swap3A_128, %swap3A_129, %swap3A_130], %swap3A_133 {strides = array<i32>} : memref<1x64x16x432xf32, #tpu.memory_space<vmem>>, vector<1x64x1x432xf32>,
    %slice3A_134 = vector.extract_strided_slice %get3A_111 {offsets = [0, 64], sizes = [432, 3], strides = [1, 1]} : vector<432x128xf32> to vector<432x3xf32>
    %transpose3A_135 = tpu.transpose %slice3A_134, [1, 0] : vector<432x3xf32> -> vector<3x432xf32>
    %jit3A_136 = arith.constant 0.000000e+00 : f32
    %broadcast_in_dim3A_137 = vector.shape_cast %broadcast_in_dim3A_119 : vector<1x432xi1> to vector<1x432xi1>
    %broadcast_in_dim3A_138 = vector.broadcast %broadcast_in_dim3A_137 : vector<1x432xi1> to vector<3x432xi1>
    %broadcast_in_dim3A_139 = vector.broadcast %jit3A_136 : f32 to vector<3x432xf32>
    %select_n3A_140 = arith.select %broadcast_in_dim3A_138, %transpose3A_135, %broadcast_in_dim3A_139 : vector<3x432xi1>, vector<3x432xf32>
    %swap3A_141 = arith.constant 0 : index
    %swap3A_142 = arith.constant 0 : index
    %swap3A_143 = arith.constant 3 : index
    %swap3A_144 = arith.constant 0 : index
    %swap3A_145 = vector.load %arg4[%swap3A_141, %swap3A_142, %swap3A_143, %swap3A_144] : memref<1x3x16x432xf32, #tpu.memory_space<vmem>>, vector<1x3x1x432xf32>
    %swap3A_146 = vector.shape_cast %swap3A_145 : vector<1x3x1x432xf32> to vector<3x432xf32>
    %swap3A_147 = vector.shape_cast %select_n3A_140 : vector<3x432xf32> to vector<1x3x1x432xf32>
    tpu.vector_store %arg4[%swap3A_141, %swap3A_142, %swap3A_143, %swap3A_144], %swap3A_147 {strides = array<i32>} : memref<1x3x16x432xf32, #tpu.memory_space<vmem>>, vector<1x3x1x432xf32>,
    %get3A_148 = arith.constant 1728 : index
    %get3A_149 = arith.constant 0 : index
    %get3A_150 = vector.load %arg1[%get3A_148, %get3A_149] : memref<6912x128xf32, #tpu.memory_space<vmem>>, vector<432x128xf32>
    %get3A_151 = arith.constant 4 : index
    %get3A_152 = arith.constant 0 : index
    %get3A_153 = vector.load %arg2[%get3A_151, %get3A_152] : memref<16x432xi32, #tpu.memory_space<vmem>>, vector<1x432xi32>
    %get3A_154 = vector.shape_cast %get3A_153 : vector<1x432xi32> to vector<432xi32>
    %ge3A_155 = arith.constant 0 : i32
    %ge3A_156 = vector.broadcast %ge3A_155 : i32 to vector<432xi32>
    %ge3A_157 = arith.cmpi sge, %get3A_154, %ge3A_156 : vector<432xi32>
    %broadcast_in_dim3A_158 = vector.shape_cast %ge3A_157 : vector<432xi1> to vector<1x432xi1>
    %slice3A_159 = vector.extract_strided_slice %get3A_150 {offsets = [0, 0], sizes = [432, 64], strides = [1, 1]} : vector<432x128xf32> to vector<432x64xf32>
    %transpose3A_160 = tpu.transpose %slice3A_159, [1, 0] : vector<432x64xf32> -> vector<64x432xf32>
    %jit3A_161 = arith.constant 0.000000e+00 : f32
    %broadcast_in_dim3A_162 = vector.shape_cast %broadcast_in_dim3A_158 : vector<1x432xi1> to vector<1x432xi1>
    %broadcast_in_dim3A_163 = vector.broadcast %broadcast_in_dim3A_162 : vector<1x432xi1> to vector<64x432xi1>
    %broadcast_in_dim3A_164 = vector.broadcast %jit3A_161 : f32 to vector<64x432xf32>
    %select_n3A_165 = arith.select %broadcast_in_dim3A_163, %transpose3A_160, %broadcast_in_dim3A_164 : vector<64x432xi1>, vector<64x432xf32>
    %swap3A_166 = arith.constant 0 : index
    %swap3A_167 = arith.constant 0 : index
    %swap3A_168 = arith.constant 4 : index
    %swap3A_169 = arith.constant 0 : index
    %swap3A_170 = vector.load %arg3[%swap3A_166, %swap3A_167, %swap3A_168, %swap3A_169] : memref<1x64x16x432xf32, #tpu.memory_space<vmem>>, vector<1x64x1x432xf32>
    %swap3A_171 = vector.shape_cast %swap3A_170 : vector<1x64x1x432xf32> to vector<64x432xf32>
    %swap3A_172 = vector.shape_cast %select_n3A_165 : vector<64x432xf32> to vector<1x64x1x432xf32>
    tpu.vector_store %arg3[%swap3A_166, %swap3A_167, %swap3A_168, %swap3A_169], %swap3A_172 {strides = array<i32>} : memref<1x64x16x432xf32, #tpu.memory_space<vmem>>, vector<1x64x1x432xf32>,
    %slice3A_173 = vector.extract_strided_slice %get3A_150 {offsets = [0, 64], sizes = [432, 3], strides = [1, 1]} : vector<432x128xf32> to vector<432x3xf32>
    %transpose3A_174 = tpu.transpose %slice3A_173, [1, 0] : vector<432x3xf32> -> vector<3x432xf32>
    %jit3A_175 = arith.constant 0.000000e+00 : f32
    %broadcast_in_dim3A_176 = vector.shape_cast %broadcast_in_dim3A_158 : vector<1x432xi1> to vector<1x432xi1>
    %broadcast_in_dim3A_177 = vector.broadcast %broadcast_in_dim3A_176 : vector<1x432xi1> to vector<3x432xi1>
    %broadcast_in_dim3A_178 = vector.broadcast %jit3A_175 : f32 to vector<3x432xf32>
    %select_n3A_179 = arith.select %broadcast_in_dim3A_177, %transpose3A_174, %broadcast_in_dim3A_178 : vector<3x432xi1>, vector<3x432xf32>
    %swap3A_180 = arith.constant 0 : index
    %swap3A_181 = arith.constant 0 : index
    %swap3A_182 = arith.constant 4 : index
    %swap3A_183 = arith.constant 0 : index
    %swap3A_184 = vector.load %arg4[%swap3A_180, %swap3A_181, %swap3A_182, %swap3A_183] : memref<1x3x16x432xf32, #tpu.memory_space<vmem>>, vector<1x3x1x432xf32>
    %swap3A_185 = vector.shape_cast %swap3A_184 : vector<1x3x1x432xf32> to vector<3x432xf32>
    %swap3A_186 = vector.shape_cast %select_n3A_179 : vector<3x432xf32> to vector<1x3x1x432xf32>
    tpu.vector_store %arg4[%swap3A_180, %swap3A_181, %swap3A_182, %swap3A_183], %swap3A_186 {strides = array<i32>} : memref<1x3x16x432xf32, #tpu.memory_space<vmem>>, vector<1x3x1x432xf32>,
    %get3A_187 = arith.constant 2160 : index
    %get3A_188 = arith.constant 0 : index
    %get3A_189 = vector.load %arg1[%get3A_187, %get3A_188] : memref<6912x128xf32, #tpu.memory_space<vmem>>, vector<432x128xf32>
    %get3A_190 = arith.constant 5 : index
    %get3A_191 = arith.constant 0 : index
    %get3A_192 = vector.load %arg2[%get3A_190, %get3A_191] : memref<16x432xi32, #tpu.memory_space<vmem>>, vector<1x432xi32>
    %get3A_193 = vector.shape_cast %get3A_192 : vector<1x432xi32> to vector<432xi32>
    %ge3A_194 = arith.constant 0 : i32
    %ge3A_195 = vector.broadcast %ge3A_194 : i32 to vector<432xi32>
    %ge3A_196 = arith.cmpi sge, %get3A_193, %ge3A_195 : vector<432xi32>
    %broadcast_in_dim3A_197 = vector.shape_cast %ge3A_196 : vector<432xi1> to vector<1x432xi1>
    %slice3A_198 = vector.extract_strided_slice %get3A_189 {offsets = [0, 0], sizes = [432, 64], strides = [1, 1]} : vector<432x128xf32> to vector<432x64xf32>
    %transpose3A_199 = tpu.transpose %slice3A_198, [1, 0] : vector<432x64xf32> -> vector<64x432xf32>
    %jit3A_200 = arith.constant 0.000000e+00 : f32
    %broadcast_in_dim3A_201 = vector.shape_cast %broadcast_in_dim3A_197 : vector<1x432xi1> to vector<1x432xi1>
    %broadcast_in_dim3A_202 = vector.broadcast %broadcast_in_dim3A_201 : vector<1x432xi1> to vector<64x432xi1>
    %broadcast_in_dim3A_203 = vector.broadcast %jit3A_200 : f32 to vector<64x432xf32>
    %select_n3A_204 = arith.select %broadcast_in_dim3A_202, %transpose3A_199, %broadcast_in_dim3A_203 : vector<64x432xi1>, vector<64x432xf32>
    %swap3A_205 = arith.constant 0 : index
    %swap3A_206 = arith.constant 0 : index
    %swap3A_207 = arith.constant 5 : index
    %swap3A_208 = arith.constant 0 : index
    %swap3A_209 = vector.load %arg3[%swap3A_205, %swap3A_206, %swap3A_207, %swap3A_208] : memref<1x64x16x432xf32, #tpu.memory_space<vmem>>, vector<1x64x1x432xf32>
    %swap3A_210 = vector.shape_cast %swap3A_209 : vector<1x64x1x432xf32> to vector<64x432xf32>
    %swap3A_211 = vector.shape_cast %select_n3A_204 : vector<64x432xf32> to vector<1x64x1x432xf32>
    tpu.vector_store %arg3[%swap3A_205, %swap3A_206, %swap3A_207, %swap3A_208], %swap3A_211 {strides = array<i32>} : memref<1x64x16x432xf32, #tpu.memory_space<vmem>>, vector<1x64x1x432xf32>,
    %slice3A_212 = vector.extract_strided_slice %get3A_189 {offsets = [0, 64], sizes = [432, 3], strides = [1, 1]} : vector<432x128xf32> to vector<432x3xf32>
    %transpose3A_213 = tpu.transpose %slice3A_212, [1, 0] : vector<432x3xf32> -> vector<3x432xf32>
    %jit3A_214 = arith.constant 0.000000e+00 : f32
    %broadcast_in_dim3A_215 = vector.shape_cast %broadcast_in_dim3A_197 : vector<1x432xi1> to vector<1x432xi1>
    %broadcast_in_dim3A_216 = vector.broadcast %broadcast_in_dim3A_215 : vector<1x432xi1> to vector<3x432xi1>
    %broadcast_in_dim3A_217 = vector.broadcast %jit3A_214 : f32 to vector<3x432xf32>
    %select_n3A_218 = arith.select %broadcast_in_dim3A_216, %transpose3A_213, %broadcast_in_dim3A_217 : vector<3x432xi1>, vector<3x432xf32>
    %swap3A_219 = arith.constant 0 : index
    %swap3A_220 = arith.constant 0 : index
    %swap3A_221 = arith.constant 5 : index
    %swap3A_222 = arith.constant 0 : index
    %swap3A_223 = vector.load %arg4[%swap3A_219, %swap3A_220, %swap3A_221, %swap3A_222] : memref<1x3x16x432xf32, #tpu.memory_space<vmem>>, vector<1x3x1x432xf32>
    %swap3A_224 = vector.shape_cast %swap3A_223 : vector<1x3x1x432xf32> to vector<3x432xf32>
    %swap3A_225 = vector.shape_cast %select_n3A_218 : vector<3x432xf32> to vector<1x3x1x432xf32>
    tpu.vector_store %arg4[%swap3A_219, %swap3A_220, %swap3A_221, %swap3A_222], %swap3A_225 {strides = array<i32>} : memref<1x3x16x432xf32, #tpu.memory_space<vmem>>, vector<1x3x1x432xf32>,
    %get3A_226 = arith.constant 2592 : index
    %get3A_227 = arith.constant 0 : index
    %get3A_228 = vector.load %arg1[%get3A_226, %get3A_227] : memref<6912x128xf32, #tpu.memory_space<vmem>>, vector<432x128xf32>
    %get3A_229 = arith.constant 6 : index
    %get3A_230 = arith.constant 0 : index
    %get3A_231 = vector.load %arg2[%get3A_229, %get3A_230] : memref<16x432xi32, #tpu.memory_space<vmem>>, vector<1x432xi32>
    %get3A_232 = vector.shape_cast %get3A_231 : vector<1x432xi32> to vector<432xi32>
    %ge3A_233 = arith.constant 0 : i32
    %ge3A_234 = vector.broadcast %ge3A_233 : i32 to vector<432xi32>
    %ge3A_235 = arith.cmpi sge, %get3A_232, %ge3A_234 : vector<432xi32>
    %broadcast_in_dim3A_236 = vector.shape_cast %ge3A_235 : vector<432xi1> to vector<1x432xi1>
    %slice3A_237 = vector.extract_strided_slice %get3A_228 {offsets = [0, 0], sizes = [432, 64], strides = [1, 1]} : vector<432x128xf32> to vector<432x64xf32>
    %transpose3A_238 = tpu.transpose %slice3A_237, [1, 0] : vector<432x64xf32> -> vector<64x432xf32>
    %jit3A_239 = arith.constant 0.000000e+00 : f32
    %broadcast_in_dim3A_240 = vector.shape_cast %broadcast_in_dim3A_236 : vector<1x432xi1> to vector<1x432xi1>
    %broadcast_in_dim3A_241 = vector.broadcast %broadcast_in_dim3A_240 : vector<1x432xi1> to vector<64x432xi1>
    %broadcast_in_dim3A_242 = vector.broadcast %jit3A_239 : f32 to vector<64x432xf32>
    %select_n3A_243 = arith.select %broadcast_in_dim3A_241, %transpose3A_238, %broadcast_in_dim3A_242 : vector<64x432xi1>, vector<64x432xf32>
    %swap3A_244 = arith.constant 0 : index
    %swap3A_245 = arith.constant 0 : index
    %swap3A_246 = arith.constant 6 : index
    %swap3A_247 = arith.constant 0 : index
    %swap3A_248 = vector.load %arg3[%swap3A_244, %swap3A_245, %swap3A_246, %swap3A_247] : memref<1x64x16x432xf32, #tpu.memory_space<vmem>>, vector<1x64x1x432xf32>
    %swap3A_249 = vector.shape_cast %swap3A_248 : vector<1x64x1x432xf32> to vector<64x432xf32>
    %swap3A_250 = vector.shape_cast %select_n3A_243 : vector<64x432xf32> to vector<1x64x1x432xf32>
    tpu.vector_store %arg3[%swap3A_244, %swap3A_245, %swap3A_246, %swap3A_247], %swap3A_250 {strides = array<i32>} : memref<1x64x16x432xf32, #tpu.memory_space<vmem>>, vector<1x64x1x432xf32>,
    %slice3A_251 = vector.extract_strided_slice %get3A_228 {offsets = [0, 64], sizes = [432, 3], strides = [1, 1]} : vector<432x128xf32> to vector<432x3xf32>
    %transpose3A_252 = tpu.transpose %slice3A_251, [1, 0] : vector<432x3xf32> -> vector<3x432xf32>
    %jit3A_253 = arith.constant 0.000000e+00 : f32
    %broadcast_in_dim3A_254 = vector.shape_cast %broadcast_in_dim3A_236 : vector<1x432xi1> to vector<1x432xi1>
    %broadcast_in_dim3A_255 = vector.broadcast %broadcast_in_dim3A_254 : vector<1x432xi1> to vector<3x432xi1>
    %broadcast_in_dim3A_256 = vector.broadcast %jit3A_253 : f32 to vector<3x432xf32>
    %select_n3A_257 = arith.select %broadcast_in_dim3A_255, %transpose3A_252, %broadcast_in_dim3A_256 : vector<3x432xi1>, vector<3x432xf32>
    %swap3A_258 = arith.constant 0 : index
    %swap3A_259 = arith.constant 0 : index
    %swap3A_260 = arith.constant 6 : index
    %swap3A_261 = arith.constant 0 : index
    %swap3A_262 = vector.load %arg4[%swap3A_258, %swap3A_259, %swap3A_260, %swap3A_261] : memref<1x3x16x432xf32, #tpu.memory_space<vmem>>, vector<1x3x1x432xf32>
    %swap3A_263 = vector.shape_cast %swap3A_262 : vector<1x3x1x432xf32> to vector<3x432xf32>
    %swap3A_264 = vector.shape_cast %select_n3A_257 : vector<3x432xf32> to vector<1x3x1x432xf32>
    tpu.vector_store %arg4[%swap3A_258, %swap3A_259, %swap3A_260, %swap3A_261], %swap3A_264 {strides = array<i32>} : memref<1x3x16x432xf32, #tpu.memory_space<vmem>>, vector<1x3x1x432xf32>,
    %get3A_265 = arith.constant 3024 : index
    %get3A_266 = arith.constant 0 : index
    %get3A_267 = vector.load %arg1[%get3A_265, %get3A_266] : memref<6912x128xf32, #tpu.memory_space<vmem>>, vector<432x128xf32>
    %get3A_268 = arith.constant 7 : index
    %get3A_269 = arith.constant 0 : index
    %get3A_270 = vector.load %arg2[%get3A_268, %get3A_269] : memref<16x432xi32, #tpu.memory_space<vmem>>, vector<1x432xi32>
    %get3A_271 = vector.shape_cast %get3A_270 : vector<1x432xi32> to vector<432xi32>
    %ge3A_272 = arith.constant 0 : i32
    %ge3A_273 = vector.broadcast %ge3A_272 : i32 to vector<432xi32>
    %ge3A_274 = arith.cmpi sge, %get3A_271, %ge3A_273 : vector<432xi32>
    %broadcast_in_dim3A_275 = vector.shape_cast %ge3A_274 : vector<432xi1> to vector<1x432xi1>
    %slice3A_276 = vector.extract_strided_slice %get3A_267 {offsets = [0, 0], sizes = [432, 64], strides = [1, 1]} : vector<432x128xf32> to vector<432x64xf32>
    %transpose3A_277 = tpu.transpose %slice3A_276, [1, 0] : vector<432x64xf32> -> vector<64x432xf32>
    %jit3A_278 = arith.constant 0.000000e+00 : f32
    %broadcast_in_dim3A_279 = vector.shape_cast %broadcast_in_dim3A_275 : vector<1x432xi1> to vector<1x432xi1>
    %broadcast_in_dim3A_280 = vector.broadcast %broadcast_in_dim3A_279 : vector<1x432xi1> to vector<64x432xi1>
    %broadcast_in_dim3A_281 = vector.broadcast %jit3A_278 : f32 to vector<64x432xf32>
    %select_n3A_282 = arith.select %broadcast_in_dim3A_280, %transpose3A_277, %broadcast_in_dim3A_281 : vector<64x432xi1>, vector<64x432xf32>
    %swap3A_283 = arith.constant 0 : index
    %swap3A_284 = arith.constant 0 : index
    %swap3A_285 = arith.constant 7 : index
    %swap3A_286 = arith.constant 0 : index
    %swap3A_287 = vector.load %arg3[%swap3A_283, %swap3A_284, %swap3A_285, %swap3A_286] : memref<1x64x16x432xf32, #tpu.memory_space<vmem>>, vector<1x64x1x432xf32>
    %swap3A_288 = vector.shape_cast %swap3A_287 : vector<1x64x1x432xf32> to vector<64x432xf32>
    %swap3A_289 = vector.shape_cast %select_n3A_282 : vector<64x432xf32> to vector<1x64x1x432xf32>
    tpu.vector_store %arg3[%swap3A_283, %swap3A_284, %swap3A_285, %swap3A_286], %swap3A_289 {strides = array<i32>} : memref<1x64x16x432xf32, #tpu.memory_space<vmem>>, vector<1x64x1x432xf32>,
    %slice3A_290 = vector.extract_strided_slice %get3A_267 {offsets = [0, 64], sizes = [432, 3], strides = [1, 1]} : vector<432x128xf32> to vector<432x3xf32>
    %transpose3A_291 = tpu.transpose %slice3A_290, [1, 0] : vector<432x3xf32> -> vector<3x432xf32>
    %jit3A_292 = arith.constant 0.000000e+00 : f32
    %broadcast_in_dim3A_293 = vector.shape_cast %broadcast_in_dim3A_275 : vector<1x432xi1> to vector<1x432xi1>
    %broadcast_in_dim3A_294 = vector.broadcast %broadcast_in_dim3A_293 : vector<1x432xi1> to vector<3x432xi1>
    %broadcast_in_dim3A_295 = vector.broadcast %jit3A_292 : f32 to vector<3x432xf32>
    %select_n3A_296 = arith.select %broadcast_in_dim3A_294, %transpose3A_291, %broadcast_in_dim3A_295 : vector<3x432xi1>, vector<3x432xf32>
    %swap3A_297 = arith.constant 0 : index
    %swap3A_298 = arith.constant 0 : index
    %swap3A_299 = arith.constant 7 : index
    %swap3A_300 = arith.constant 0 : index
    %swap3A_301 = vector.load %arg4[%swap3A_297, %swap3A_298, %swap3A_299, %swap3A_300] : memref<1x3x16x432xf32, #tpu.memory_space<vmem>>, vector<1x3x1x432xf32>
    %swap3A_302 = vector.shape_cast %swap3A_301 : vector<1x3x1x432xf32> to vector<3x432xf32>
    %swap3A_303 = vector.shape_cast %select_n3A_296 : vector<3x432xf32> to vector<1x3x1x432xf32>
    tpu.vector_store %arg4[%swap3A_297, %swap3A_298, %swap3A_299, %swap3A_300], %swap3A_303 {strides = array<i32>} : memref<1x3x16x432xf32, #tpu.memory_space<vmem>>, vector<1x3x1x432xf32>,
    %get3A_304 = arith.constant 3456 : index
    %get3A_305 = arith.constant 0 : index
    %get3A_306 = vector.load %arg1[%get3A_304, %get3A_305] : memref<6912x128xf32, #tpu.memory_space<vmem>>, vector<432x128xf32>
    %get3A_307 = arith.constant 8 : index
    %get3A_308 = arith.constant 0 : index
    %get3A_309 = vector.load %arg2[%get3A_307, %get3A_308] : memref<16x432xi32, #tpu.memory_space<vmem>>, vector<1x432xi32>
    %get3A_310 = vector.shape_cast %get3A_309 : vector<1x432xi32> to vector<432xi32>
    %ge3A_311 = arith.constant 0 : i32
    %ge3A_312 = vector.broadcast %ge3A_311 : i32 to vector<432xi32>
    %ge3A_313 = arith.cmpi sge, %get3A_310, %ge3A_312 : vector<432xi32>
    %broadcast_in_dim3A_314 = vector.shape_cast %ge3A_313 : vector<432xi1> to vector<1x432xi1>
    %slice3A_315 = vector.extract_strided_slice %get3A_306 {offsets = [0, 0], sizes = [432, 64], strides = [1, 1]} : vector<432x128xf32> to vector<432x64xf32>
    %transpose3A_316 = tpu.transpose %slice3A_315, [1, 0] : vector<432x64xf32> -> vector<64x432xf32>
    %jit3A_317 = arith.constant 0.000000e+00 : f32
    %broadcast_in_dim3A_318 = vector.shape_cast %broadcast_in_dim3A_314 : vector<1x432xi1> to vector<1x432xi1>
    %broadcast_in_dim3A_319 = vector.broadcast %broadcast_in_dim3A_318 : vector<1x432xi1> to vector<64x432xi1>
    %broadcast_in_dim3A_320 = vector.broadcast %jit3A_317 : f32 to vector<64x432xf32>
    %select_n3A_321 = arith.select %broadcast_in_dim3A_319, %transpose3A_316, %broadcast_in_dim3A_320 : vector<64x432xi1>, vector<64x432xf32>
    %swap3A_322 = arith.constant 0 : index
    %swap3A_323 = arith.constant 0 : index
    %swap3A_324 = arith.constant 8 : index
    %swap3A_325 = arith.constant 0 : index
    %swap3A_326 = vector.load %arg3[%swap3A_322, %swap3A_323, %swap3A_324, %swap3A_325] : memref<1x64x16x432xf32, #tpu.memory_space<vmem>>, vector<1x64x1x432xf32>
    %swap3A_327 = vector.shape_cast %swap3A_326 : vector<1x64x1x432xf32> to vector<64x432xf32>
    %swap3A_328 = vector.shape_cast %select_n3A_321 : vector<64x432xf32> to vector<1x64x1x432xf32>
    tpu.vector_store %arg3[%swap3A_322, %swap3A_323, %swap3A_324, %swap3A_325], %swap3A_328 {strides = array<i32>} : memref<1x64x16x432xf32, #tpu.memory_space<vmem>>, vector<1x64x1x432xf32>,
    %slice3A_329 = vector.extract_strided_slice %get3A_306 {offsets = [0, 64], sizes = [432, 3], strides = [1, 1]} : vector<432x128xf32> to vector<432x3xf32>
    %transpose3A_330 = tpu.transpose %slice3A_329, [1, 0] : vector<432x3xf32> -> vector<3x432xf32>
    %jit3A_331 = arith.constant 0.000000e+00 : f32
    %broadcast_in_dim3A_332 = vector.shape_cast %broadcast_in_dim3A_314 : vector<1x432xi1> to vector<1x432xi1>
    %broadcast_in_dim3A_333 = vector.broadcast %broadcast_in_dim3A_332 : vector<1x432xi1> to vector<3x432xi1>
    %broadcast_in_dim3A_334 = vector.broadcast %jit3A_331 : f32 to vector<3x432xf32>
    %select_n3A_335 = arith.select %broadcast_in_dim3A_333, %transpose3A_330, %broadcast_in_dim3A_334 : vector<3x432xi1>, vector<3x432xf32>
    %swap3A_336 = arith.constant 0 : index
    %swap3A_337 = arith.constant 0 : index
    %swap3A_338 = arith.constant 8 : index
    %swap3A_339 = arith.constant 0 : index
    %swap3A_340 = vector.load %arg4[%swap3A_336, %swap3A_337, %swap3A_338, %swap3A_339] : memref<1x3x16x432xf32, #tpu.memory_space<vmem>>, vector<1x3x1x432xf32>
    %swap3A_341 = vector.shape_cast %swap3A_340 : vector<1x3x1x432xf32> to vector<3x432xf32>
    %swap3A_342 = vector.shape_cast %select_n3A_335 : vector<3x432xf32> to vector<1x3x1x432xf32>
    tpu.vector_store %arg4[%swap3A_336, %swap3A_337, %swap3A_338, %swap3A_339], %swap3A_342 {strides = array<i32>} : memref<1x3x16x432xf32, #tpu.memory_space<vmem>>, vector<1x3x1x432xf32>,
    %get3A_343 = arith.constant 3888 : index
    %get3A_344 = arith.constant 0 : index
    %get3A_345 = vector.load %arg1[%get3A_343, %get3A_344] : memref<6912x128xf32, #tpu.memory_space<vmem>>, vector<432x128xf32>
    %get3A_346 = arith.constant 9 : index
    %get3A_347 = arith.constant 0 : index
    %get3A_348 = vector.load %arg2[%get3A_346, %get3A_347] : memref<16x432xi32, #tpu.memory_space<vmem>>, vector<1x432xi32>
    %get3A_349 = vector.shape_cast %get3A_348 : vector<1x432xi32> to vector<432xi32>
    %ge3A_350 = arith.constant 0 : i32
    %ge3A_351 = vector.broadcast %ge3A_350 : i32 to vector<432xi32>
    %ge3A_352 = arith.cmpi sge, %get3A_349, %ge3A_351 : vector<432xi32>
    %broadcast_in_dim3A_353 = vector.shape_cast %ge3A_352 : vector<432xi1> to vector<1x432xi1>
    %slice3A_354 = vector.extract_strided_slice %get3A_345 {offsets = [0, 0], sizes = [432, 64], strides = [1, 1]} : vector<432x128xf32> to vector<432x64xf32>
    %transpose3A_355 = tpu.transpose %slice3A_354, [1, 0] : vector<432x64xf32> -> vector<64x432xf32>
    %jit3A_356 = arith.constant 0.000000e+00 : f32
    %broadcast_in_dim3A_357 = vector.shape_cast %broadcast_in_dim3A_353 : vector<1x432xi1> to vector<1x432xi1>
    %broadcast_in_dim3A_358 = vector.broadcast %broadcast_in_dim3A_357 : vector<1x432xi1> to vector<64x432xi1>
    %broadcast_in_dim3A_359 = vector.broadcast %jit3A_356 : f32 to vector<64x432xf32>
    %select_n3A_360 = arith.select %broadcast_in_dim3A_358, %transpose3A_355, %broadcast_in_dim3A_359 : vector<64x432xi1>, vector<64x432xf32>
    %swap3A_361 = arith.constant 0 : index
    %swap3A_362 = arith.constant 0 : index
    %swap3A_363 = arith.constant 9 : index
    %swap3A_364 = arith.constant 0 : index
    %swap3A_365 = vector.load %arg3[%swap3A_361, %swap3A_362, %swap3A_363, %swap3A_364] : memref<1x64x16x432xf32, #tpu.memory_space<vmem>>, vector<1x64x1x432xf32>
    %swap3A_366 = vector.shape_cast %swap3A_365 : vector<1x64x1x432xf32> to vector<64x432xf32>
    %swap3A_367 = vector.shape_cast %select_n3A_360 : vector<64x432xf32> to vector<1x64x1x432xf32>
    tpu.vector_store %arg3[%swap3A_361, %swap3A_362, %swap3A_363, %swap3A_364], %swap3A_367 {strides = array<i32>} : memref<1x64x16x432xf32, #tpu.memory_space<vmem>>, vector<1x64x1x432xf32>,
    %slice3A_368 = vector.extract_strided_slice %get3A_345 {offsets = [0, 64], sizes = [432, 3], strides = [1, 1]} : vector<432x128xf32> to vector<432x3xf32>
    %transpose3A_369 = tpu.transpose %slice3A_368, [1, 0] : vector<432x3xf32> -> vector<3x432xf32>
    %jit3A_370 = arith.constant 0.000000e+00 : f32
    %broadcast_in_dim3A_371 = vector.shape_cast %broadcast_in_dim3A_353 : vector<1x432xi1> to vector<1x432xi1>
    %broadcast_in_dim3A_372 = vector.broadcast %broadcast_in_dim3A_371 : vector<1x432xi1> to vector<3x432xi1>
    %broadcast_in_dim3A_373 = vector.broadcast %jit3A_370 : f32 to vector<3x432xf32>
    %select_n3A_374 = arith.select %broadcast_in_dim3A_372, %transpose3A_369, %broadcast_in_dim3A_373 : vector<3x432xi1>, vector<3x432xf32>
    %swap3A_375 = arith.constant 0 : index
    %swap3A_376 = arith.constant 0 : index
    %swap3A_377 = arith.constant 9 : index
    %swap3A_378 = arith.constant 0 : index
    %swap3A_379 = vector.load %arg4[%swap3A_375, %swap3A_376, %swap3A_377, %swap3A_378] : memref<1x3x16x432xf32, #tpu.memory_space<vmem>>, vector<1x3x1x432xf32>
    %swap3A_380 = vector.shape_cast %swap3A_379 : vector<1x3x1x432xf32> to vector<3x432xf32>
    %swap3A_381 = vector.shape_cast %select_n3A_374 : vector<3x432xf32> to vector<1x3x1x432xf32>
    tpu.vector_store %arg4[%swap3A_375, %swap3A_376, %swap3A_377, %swap3A_378], %swap3A_381 {strides = array<i32>} : memref<1x3x16x432xf32, #tpu.memory_space<vmem>>, vector<1x3x1x432xf32>,
    %get3A_382 = arith.constant 4320 : index
    %get3A_383 = arith.constant 0 : index
    %get3A_384 = vector.load %arg1[%get3A_382, %get3A_383] : memref<6912x128xf32, #tpu.memory_space<vmem>>, vector<432x128xf32>
    %get3A_385 = arith.constant 10 : index
    %get3A_386 = arith.constant 0 : index
    %get3A_387 = vector.load %arg2[%get3A_385, %get3A_386] : memref<16x432xi32, #tpu.memory_space<vmem>>, vector<1x432xi32>
    %get3A_388 = vector.shape_cast %get3A_387 : vector<1x432xi32> to vector<432xi32>
    %ge3A_389 = arith.constant 0 : i32
    %ge3A_390 = vector.broadcast %ge3A_389 : i32 to vector<432xi32>
    %ge3A_391 = arith.cmpi sge, %get3A_388, %ge3A_390 : vector<432xi32>
    %broadcast_in_dim3A_392 = vector.shape_cast %ge3A_391 : vector<432xi1> to vector<1x432xi1>
    %slice3A_393 = vector.extract_strided_slice %get3A_384 {offsets = [0, 0], sizes = [432, 64], strides = [1, 1]} : vector<432x128xf32> to vector<432x64xf32>
    %transpose3A_394 = tpu.transpose %slice3A_393, [1, 0] : vector<432x64xf32> -> vector<64x432xf32>
    %jit3A_395 = arith.constant 0.000000e+00 : f32
    %broadcast_in_dim3A_396 = vector.shape_cast %broadcast_in_dim3A_392 : vector<1x432xi1> to vector<1x432xi1>
    %broadcast_in_dim3A_397 = vector.broadcast %broadcast_in_dim3A_396 : vector<1x432xi1> to vector<64x432xi1>
    %broadcast_in_dim3A_398 = vector.broadcast %jit3A_395 : f32 to vector<64x432xf32>
    %select_n3A_399 = arith.select %broadcast_in_dim3A_397, %transpose3A_394, %broadcast_in_dim3A_398 : vector<64x432xi1>, vector<64x432xf32>
    %swap3A_400 = arith.constant 0 : index
    %swap3A_401 = arith.constant 0 : index
    %swap3A_402 = arith.constant 10 : index
    %swap3A_403 = arith.constant 0 : index
    %swap3A_404 = vector.load %arg3[%swap3A_400, %swap3A_401, %swap3A_402, %swap3A_403] : memref<1x64x16x432xf32, #tpu.memory_space<vmem>>, vector<1x64x1x432xf32>
    %swap3A_405 = vector.shape_cast %swap3A_404 : vector<1x64x1x432xf32> to vector<64x432xf32>
    %swap3A_406 = vector.shape_cast %select_n3A_399 : vector<64x432xf32> to vector<1x64x1x432xf32>
    tpu.vector_store %arg3[%swap3A_400, %swap3A_401, %swap3A_402, %swap3A_403], %swap3A_406 {strides = array<i32>} : memref<1x64x16x432xf32, #tpu.memory_space<vmem>>, vector<1x64x1x432xf32>,
    %slice3A_407 = vector.extract_strided_slice %get3A_384 {offsets = [0, 64], sizes = [432, 3], strides = [1, 1]} : vector<432x128xf32> to vector<432x3xf32>
    %transpose3A_408 = tpu.transpose %slice3A_407, [1, 0] : vector<432x3xf32> -> vector<3x432xf32>
    %jit3A_409 = arith.constant 0.000000e+00 : f32
    %broadcast_in_dim3A_410 = vector.shape_cast %broadcast_in_dim3A_392 : vector<1x432xi1> to vector<1x432xi1>
    %broadcast_in_dim3A_411 = vector.broadcast %broadcast_in_dim3A_410 : vector<1x432xi1> to vector<3x432xi1>
    %broadcast_in_dim3A_412 = vector.broadcast %jit3A_409 : f32 to vector<3x432xf32>
    %select_n3A_413 = arith.select %broadcast_in_dim3A_411, %transpose3A_408, %broadcast_in_dim3A_412 : vector<3x432xi1>, vector<3x432xf32>
    %swap3A_414 = arith.constant 0 : index
    %swap3A_415 = arith.constant 0 : index
    %swap3A_416 = arith.constant 10 : index
    %swap3A_417 = arith.constant 0 : index
    %swap3A_418 = vector.load %arg4[%swap3A_414, %swap3A_415, %swap3A_416, %swap3A_417] : memref<1x3x16x432xf32, #tpu.memory_space<vmem>>, vector<1x3x1x432xf32>
    %swap3A_419 = vector.shape_cast %swap3A_418 : vector<1x3x1x432xf32> to vector<3x432xf32>
    %swap3A_420 = vector.shape_cast %select_n3A_413 : vector<3x432xf32> to vector<1x3x1x432xf32>
    tpu.vector_store %arg4[%swap3A_414, %swap3A_415, %swap3A_416, %swap3A_417], %swap3A_420 {strides = array<i32>} : memref<1x3x16x432xf32, #tpu.memory_space<vmem>>, vector<1x3x1x432xf32>,
    %get3A_421 = arith.constant 4752 : index
    %get3A_422 = arith.constant 0 : index
    %get3A_423 = vector.load %arg1[%get3A_421, %get3A_422] : memref<6912x128xf32, #tpu.memory_space<vmem>>, vector<432x128xf32>
    %get3A_424 = arith.constant 11 : index
    %get3A_425 = arith.constant 0 : index
    %get3A_426 = vector.load %arg2[%get3A_424, %get3A_425] : memref<16x432xi32, #tpu.memory_space<vmem>>, vector<1x432xi32>
    %get3A_427 = vector.shape_cast %get3A_426 : vector<1x432xi32> to vector<432xi32>
    %ge3A_428 = arith.constant 0 : i32
    %ge3A_429 = vector.broadcast %ge3A_428 : i32 to vector<432xi32>
    %ge3A_430 = arith.cmpi sge, %get3A_427, %ge3A_429 : vector<432xi32>
    %broadcast_in_dim3A_431 = vector.shape_cast %ge3A_430 : vector<432xi1> to vector<1x432xi1>
    %slice3A_432 = vector.extract_strided_slice %get3A_423 {offsets = [0, 0], sizes = [432, 64], strides = [1, 1]} : vector<432x128xf32> to vector<432x64xf32>
    %transpose3A_433 = tpu.transpose %slice3A_432, [1, 0] : vector<432x64xf32> -> vector<64x432xf32>
    %jit3A_434 = arith.constant 0.000000e+00 : f32
    %broadcast_in_dim3A_435 = vector.shape_cast %broadcast_in_dim3A_431 : vector<1x432xi1> to vector<1x432xi1>
    %broadcast_in_dim3A_436 = vector.broadcast %broadcast_in_dim3A_435 : vector<1x432xi1> to vector<64x432xi1>
    %broadcast_in_dim3A_437 = vector.broadcast %jit3A_434 : f32 to vector<64x432xf32>
    %select_n3A_438 = arith.select %broadcast_in_dim3A_436, %transpose3A_433, %broadcast_in_dim3A_437 : vector<64x432xi1>, vector<64x432xf32>
    %swap3A_439 = arith.constant 0 : index
    %swap3A_440 = arith.constant 0 : index
    %swap3A_441 = arith.constant 11 : index
    %swap3A_442 = arith.constant 0 : index
    %swap3A_443 = vector.load %arg3[%swap3A_439, %swap3A_440, %swap3A_441, %swap3A_442] : memref<1x64x16x432xf32, #tpu.memory_space<vmem>>, vector<1x64x1x432xf32>
    %swap3A_444 = vector.shape_cast %swap3A_443 : vector<1x64x1x432xf32> to vector<64x432xf32>
    %swap3A_445 = vector.shape_cast %select_n3A_438 : vector<64x432xf32> to vector<1x64x1x432xf32>
    tpu.vector_store %arg3[%swap3A_439, %swap3A_440, %swap3A_441, %swap3A_442], %swap3A_445 {strides = array<i32>} : memref<1x64x16x432xf32, #tpu.memory_space<vmem>>, vector<1x64x1x432xf32>,
    %slice3A_446 = vector.extract_strided_slice %get3A_423 {offsets = [0, 64], sizes = [432, 3], strides = [1, 1]} : vector<432x128xf32> to vector<432x3xf32>
    %transpose3A_447 = tpu.transpose %slice3A_446, [1, 0] : vector<432x3xf32> -> vector<3x432xf32>
    %jit3A_448 = arith.constant 0.000000e+00 : f32
    %broadcast_in_dim3A_449 = vector.shape_cast %broadcast_in_dim3A_431 : vector<1x432xi1> to vector<1x432xi1>
    %broadcast_in_dim3A_450 = vector.broadcast %broadcast_in_dim3A_449 : vector<1x432xi1> to vector<3x432xi1>
    %broadcast_in_dim3A_451 = vector.broadcast %jit3A_448 : f32 to vector<3x432xf32>
    %select_n3A_452 = arith.select %broadcast_in_dim3A_450, %transpose3A_447, %broadcast_in_dim3A_451 : vector<3x432xi1>, vector<3x432xf32>
    %swap3A_453 = arith.constant 0 : index
    %swap3A_454 = arith.constant 0 : index
    %swap3A_455 = arith.constant 11 : index
    %swap3A_456 = arith.constant 0 : index
    %swap3A_457 = vector.load %arg4[%swap3A_453, %swap3A_454, %swap3A_455, %swap3A_456] : memref<1x3x16x432xf32, #tpu.memory_space<vmem>>, vector<1x3x1x432xf32>
    %swap3A_458 = vector.shape_cast %swap3A_457 : vector<1x3x1x432xf32> to vector<3x432xf32>
    %swap3A_459 = vector.shape_cast %select_n3A_452 : vector<3x432xf32> to vector<1x3x1x432xf32>
    tpu.vector_store %arg4[%swap3A_453, %swap3A_454, %swap3A_455, %swap3A_456], %swap3A_459 {strides = array<i32>} : memref<1x3x16x432xf32, #tpu.memory_space<vmem>>, vector<1x3x1x432xf32>,
    %get3A_460 = arith.constant 5184 : index
    %get3A_461 = arith.constant 0 : index
    %get3A_462 = vector.load %arg1[%get3A_460, %get3A_461] : memref<6912x128xf32, #tpu.memory_space<vmem>>, vector<432x128xf32>
    %get3A_463 = arith.constant 12 : index
    %get3A_464 = arith.constant 0 : index
    %get3A_465 = vector.load %arg2[%get3A_463, %get3A_464] : memref<16x432xi32, #tpu.memory_space<vmem>>, vector<1x432xi32>
    %get3A_466 = vector.shape_cast %get3A_465 : vector<1x432xi32> to vector<432xi32>
    %ge3A_467 = arith.constant 0 : i32
    %ge3A_468 = vector.broadcast %ge3A_467 : i32 to vector<432xi32>
    %ge3A_469 = arith.cmpi sge, %get3A_466, %ge3A_468 : vector<432xi32>
    %broadcast_in_dim3A_470 = vector.shape_cast %ge3A_469 : vector<432xi1> to vector<1x432xi1>
    %slice3A_471 = vector.extract_strided_slice %get3A_462 {offsets = [0, 0], sizes = [432, 64], strides = [1, 1]} : vector<432x128xf32> to vector<432x64xf32>
    %transpose3A_472 = tpu.transpose %slice3A_471, [1, 0] : vector<432x64xf32> -> vector<64x432xf32>
    %jit3A_473 = arith.constant 0.000000e+00 : f32
    %broadcast_in_dim3A_474 = vector.shape_cast %broadcast_in_dim3A_470 : vector<1x432xi1> to vector<1x432xi1>
    %broadcast_in_dim3A_475 = vector.broadcast %broadcast_in_dim3A_474 : vector<1x432xi1> to vector<64x432xi1>
    %broadcast_in_dim3A_476 = vector.broadcast %jit3A_473 : f32 to vector<64x432xf32>
    %select_n3A_477 = arith.select %broadcast_in_dim3A_475, %transpose3A_472, %broadcast_in_dim3A_476 : vector<64x432xi1>, vector<64x432xf32>
    %swap3A_478 = arith.constant 0 : index
    %swap3A_479 = arith.constant 0 : index
    %swap3A_480 = arith.constant 12 : index
    %swap3A_481 = arith.constant 0 : index
    %swap3A_482 = vector.load %arg3[%swap3A_478, %swap3A_479, %swap3A_480, %swap3A_481] : memref<1x64x16x432xf32, #tpu.memory_space<vmem>>, vector<1x64x1x432xf32>
    %swap3A_483 = vector.shape_cast %swap3A_482 : vector<1x64x1x432xf32> to vector<64x432xf32>
    %swap3A_484 = vector.shape_cast %select_n3A_477 : vector<64x432xf32> to vector<1x64x1x432xf32>
    tpu.vector_store %arg3[%swap3A_478, %swap3A_479, %swap3A_480, %swap3A_481], %swap3A_484 {strides = array<i32>} : memref<1x64x16x432xf32, #tpu.memory_space<vmem>>, vector<1x64x1x432xf32>,
    %slice3A_485 = vector.extract_strided_slice %get3A_462 {offsets = [0, 64], sizes = [432, 3], strides = [1, 1]} : vector<432x128xf32> to vector<432x3xf32>
    %transpose3A_486 = tpu.transpose %slice3A_485, [1, 0] : vector<432x3xf32> -> vector<3x432xf32>
    %jit3A_487 = arith.constant 0.000000e+00 : f32
    %broadcast_in_dim3A_488 = vector.shape_cast %broadcast_in_dim3A_470 : vector<1x432xi1> to vector<1x432xi1>
    %broadcast_in_dim3A_489 = vector.broadcast %broadcast_in_dim3A_488 : vector<1x432xi1> to vector<3x432xi1>
    %broadcast_in_dim3A_490 = vector.broadcast %jit3A_487 : f32 to vector<3x432xf32>
    %select_n3A_491 = arith.select %broadcast_in_dim3A_489, %transpose3A_486, %broadcast_in_dim3A_490 : vector<3x432xi1>, vector<3x432xf32>
    %swap3A_492 = arith.constant 0 : index
    %swap3A_493 = arith.constant 0 : index
    %swap3A_494 = arith.constant 12 : index
    %swap3A_495 = arith.constant 0 : index
    %swap3A_496 = vector.load %arg4[%swap3A_492, %swap3A_493, %swap3A_494, %swap3A_495] : memref<1x3x16x432xf32, #tpu.memory_space<vmem>>, vector<1x3x1x432xf32>
    %swap3A_497 = vector.shape_cast %swap3A_496 : vector<1x3x1x432xf32> to vector<3x432xf32>
    %swap3A_498 = vector.shape_cast %select_n3A_491 : vector<3x432xf32> to vector<1x3x1x432xf32>
    tpu.vector_store %arg4[%swap3A_492, %swap3A_493, %swap3A_494, %swap3A_495], %swap3A_498 {strides = array<i32>} : memref<1x3x16x432xf32, #tpu.memory_space<vmem>>, vector<1x3x1x432xf32>,
    %get3A_499 = arith.constant 5616 : index
    %get3A_500 = arith.constant 0 : index
    %get3A_501 = vector.load %arg1[%get3A_499, %get3A_500] : memref<6912x128xf32, #tpu.memory_space<vmem>>, vector<432x128xf32>
    %get3A_502 = arith.constant 13 : index
    %get3A_503 = arith.constant 0 : index
    %get3A_504 = vector.load %arg2[%get3A_502, %get3A_503] : memref<16x432xi32, #tpu.memory_space<vmem>>, vector<1x432xi32>
    %get3A_505 = vector.shape_cast %get3A_504 : vector<1x432xi32> to vector<432xi32>
    %ge3A_506 = arith.constant 0 : i32
    %ge3A_507 = vector.broadcast %ge3A_506 : i32 to vector<432xi32>
    %ge3A_508 = arith.cmpi sge, %get3A_505, %ge3A_507 : vector<432xi32>
    %broadcast_in_dim3A_509 = vector.shape_cast %ge3A_508 : vector<432xi1> to vector<1x432xi1>
    %slice3A_510 = vector.extract_strided_slice %get3A_501 {offsets = [0, 0], sizes = [432, 64], strides = [1, 1]} : vector<432x128xf32> to vector<432x64xf32>
    %transpose3A_511 = tpu.transpose %slice3A_510, [1, 0] : vector<432x64xf32> -> vector<64x432xf32>
    %jit3A_512 = arith.constant 0.000000e+00 : f32
    %broadcast_in_dim3A_513 = vector.shape_cast %broadcast_in_dim3A_509 : vector<1x432xi1> to vector<1x432xi1>
    %broadcast_in_dim3A_514 = vector.broadcast %broadcast_in_dim3A_513 : vector<1x432xi1> to vector<64x432xi1>
    %broadcast_in_dim3A_515 = vector.broadcast %jit3A_512 : f32 to vector<64x432xf32>
    %select_n3A_516 = arith.select %broadcast_in_dim3A_514, %transpose3A_511, %broadcast_in_dim3A_515 : vector<64x432xi1>, vector<64x432xf32>
    %swap3A_517 = arith.constant 0 : index
    %swap3A_518 = arith.constant 0 : index
    %swap3A_519 = arith.constant 13 : index
    %swap3A_520 = arith.constant 0 : index
    %swap3A_521 = vector.load %arg3[%swap3A_517, %swap3A_518, %swap3A_519, %swap3A_520] : memref<1x64x16x432xf32, #tpu.memory_space<vmem>>, vector<1x64x1x432xf32>
    %swap3A_522 = vector.shape_cast %swap3A_521 : vector<1x64x1x432xf32> to vector<64x432xf32>
    %swap3A_523 = vector.shape_cast %select_n3A_516 : vector<64x432xf32> to vector<1x64x1x432xf32>
    tpu.vector_store %arg3[%swap3A_517, %swap3A_518, %swap3A_519, %swap3A_520], %swap3A_523 {strides = array<i32>} : memref<1x64x16x432xf32, #tpu.memory_space<vmem>>, vector<1x64x1x432xf32>,
    %slice3A_524 = vector.extract_strided_slice %get3A_501 {offsets = [0, 64], sizes = [432, 3], strides = [1, 1]} : vector<432x128xf32> to vector<432x3xf32>
    %transpose3A_525 = tpu.transpose %slice3A_524, [1, 0] : vector<432x3xf32> -> vector<3x432xf32>
    %jit3A_526 = arith.constant 0.000000e+00 : f32
    %broadcast_in_dim3A_527 = vector.shape_cast %broadcast_in_dim3A_509 : vector<1x432xi1> to vector<1x432xi1>
    %broadcast_in_dim3A_528 = vector.broadcast %broadcast_in_dim3A_527 : vector<1x432xi1> to vector<3x432xi1>
    %broadcast_in_dim3A_529 = vector.broadcast %jit3A_526 : f32 to vector<3x432xf32>
    %select_n3A_530 = arith.select %broadcast_in_dim3A_528, %transpose3A_525, %broadcast_in_dim3A_529 : vector<3x432xi1>, vector<3x432xf32>
    %swap3A_531 = arith.constant 0 : index
    %swap3A_532 = arith.constant 0 : index
    %swap3A_533 = arith.constant 13 : index
    %swap3A_534 = arith.constant 0 : index
    %swap3A_535 = vector.load %arg4[%swap3A_531, %swap3A_532, %swap3A_533, %swap3A_534] : memref<1x3x16x432xf32, #tpu.memory_space<vmem>>, vector<1x3x1x432xf32>
    %swap3A_536 = vector.shape_cast %swap3A_535 : vector<1x3x1x432xf32> to vector<3x432xf32>
    %swap3A_537 = vector.shape_cast %select_n3A_530 : vector<3x432xf32> to vector<1x3x1x432xf32>
    tpu.vector_store %arg4[%swap3A_531, %swap3A_532, %swap3A_533, %swap3A_534], %swap3A_537 {strides = array<i32>} : memref<1x3x16x432xf32, #tpu.memory_space<vmem>>, vector<1x3x1x432xf32>,
    %get3A_538 = arith.constant 6048 : index
    %get3A_539 = arith.constant 0 : index
    %get3A_540 = vector.load %arg1[%get3A_538, %get3A_539] : memref<6912x128xf32, #tpu.memory_space<vmem>>, vector<432x128xf32>
    %get3A_541 = arith.constant 14 : index
    %get3A_542 = arith.constant 0 : index
    %get3A_543 = vector.load %arg2[%get3A_541, %get3A_542] : memref<16x432xi32, #tpu.memory_space<vmem>>, vector<1x432xi32>
    %get3A_544 = vector.shape_cast %get3A_543 : vector<1x432xi32> to vector<432xi32>
    %ge3A_545 = arith.constant 0 : i32
    %ge3A_546 = vector.broadcast %ge3A_545 : i32 to vector<432xi32>
    %ge3A_547 = arith.cmpi sge, %get3A_544, %ge3A_546 : vector<432xi32>
    %broadcast_in_dim3A_548 = vector.shape_cast %ge3A_547 : vector<432xi1> to vector<1x432xi1>
    %slice3A_549 = vector.extract_strided_slice %get3A_540 {offsets = [0, 0], sizes = [432, 64], strides = [1, 1]} : vector<432x128xf32> to vector<432x64xf32>
    %transpose3A_550 = tpu.transpose %slice3A_549, [1, 0] : vector<432x64xf32> -> vector<64x432xf32>
    %jit3A_551 = arith.constant 0.000000e+00 : f32
    %broadcast_in_dim3A_552 = vector.shape_cast %broadcast_in_dim3A_548 : vector<1x432xi1> to vector<1x432xi1>
    %broadcast_in_dim3A_553 = vector.broadcast %broadcast_in_dim3A_552 : vector<1x432xi1> to vector<64x432xi1>
    %broadcast_in_dim3A_554 = vector.broadcast %jit3A_551 : f32 to vector<64x432xf32>
    %select_n3A_555 = arith.select %broadcast_in_dim3A_553, %transpose3A_550, %broadcast_in_dim3A_554 : vector<64x432xi1>, vector<64x432xf32>
    %swap3A_556 = arith.constant 0 : index
    %swap3A_557 = arith.constant 0 : index
    %swap3A_558 = arith.constant 14 : index
    %swap3A_559 = arith.constant 0 : index
    %swap3A_560 = vector.load %arg3[%swap3A_556, %swap3A_557, %swap3A_558, %swap3A_559] : memref<1x64x16x432xf32, #tpu.memory_space<vmem>>, vector<1x64x1x432xf32>
    %swap3A_561 = vector.shape_cast %swap3A_560 : vector<1x64x1x432xf32> to vector<64x432xf32>
    %swap3A_562 = vector.shape_cast %select_n3A_555 : vector<64x432xf32> to vector<1x64x1x432xf32>
    tpu.vector_store %arg3[%swap3A_556, %swap3A_557, %swap3A_558, %swap3A_559], %swap3A_562 {strides = array<i32>} : memref<1x64x16x432xf32, #tpu.memory_space<vmem>>, vector<1x64x1x432xf32>,
    %slice3A_563 = vector.extract_strided_slice %get3A_540 {offsets = [0, 64], sizes = [432, 3], strides = [1, 1]} : vector<432x128xf32> to vector<432x3xf32>
    %transpose3A_564 = tpu.transpose %slice3A_563, [1, 0] : vector<432x3xf32> -> vector<3x432xf32>
    %jit3A_565 = arith.constant 0.000000e+00 : f32
    %broadcast_in_dim3A_566 = vector.shape_cast %broadcast_in_dim3A_548 : vector<1x432xi1> to vector<1x432xi1>
    %broadcast_in_dim3A_567 = vector.broadcast %broadcast_in_dim3A_566 : vector<1x432xi1> to vector<3x432xi1>
    %broadcast_in_dim3A_568 = vector.broadcast %jit3A_565 : f32 to vector<3x432xf32>
    %select_n3A_569 = arith.select %broadcast_in_dim3A_567, %transpose3A_564, %broadcast_in_dim3A_568 : vector<3x432xi1>, vector<3x432xf32>
    %swap3A_570 = arith.constant 0 : index
    %swap3A_571 = arith.constant 0 : index
    %swap3A_572 = arith.constant 14 : index
    %swap3A_573 = arith.constant 0 : index
    %swap3A_574 = vector.load %arg4[%swap3A_570, %swap3A_571, %swap3A_572, %swap3A_573] : memref<1x3x16x432xf32, #tpu.memory_space<vmem>>, vector<1x3x1x432xf32>
    %swap3A_575 = vector.shape_cast %swap3A_574 : vector<1x3x1x432xf32> to vector<3x432xf32>
    %swap3A_576 = vector.shape_cast %select_n3A_569 : vector<3x432xf32> to vector<1x3x1x432xf32>
    tpu.vector_store %arg4[%swap3A_570, %swap3A_571, %swap3A_572, %swap3A_573], %swap3A_576 {strides = array<i32>} : memref<1x3x16x432xf32, #tpu.memory_space<vmem>>, vector<1x3x1x432xf32>,
    %get3A_577 = arith.constant 6480 : index
    %get3A_578 = arith.constant 0 : index
    %get3A_579 = vector.load %arg1[%get3A_577, %get3A_578] : memref<6912x128xf32, #tpu.memory_space<vmem>>, vector<432x128xf32>
    %get3A_580 = arith.constant 15 : index
    %get3A_581 = arith.constant 0 : index
    %get3A_582 = vector.load %arg2[%get3A_580, %get3A_581] : memref<16x432xi32, #tpu.memory_space<vmem>>, vector<1x432xi32>
    %get3A_583 = vector.shape_cast %get3A_582 : vector<1x432xi32> to vector<432xi32>
    %ge3A_584 = arith.constant 0 : i32
    %ge3A_585 = vector.broadcast %ge3A_584 : i32 to vector<432xi32>
    %ge3A_586 = arith.cmpi sge, %get3A_583, %ge3A_585 : vector<432xi32>
    %broadcast_in_dim3A_587 = vector.shape_cast %ge3A_586 : vector<432xi1> to vector<1x432xi1>
    %slice3A_588 = vector.extract_strided_slice %get3A_579 {offsets = [0, 0], sizes = [432, 64], strides = [1, 1]} : vector<432x128xf32> to vector<432x64xf32>
    %transpose3A_589 = tpu.transpose %slice3A_588, [1, 0] : vector<432x64xf32> -> vector<64x432xf32>
    %jit3A_590 = arith.constant 0.000000e+00 : f32
    %broadcast_in_dim3A_591 = vector.shape_cast %broadcast_in_dim3A_587 : vector<1x432xi1> to vector<1x432xi1>
    %broadcast_in_dim3A_592 = vector.broadcast %broadcast_in_dim3A_591 : vector<1x432xi1> to vector<64x432xi1>
    %broadcast_in_dim3A_593 = vector.broadcast %jit3A_590 : f32 to vector<64x432xf32>
    %select_n3A_594 = arith.select %broadcast_in_dim3A_592, %transpose3A_589, %broadcast_in_dim3A_593 : vector<64x432xi1>, vector<64x432xf32>
    %swap3A_595 = arith.constant 0 : index
    %swap3A_596 = arith.constant 0 : index
    %swap3A_597 = arith.constant 15 : index
    %swap3A_598 = arith.constant 0 : index
    %swap3A_599 = vector.load %arg3[%swap3A_595, %swap3A_596, %swap3A_597, %swap3A_598] : memref<1x64x16x432xf32, #tpu.memory_space<vmem>>, vector<1x64x1x432xf32>
    %swap3A_600 = vector.shape_cast %swap3A_599 : vector<1x64x1x432xf32> to vector<64x432xf32>
    %swap3A_601 = vector.shape_cast %select_n3A_594 : vector<64x432xf32> to vector<1x64x1x432xf32>
    tpu.vector_store %arg3[%swap3A_595, %swap3A_596, %swap3A_597, %swap3A_598], %swap3A_601 {strides = array<i32>} : memref<1x64x16x432xf32, #tpu.memory_space<vmem>>, vector<1x64x1x432xf32>,
    %slice3A_602 = vector.extract_strided_slice %get3A_579 {offsets = [0, 64], sizes = [432, 3], strides = [1, 1]} : vector<432x128xf32> to vector<432x3xf32>
    %transpose3A_603 = tpu.transpose %slice3A_602, [1, 0] : vector<432x3xf32> -> vector<3x432xf32>
    %jit3A_604 = arith.constant 0.000000e+00 : f32
    %broadcast_in_dim3A_605 = vector.shape_cast %broadcast_in_dim3A_587 : vector<1x432xi1> to vector<1x432xi1>
    %broadcast_in_dim3A_606 = vector.broadcast %broadcast_in_dim3A_605 : vector<1x432xi1> to vector<3x432xi1>
    %broadcast_in_dim3A_607 = vector.broadcast %jit3A_604 : f32 to vector<3x432xf32>
    %select_n3A_608 = arith.select %broadcast_in_dim3A_606, %transpose3A_603, %broadcast_in_dim3A_607 : vector<3x432xi1>, vector<3x432xf32>
    %swap3A_609 = arith.constant 0 : index
    %swap3A_610 = arith.constant 0 : index
    %swap3A_611 = arith.constant 15 : index
    %swap3A_612 = arith.constant 0 : index
    %swap3A_613 = vector.load %arg4[%swap3A_609, %swap3A_610, %swap3A_611, %swap3A_612] : memref<1x3x16x432xf32, #tpu.memory_space<vmem>>, vector<1x3x1x432xf32>
    %swap3A_614 = vector.shape_cast %swap3A_613 : vector<1x3x1x432xf32> to vector<3x432xf32>
    %swap3A_615 = vector.shape_cast %select_n3A_608 : vector<3x432xf32> to vector<1x3x1x432xf32>
    tpu.vector_store %arg4[%swap3A_609, %swap3A_610, %swap3A_611, %swap3A_612], %swap3A_615 {strides = array<i32>} : memref<1x3x16x432xf32, #tpu.memory_space<vmem>>, vector<1x3x1x432xf32>,
    return
  }
  func.func @transform_0(%arg0: i32) -> (i32, i32) {
    %c0_i32 = arith.constant 0 : i32
    %c0_i32_0 = arith.constant 0 : i32
    return %arg0, %c0_i32 : i32, i32
  }
  func.func @transform_1(%arg0: i32) -> (i32, i32) {
    %c0_i32 = arith.constant 0 : i32
    %c0_i32_0 = arith.constant 0 : i32
    return %arg0, %c0_i32 : i32, i32
  }
  func.func @transform_2(%arg0: i32) -> (i32, i32, i32, i32) {
    %jit3A = arith.constant 31 : i32
    %div3A = arith.divsi %arg0, %jit3A : i32
    %sign3A = arith.constant 0 : i32
    %sign3A_0 = arith.cmpi sgt, %arg0, %sign3A : i32
    %sign3A_1 = arith.extui %sign3A_0 : i1 to i32
    %sign3A_2 = arith.constant 0 : i32
    %sign3A_3 = arith.cmpi slt, %arg0, %sign3A_2 : i32
    %sign3A_4 = arith.extui %sign3A_3 : i1 to i32
    %sign3A_5 = arith.subi %sign3A_1, %sign3A_4 : i32
    %sign3A_6 = arith.constant 0 : i32
    %sign3A_7 = arith.cmpi sgt, %jit3A, %sign3A_6 : i32
    %sign3A_8 = arith.extui %sign3A_7 : i1 to i32
    %sign3A_9 = arith.constant 0 : i32
    %sign3A_10 = arith.cmpi slt, %jit3A, %sign3A_9 : i32
    %sign3A_11 = arith.extui %sign3A_10 : i1 to i32
    %sign3A_12 = arith.subi %sign3A_8, %sign3A_11 : i32
    %ne3A = arith.cmpi ne, %sign3A_5, %sign3A_12 : i32
    %rem3A = arith.remsi %arg0, %jit3A : i32
    %ne3A_13 = arith.constant 0 : i32
    %ne3A_14 = arith.cmpi ne, %rem3A, %ne3A_13 : i32
    %and3A = arith.andi %ne3A, %ne3A_14 : i1
    %sub3A = arith.constant 1 : i32
    %sub3A_15 = arith.subi %div3A, %sub3A : i32
    %select_n3A = arith.select %and3A, %sub3A_15, %div3A : i32
    %jit3A_16 = arith.constant 31 : i32
    %eq3A = arith.constant 0 : i32
    %eq3A_17 = arith.cmpi eq, %jit3A_16, %eq3A : i32
    %jit3A_18 = arith.constant 1 : i32
    %select_n3A_19 = arith.select %eq3A_17, %jit3A_18, %jit3A_16 : i32
    %rem3A_20 = arith.remsi %arg0, %select_n3A_19 : i32
    %ne3A_21 = arith.constant 0 : i32
    %ne3A_22 = arith.cmpi ne, %rem3A_20, %ne3A_21 : i32
    %lt3A = arith.constant 0 : i32
    %lt3A_23 = arith.cmpi slt, %rem3A_20, %lt3A : i32
    %lt3A_24 = arith.constant 0 : i32
    %lt3A_25 = arith.cmpi slt, %select_n3A_19, %lt3A_24 : i32
    %ne3A_26 = arith.xori %lt3A_23, %lt3A_25 : i1
    %and3A_27 = arith.andi %ne3A_26, %ne3A_22 : i1
    %add3A = arith.addi %rem3A_20, %select_n3A_19 : i32
    %select_n3A_28 = arith.select %and3A_27, %add3A, %rem3A_20 : i32
    %c0_i32 = arith.constant 0 : i32
    %c0_i32_29 = arith.constant 0 : i32
    %c0_i32_30 = arith.constant 0 : i32
    return %select_n3A, %c0_i32, %select_n3A_28, %c0_i32_29 : i32, i32, i32, i32
  }
  func.func @transform_3(%arg0: i32) -> (i32, i32, i32, i32) {
    %jit3A = arith.constant 31 : i32
    %div3A = arith.divsi %arg0, %jit3A : i32
    %sign3A = arith.constant 0 : i32
    %sign3A_0 = arith.cmpi sgt, %arg0, %sign3A : i32
    %sign3A_1 = arith.extui %sign3A_0 : i1 to i32
    %sign3A_2 = arith.constant 0 : i32
    %sign3A_3 = arith.cmpi slt, %arg0, %sign3A_2 : i32
    %sign3A_4 = arith.extui %sign3A_3 : i1 to i32
    %sign3A_5 = arith.subi %sign3A_1, %sign3A_4 : i32
    %sign3A_6 = arith.constant 0 : i32
    %sign3A_7 = arith.cmpi sgt, %jit3A, %sign3A_6 : i32
    %sign3A_8 = arith.extui %sign3A_7 : i1 to i32
    %sign3A_9 = arith.constant 0 : i32
    %sign3A_10 = arith.cmpi slt, %jit3A, %sign3A_9 : i32
    %sign3A_11 = arith.extui %sign3A_10 : i1 to i32
    %sign3A_12 = arith.subi %sign3A_8, %sign3A_11 : i32
    %ne3A = arith.cmpi ne, %sign3A_5, %sign3A_12 : i32
    %rem3A = arith.remsi %arg0, %jit3A : i32
    %ne3A_13 = arith.constant 0 : i32
    %ne3A_14 = arith.cmpi ne, %rem3A, %ne3A_13 : i32
    %and3A = arith.andi %ne3A, %ne3A_14 : i1
    %sub3A = arith.constant 1 : i32
    %sub3A_15 = arith.subi %div3A, %sub3A : i32
    %select_n3A = arith.select %and3A, %sub3A_15, %div3A : i32
    %jit3A_16 = arith.constant 31 : i32
    %eq3A = arith.constant 0 : i32
    %eq3A_17 = arith.cmpi eq, %jit3A_16, %eq3A : i32
    %jit3A_18 = arith.constant 1 : i32
    %select_n3A_19 = arith.select %eq3A_17, %jit3A_18, %jit3A_16 : i32
    %rem3A_20 = arith.remsi %arg0, %select_n3A_19 : i32
    %ne3A_21 = arith.constant 0 : i32
    %ne3A_22 = arith.cmpi ne, %rem3A_20, %ne3A_21 : i32
    %lt3A = arith.constant 0 : i32
    %lt3A_23 = arith.cmpi slt, %rem3A_20, %lt3A : i32
    %lt3A_24 = arith.constant 0 : i32
    %lt3A_25 = arith.cmpi slt, %select_n3A_19, %lt3A_24 : i32
    %ne3A_26 = arith.xori %lt3A_23, %lt3A_25 : i1
    %and3A_27 = arith.andi %ne3A_26, %ne3A_22 : i1
    %add3A = arith.addi %rem3A_20, %select_n3A_19 : i32
    %select_n3A_28 = arith.select %and3A_27, %add3A, %rem3A_20 : i32
    %c0_i32 = arith.constant 0 : i32
    %c0_i32_29 = arith.constant 0 : i32
    %c0_i32_30 = arith.constant 0 : i32
    return %select_n3A, %c0_i32, %select_n3A_28, %c0_i32_29 : i32, i32, i32, i32
  }
}

</mosaic_0001>

<sc_bundles>
// kernel: kernel.4.cloned.1.call-start
scs
__scs_entry_jumppad:
0x0: {  	(pc) =	sbr.rel $0x88, $3  }
0x1: {  	(tag) =	ssettag $0x0;
	lr =	simm.s32 $0x1  }
0x2: {  	[smem:$0x3F9E] =	sst lr;
	_ =	strace $0xD0000000  }
0x3: {  	_ = 	snop  }
0x4: {  	_ = 	snop  }
0x5: {  	_ = 	snop  }
0x6: {  	_ = 	snop  }
0x7: {  	_ = 	snop  }
__scs_overlays_trampoline_lowered:
0x8: {  	[smem:$0x3FAD] =	sst s0  }
0x9: {  	[smem:$0x3FAE] =	sst s1  }
0xa: {  	[smem:$0x3FAF] =	sst s2  }
0xb: {  	[smem:$0x3FB0] =	sst s3  }
0xc: {  	[smem:$0x3FB1] =	sst s4  }
0xd: {  	[smem:$0x3FB2] =	sst s5  }
0xe: {  	[smem:$0x3FB3] =	sst s6  }
0xf: {  	[smem:$0x3FB4] =	sst s7  }
0x10: {  	[smem:$0x3FB5] =	sst s8  }
0x11: {  	[smem:$0x3FB6] =	sst s9;
	s0 =	simm.s32 @!p0 $0x0  }
0x12: {  	s1 =	sld [smem:$0x3F9C];
	s0 =	simm.s32 @p0 $0x1  }
0x13: {  	[smem:$0x3FB7] =	sst s0;
	s0 =	simm.s32 @!p1 $0x0  }
0x14: {  	s2 =	sld [smem:$0x3F9B];
	s0 =	simm.s32 @p1 $0x1  }
0x15: {  	[smem:$0x3FB8] =	sst s0;
	s0 =	simm.s32 @!p2 $0x0  }
0x16: {  	s3 =	sld [smem:$0x3FDB];
	s0 =	simm.s32 @p2 $0x1  }
0x17: {  	s4 =	simm.s32 $0x1BF5;
	[smem:$0x3FBA] =	sst s0  }
0x18: {  	s0 =	sld [smem:$0x3F9D];
	_ =	swait.ge [sflag:s4], $0x0  }
0x19: {  	s7 =	sld [smem:$0x3F9E]  }
0x1a: {  	s8 =	sadd.s32 $0xFFFFE003, lr  }
0x1b: {  	s9 =	sadd.s32 $0xFFFFFEF7, lr;
	s5 =	simm.s32 $0xFFFFFFFF;
	p2 =	slt.u32 s8, $0xFFFFF086  }
0x1c: {  	p1 =	slt.u32 s9, $0xF7A;
	s5 =	simm.s32 @!p2 $0x0  }
0x1d: {  	s5 =	simm.s32 @p1 $0x1;
	p0 =	seq.s32 s7, s2  }
0x1e: {  	s7 =	smul.u32 @!p0 $0xF7A, s2;
	p2 =	seq.s32 @!p0 s5, $0x0  }
0x1f: {  	s9 =	smul.u32 $0xF7A, s1;
	s8 =	simm.s32 @!p0 $0x1BF5;
	p2 =	por !p2, p0  }
0x20: {  	[sflag:s8] =	ssyncset.s32 @!p0 $0xFFFFF086;
	s6 =	sadd.s32 @!p0 s3, s7;
	s7 =	simm.s32 @!p0 $0x108  }
0x21: {  	s3 =	sadd.s32 s3, s9;
	s6 =	sadd.s32 @!p0 $0x88, s6;
	s7 =	simm.s32 @p2 $0x1082  }
0x22: {  	[simem:s7], [sflag:s8] =	dma.local @!p0 [hbm:s6], $0xF7A  }
0x23: {  	s9 =	sor.u32 $0xD0000000, s2;
	s6 =	simm.s32 $0x108;
	_ =	swait.ge @!p0 [sflag:s8], $0x0  }
0x24: {  	s3 =	sadd.s32 $0x88, s3;
	s6 =	simm.s32 @!p1 $0x1082;
	[sflag:s4] =	ssyncset.s32 $0xFFFFF086  }
0x25: {  	[simem:s6], [sflag:s4] =	dma.local [hbm:s3], $0xF7A  }
0x26: {  	[smem:$0x3F9E] =	sst s1;
	(tag) =	ssettag s2;
	_ =	strace s9  }
0x27: {  	s1 =	sld [smem:$0x3FAE]  }
0x28: {  	s2 =	sld [smem:$0x3FAF]  }
0x29: {  	s4 =	sld [smem:$0x3FB1]  }
0x2a: {  	p0 =	seq.s32 s5, $0x0;
	s5 =	sld [smem:$0x3FB2]  }
0x2b: {  	s6 =	sld [smem:$0x3FB3]  }
0x2c: {  	s7 =	sld [smem:$0x3FB4]  }
0x2d: {  	s3 =	simm.s32 $0x108;
	s8 =	sld [smem:$0x3FB5]  }
0x2e: {  	s3 =	simm.s32 @!p0 $0x1082;
	s9 =	sld [smem:$0x3FB6]  }
0x2f: {  	lr =	sadd.s32 s0, s3;
	s0 =	sld [smem:$0x3FAD]  }
0x30: {  	s3 =	sld [smem:$0x3FB0]  }
0x31: {  	[smem:$0x3FB9] =	sst s10  }
0x32: {  	s10 =	sld [smem:$0x3FB7];
	_ =	sdelay $0x3  }
0x33: {  	p0 =	seq.s32 s10, $0x1;
	s10 =	sld [smem:$0x3FB9];
	_ =	sdelay $0x3  }
0x34: {  	[smem:$0x3FB9] =	sst s10  }
0x35: {  	s10 =	sld [smem:$0x3FB8];
	_ =	sdelay $0x3  }
0x36: {  	p1 =	seq.s32 s10, $0x1;
	s10 =	sld [smem:$0x3FB9];
	_ =	sdelay $0x3  }
0x37: {  	[smem:$0x3FB9] =	sst s10  }
0x38: {  	s10 =	sld [smem:$0x3FBA]  }
0x39: {  	_ = 	snop;
	(pc) =	sbr.ind lr, $3  }
0x3a: {  	_ = 	snop  }
0x3b: {  	_ = 	snop  }
0x3c: {  	p2 =	seq.s32 s10, $0x1;
	s10 =	sld [smem:$0x3FB9]  }
0x3d: {  	_ =	shalt  }
0x3e: {  	_ =	shalt  }
0x3f: {  	_ =	shalt  }
0x40: {  	_ =	shalt  }
0x41: {  	_ =	shalt  }
0x42: {  	_ =	shalt  }
0x43: {  	_ =	shalt  }
0x44: {  	_ =	shalt  }
0x45: {  	_ =	shalt  }
0x46: {  	_ =	shalt  }
0x47: {  	_ =	shalt  }
0x48: {  	_ =	shalt  }
0x49: {  	_ =	shalt  }
0x4a: {  	_ =	shalt  }
0x4b: {  	_ =	shalt  }
0x4c: {  	_ =	shalt  }
0x4d: {  	_ =	shalt  }
0x4e: {  	_ =	shalt  }
0x4f: {  	_ =	shalt  }
0x50: {  	_ =	shalt  }
0x51: {  	_ =	shalt  }
0x52: {  	_ =	shalt  }
0x53: {  	_ =	shalt  }
0x54: {  	_ =	shalt  }
0x55: {  	_ =	shalt  }
0x56: {  	_ =	shalt  }
0x57: {  	_ =	shalt  }
0x58: {  	_ =	shalt  }
0x59: {  	_ =	shalt  }
0x5a: {  	_ =	shalt  }
0x5b: {  	_ =	shalt  }
0x5c: {  	_ =	shalt  }
0x5d: {  	_ =	shalt  }
0x5e: {  	_ =	shalt  }
0x5f: {  	_ =	shalt  }
0x60: {  	_ =	shalt  }
0x61: {  	_ =	shalt  }
0x62: {  	_ =	shalt  }
0x63: {  	_ =	shalt  }
0x64: {  	_ =	shalt  }
0x65: {  	_ =	shalt  }
0x66: {  	_ =	shalt  }
0x67: {  	_ =	shalt  }
0x68: {  	_ =	shalt  }
0x69: {  	_ =	shalt  }
0x6a: {  	_ =	shalt  }
0x6b: {  	_ =	shalt  }
0x6c: {  	_ =	shalt  }
0x6d: {  	_ =	shalt  }
0x6e: {  	_ =	shalt  }
0x6f: {  	_ =	shalt  }
0x70: {  	_ =	shalt  }
0x71: {  	_ =	shalt  }
0x72: {  	_ =	shalt  }
0x73: {  	_ =	shalt  }
0x74: {  	_ =	shalt  }
0x75: {  	_ =	shalt  }
0x76: {  	_ =	shalt  }
0x77: {  	_ =	shalt  }
0x78: {  	_ =	shalt  }
0x79: {  	_ =	shalt  }
0x7a: {  	_ =	shalt  }
0x7b: {  	_ =	shalt  }
0x7c: {  	_ =	shalt  }
0x7d: {  	_ =	shalt  }
0x7e: {  	_ =	shalt  }
0x7f: {  	_ =	shalt  }
0x80: {  	_ =	shalt  }
0x81: {  	_ =	shalt  }
0x82: {  	_ =	shalt  }
0x83: {  	_ =	shalt  }
0x84: {  	_ =	shalt  }
0x85: {  	_ =	shalt  }
0x86: {  	_ =	shalt  }
0x87: {  	_ =	shalt  }
.Lfunc_end0:
.L_simem_size_0:
called_computation_lowered:
.L_overlay_start_0:
0x88: {  	s2 =	sld [smem:$0x3FD9]  }
0x89: {  	s3 =	sld [smem:$0x3FFE];
	_ =	sdelay $0x1  }
0x8a: {  	s1 =	srdreg.scid  }
0x8b: {  	s0 =	sand.u32 $0x1, s1  }
0x8c: {  	s14 =	sshll.u32 s0, $0xA;
	s2 =	sadd.s32 s3, s2  }
0x8d: {  	s2 =	sadd.s32 s2, s14  }
0x8e: {  	[smem:$0x3FC5] =	sst s2  }
0x8f: {  	_ = 	snop  }
0x90: {  	s2 =	sld [smem:$0x3FD0];
	_ =	sdelay $0x2  }
0x91: {  	s15 =	simm.s32 $0xA;
	s4 =	simm.s32 $0x10  }
0x92: {  	[smem:s4], [sflag:s15] =	dma.local [hbm:s2], $0x1  }
0x93: {  	_ =	swait.eq [sflag:s15], $0x1  }
0x94: {  	[sflag:s15] =	ssyncset.done $0x0  }
0x95: {  	s16 =	sld [smem:$0x10];
	[sflag:s15] =	ssyncadd.s32 $0xFFFFFFFF  }
0x96: {  	s17 =	sld [smem:$0x11];
	(tm) =	ssettm $0x1  }
0x97: {  	s18 =	sld [smem:$0x3FFB];
	_ =	sdelay $0x3  }
0x98: {  	_ =	strace s18  }
0x99: {  	s4 =	sld [smem:$0x3FFC];
	_ =	sdelay $0x3  }
0x9a: {  	_ =	strace s4  }
0x9b: {  	s4 =	sld [smem:$0x3FFD];
	_ =	sdelay $0x3  }
0x9c: {  	_ =	strace s4  }
0x9d: {  	_ =	strace $0x8FFFFFFF  }
0x9e: {  	s19 =	sld [smem:$0x3FDB];
	_ =	sdelay $0x1  }
0x9f: {  	s5 =	simm.s32 $_scs_section_size  }
0xa0: {  	s6 =	simm.s32 $_size__tile_overlayer_lowered;
	s7 =	simm.s32 $_tile_overlayer_lowered  }
0xa1: {  	s22 =	simm.s32 $0x1BFF;
	s21 =	sshll.u32 s7, $0x1;
	s4 =	sadd.s32 s5, s19  }
0xa2: {  	s8 =	simm.s32 $0x0;
	s20 =	sshll.u32 s6, $0x1;
	s6 =	sadd.s32 s21, s4  }
0xa3: {  	[timem:s8], [sflag:s22] =	dma.local [hbm:s6], s20  }
0xa4: {  	_ =	swait.ge [sflag:s22], s20  }
0xa5: {  	s5 =	ssub.s32 $0x0, s20;
	[sflag:s22] =	ssyncset.done $0x0  }
0xa6: {  	[sflag:s22] =	ssyncadd.s32 s5;
	_ =	sdelay $0x1  }
0xa7: {  	s23 =	simm.s32 $0x1B8B  }
0xa8: {  	_ =	swait.ge [sflag:s23], $0x1  }
0xa9: {  	[sflag:s23] =	ssyncset.done $0x0  }
0xaa: {  	s25 =	simm.s32 $0x1B8E;
	s24 =	sld [smem:$0x3FFE];
	[sflag:s23] =	ssyncadd.s32 $0xFFFFFFFF  }
0xab: {  	s26 =	simm.s32 $execute0_lowered;
	[smem:$0x3FD2] =	sst s25  }
0xac: {  	s6 =	sshll.u32 s26, $0x1;
	_ =	strace $0x80000046;
	[dreg:$0x1] =	wrdreg $0xFFFFFFFF  }
0xad: {  	s28 =	simm.s32 $_size_execute0_lowered;
	s4 =	sadd.s32 s4, s6;
	[dreg:$0x0] =	wrdreg $0x0  }
0xae: {  	s6 =	sshll.u32 s28, $0x1;
	[dreg:$0x2] =	wrdreg s4  }
0xaf: {  	[dreg:$0x3] =	wrdreg s6  }
0xb0: {  	[dreg:$0x4] =	wrdreg $0xC0  }
0xb1: {  	_ =	task [dreg:s8], $0x5FFFF  }
0xb2: {  	[dreg:$0x1] =	wrdreg $0xFFFFFFFF  }
0xb3: {  	[dreg:$0x0] =	wrdreg $0x60  }
0xb4: {  	[dreg:$0x2] =	wrdreg s16  }
0xb5: {  	[dreg:$0x3] =	wrdreg s24  }
0xb6: {  	[dreg:$0x4] =	wrdreg s17  }
0xb7: {  	[dreg:$0x5] =	wrdreg $0x9  }
0xb8: {  	_ =	task.clear_ibuf [dreg:s8], $0x6FFFF;
	_ =	strace $0x90000046  }
0xb9: {  	s29 =	simm.s32 $0x9;
	_ =	strace $0x80000048  }
0xba: {  	_ =	swait.ge [sflag:s29], $0x1  }
0xbb: {  	[sflag:s29] =	ssyncadd.s32 $0xFFFFFFFF  }
0xbc: {  	_ =	strace $0x90000048  }
0xbd: {  	_ =	sfence  }
0xbe: {  	s30 =	sld [smem:$0x0];
	_ =	sdelay $0x2  }
0xbf: {  	s31 =	sshll.u32 s1, $0xD;
	s1 =	sshrl.u32 s1, $0x2  }
0xc0: {  	s3 =	sand.u32 $0x4000, s31;
	s1 =	sadd.s32 s1, s30  }
0xc1: {  	s0 =	sor.u32 s3, s0;
	s1 =	sshll.u32 s1, $0x11  }
0xc2: {  	s0 =	sor.u32 s1, s0  }
0xc3: {  	s0 =	sadd.s32 $0x8F2B, s0  }
0xc4: {  	[sflag:s0] =	ssyncadd.remote.s32 $0x1  }
0xc5: {  	_ =	sfence.sel $0xFFFF  }
0xc6: {  	[dreg:$0x0] =	wrdreg $0xFFFFFFFF;
	(pc) =	sbr.abs _section_cstart, $3  }
0xc7: {  	[dreg:$0x1] =	wrdreg $0xFFFFFFFF  }
0xc8: {  	_ =	task.clear_ibuf [dreg:s8], $0x2FFFF;
	_ =	strace $0x9FFFFFFF  }
0xc9: {  	(tm) =	ssettm $0x7FFFFFFF  }
tec
execute0_lowered:
.L_overlay_start_1:
0x0: {  	(tag) =	ssettag $0x1  }
0x1: {  	s1 =	rddreg [dreg:$0x0]  }
0x2: {  	s0 =	rddreg [dreg:$0x1]  }
0x3: {  	s10 =	rddreg [dreg:$0x2]  }
0x4: {  	s2 =	simm.s32 $0x0;
	s3 =	srdreg.scid;
	s15 =	simm.s32 $0x9880  }
0x5: {  	s16 =	simm.s32 $0x1A780;
	s17 =	simm.s32 $0xFC80;
	s18 =	simm.s32 $0x13180  }
0x6: {  	s19 =	simm.s32 $0x4;
	s20 =	simm.s32 $0x80;
	s8 =	sand.u32 $0x1, s3  }
0x7: {  	v0 =	vimm.s32 $0xFFEDCBA9;
	v1 =	vimm.s32 $0x87654321;
	s21 =	simm.s32 $0x16680;
	s3 =	stileid.u32;
	s5 =	sshll.u32 s8, $0x4  }
0x8: {  	s22 =	simm.s32 $0x16780;
	s23 =	simm.s32 $0x2;
	v0 =	vunpack.c.l.s4.s8 v0;
	v1 =	vunpack.c.l.s4.s8 v1;
	s9 =	sor.u32 s3, s5  }
0x9: {  	s24 =	simm.s32 $0x16700;
	s25 =	simm.s32 $0x3;
	s9 =	smul.u32 $0x3450, s9  }
0xa: {  	s26 =	simm.s32 $0x0;
	[smem:$0x7FF] =	sst s2;
	s12 =	smul.u32 $0x34500, s8;
	v0 =	vunpack.c.0.s8.s32 v0;
	v1 =	vunpack.c.0.s8.s32 v1  }
0xb: {  	s4 =	sadd.s32 $0xE00, s0;
	s6 =	ssub.s32 $0x2, s8;
	s14 =	smul.u32 $0x3450, s3;
	v2 =	vmov s9  }
.Ltmp0:
0xc: {  	vm0 =	vcmask $0x3F3C;
	_ =	strace $0x80000047;
	s7 =	sshrl.u32 s6, $0x1;
	v3 =	vcombine.low v1, v0;
	v2 =	vsub.s32 $0x0, v2;
	(pc) =	sbr.rel .LBB2_1-.Ltmp0, $4  }
0xd: {  	v4 =	vimm.s32 $0x0;
	s8 =	sadd.s32 $0x3380, s0;
	s5 =	sadd.s32 $0x4E00, s0;
	s11 =	ssub.s32 s6, s7;
	v0 =	vbroadcast v2, $0x0;
	v2 =	vlaneseq.u32  }
0xe: {  	s6 =	sadd.s32 $0x1A80, s0;
	s7 =	sadd.s32 $0x2700, s0;
	s12 =	sadd.s32 s14, s12;
	v1 =	vimm.s32 $0xFFFFFFFF;
	v3 =	vand.u32 $0xF, v3;
	v5 =	vor.u32 $0x10, v2  }
0xf: {  	s14 =	simm.s32 $0x1;
	s11 =	smax.u32 s11, $0x1;
	s13 =	sshrl.u32 s9, $0x3;
	v6 =	vor.u32 $0x20, v2;
	v7 =	vor.u32 $0x30, v2;
	v8 =	vor.u32 $0x40, v2  }
0x10: {  	s9 =	sadd.s32 $0x4000, s0;
	s10 =	sadd.s32 s10, s13;
	s13 =	simm.s32 $0x3480;
	v9 =	vor.u32 $0x50, v2;
	v10 =	vor.u32 $0x60, v2;
	v11 =	vor.u32 $0x70, v2  }
.LBB2_19:
0x11: {  	_ =	sdelay $0x2  }
0x12: {  	[sflag:s25] =	ssyncadd.s32 @p0 $0xFFFFC000  }
0x13: {  	v13 =	vld.idx.msk [tilespmem:v12+s17+$0x0], $0xffff;
	_ =	sdelay $0x4  }
0x14: {  	[tilespmem:$0x16680] =	vst v13  }
0x15: {  	v56 =	vld.idx.msk [tilespmem:v12+s18+$0x0], $0xffff  }
0x16: {  	v57 =	vor.u32 s28, v5;
	_ =	sdelay $0x3  }
0x17: {  	[tilespmem:$0x16700] =	vst v56  }
0x18: {  	v12 =	vld.idx.msk [tilespmem:v57+s17+$0x0], $0xffff;
	_ =	sdelay $0x4  }
0x19: {  	[tilespmem:$0x16690] =	vst v12  }
0x1a: {  	v12 =	vld.idx.msk [tilespmem:v57+s18+$0x0], $0xffff  }
0x1b: {  	v58 =	vor.u32 s28, v6;
	_ =	sdelay $0x3  }
0x1c: {  	[tilespmem:$0x16710] =	vst v12  }
0x1d: {  	v12 =	vld.idx.msk [tilespmem:v58+s17+$0x0], $0xffff;
	_ =	sdelay $0x4  }
0x1e: {  	[tilespmem:$0x166A0] =	vst v12  }
0x1f: {  	v12 =	vld.idx.msk [tilespmem:v58+s18+$0x0], $0xffff  }
0x20: {  	v59 =	vor.u32 s28, v7;
	_ =	sdelay $0x3  }
0x21: {  	[tilespmem:$0x16720] =	vst v12  }
0x22: {  	v12 =	vld.idx.msk [tilespmem:v59+s17+$0x0], $0xffff;
	_ =	sdelay $0x4  }
0x23: {  	[tilespmem:$0x166B0] =	vst v12  }
0x24: {  	v12 =	vld.idx.msk [tilespmem:v59+s18+$0x0], $0xffff  }
0x25: {  	v60 =	vor.u32 s28, v8;
	_ =	sdelay $0x3  }
0x26: {  	[tilespmem:$0x16730] =	vst v12  }
0x27: {  	v12 =	vld.idx.msk [tilespmem:v60+s17+$0x0], $0xffff;
	_ =	sdelay $0x4  }
0x28: {  	[tilespmem:$0x166C0] =	vst v12  }
0x29: {  	v12 =	vld.idx.msk [tilespmem:v60+s18+$0x0], $0xffff  }
0x2a: {  	v61 =	vor.u32 s28, v9;
	_ =	sdelay $0x3  }
0x2b: {  	[tilespmem:$0x16740] =	vst v12  }
0x2c: {  	v12 =	vld.idx.msk [tilespmem:v61+s17+$0x0], $0xffff;
	_ =	sdelay $0x4  }
0x2d: {  	[tilespmem:$0x166D0] =	vst v12  }
0x2e: {  	v12 =	vld.idx.msk [tilespmem:v61+s18+$0x0], $0xffff  }
0x2f: {  	v62 =	vor.u32 s28, v10;
	_ =	sdelay $0x3  }
0x30: {  	[tilespmem:$0x16750] =	vst v12  }
0x31: {  	v12 =	vld.idx.msk [tilespmem:v62+s17+$0x0], $0xffff;
	_ =	sdelay $0x4  }
0x32: {  	[tilespmem:$0x166E0] =	vst v12  }
0x33: {  	v12 =	vld.idx.msk [tilespmem:v62+s18+$0x0], $0xffff  }
0x34: {  	v63 =	vor.u32 s28, v11;
	_ =	sdelay $0x3  }
0x35: {  	[tilespmem:$0x16760] =	vst v12  }
0x36: {  	v12 =	vld.idx.msk [tilespmem:v63+s17+$0x0], $0xffff;
	_ =	sdelay $0x4  }
0x37: {  	[tilespmem:$0x166F0] =	vst v12  }
0x38: {  	v12 =	vld.idx.msk [tilespmem:v63+s18+$0x0], $0xffff;
	_ =	sdelay $0x4  }
0x39: {  	[tilespmem:$0x16770] =	vst v12  }
0x3a: {  	[tilespmem:s22], [sflag:$0x2] =	stream.indirect.gather [hbm4b:s1+s20], $0x80, s21, s20, $0xb8;
	[tilespmem:$0x1A800] =	vst v63  }
0x3b: {  	_ =	swait.ge [sflag:s23], $0x4000  }
0x3c: {  	[sflag:s23] =	ssyncset.done $0x0  }
0x3d: {  	[sflag:s23] =	ssyncadd.s32 $0xFFFFC000  }
0x3e: {  	[hbm4b:s5+s20] =	stream.indirect.scatter [tilespmem:s22], [sflag:$0x3], $0x80, s24, s20, $0xb8;
	[tilespmem:$0x1A800] =	vst v63  }
0x3f: {  	_ =	swait.ge [sflag:s25], $0x4000  }
0x40: {  	[sflag:s25] =	ssyncset.done $0x0  }
0x41: {  	[sflag:s25] =	ssyncadd.s32 $0xFFFFC000  }
.LBB2_20:
0x42: {  	s26 =	sadd.s32 $0x1, s26  }
0x43: {  	p0 =	sne.s32 s26, s11  }
.Ltmp1:
0x44: {  	_ = 	snop;
	(pc) =	sbr.rel @!p0 .LBB2_21-.Ltmp1, $1  }
0x45: {  	_ =	sdelay $0x3  }
.LBB2_1:
0x46: {  	s28 =	simm.s32 $0x40;
	s0 =	simm.s32 $0x0  }
.LBB2_2:
0x47: {  	p0 =	sne.s32 s28, $0xD100;
	[tilespmem:s0+$0x0] =	vst v1;
	s0 =	smov.u32 s28;
	s28 =	sadd.s32 $0x40, s28  }
.Ltmp2:
0x48: {  	(pc) =	sbr.rel @p0 .LBB2_2-.Ltmp2, $2  }
0x49: {  	_ =	sdelay $0x2  }
0x4a: {  	s0 =	sshra.s32 s0, $0x2  }
0x4b: {  	[tilespmem:s0+$0x0] =	vst v1;
	s0 =	simm.s32 $0x0  }
0x4c: {  	[tilespmem:s13], [sflag:$0x1] =	stream.linear.gather [hbm4b:s4+s0], $0x6400, $0x38;
	[tilespmem:$0x1A800] =	vst v63  }
0x4d: {  	_ =	swait.ge [sflag:s14], $0x6400  }
0x4e: {  	s28 =	sand.u32 $0x70, s0;
	s29 =	sand.u32 $0x7E00, s0;
	[sflag:s14] =	ssyncset.done $0x0  }
0x4f: {  	s28 =	sor.u32 s28, s29;
	[sflag:s14] =	ssyncadd.s32 $0xFFFF9C00  }
0x50: {  	[tilespmem:s15], [sflag:$0x1] =	stream.linear.gather [hbm4b:s6+s0], $0x6400, $0x38;
	[tilespmem:$0x1A800] =	vst v63  }
0x51: {  	v12 =	vld [tilespmem:s28+$0x3480]  }
0x52: {  	v13 =	vld [tilespmem:s28+$0x3500];
	_ =	sdelay $0x2  }
0x53: {  	v14 =	vld [tilespmem:s28+$0x3580]  }
0x54: {  	v12 =	vmul.u32 $0x34500, v12  }
0x55: {  	v13 =	vmul.u32 $0x1B0, v13  }
0x56: {  	v12 =	vadd.s32 v0, v12  }
0x57: {  	v12 =	vadd.s32 v13, v12  }
0x58: {  	v12 =	vadd.s32 v14, v12  }
0x59: {  	v13 =	vshll.u32 v12, $0xF  }
0x5a: {  	v13 =	vadd.s32 s0, v13  }
0x5b: {  	vm1 =	vlt.u32 v12, $0x3450;
	v12 =	vadd.s32 v2, v13  }
0x5c: {  	v12 =	vnsel vm1, $0x7FFFFFFF, v12  }
0x5d: {  	v13 =	vxor.u32 $0x80000000, v12  }
0x5e: {  	(xrf1) =	vsort.ascd.msk.u32 $0xffff, v13, v12;
	_ =	sdelay $0xd  }
0x5f: {  	v13, _, _ =	vpop (xrf1)  }
0x60: {  	v12 =	vxor.u32 $0x80000000, v13  }
0x61: {  	[tilespmem:$0x1A780] =	vst v12  }
0x62: {  	v14 =	vld.idx.msk [tilespmem:v3+s16+$0x0], $0xffff;
	_ =	sdelay $0x4  }
0x63: {  	v12 =	vshra.s32 v12, $0xF;
	v14 =	vshra.s32 v14, $0xF  }
0x64: {  	vm1 =	vne.s32 v12, v14  }
0x65: {  	vm2 =	vne.s32 v13, $0xFFFFFFFF;
	vm1 =	vmor vm1, vm0  }
0x66: {  	vm1 =	vmand vm2, vm1  }
0x67: {  	v12 =	vnsel vm1, $0x0, v12;
	_ =	sdelay $0x2  }
0x68: {  	s29 =	simm.s32 $0x40;
	s28 =	simm.s32 $0x10  }
0x69: {  	s30 =	simm.s32 $0x20;
	s31 =	sand.u32 $0x70, s28;
	s0 =	sand.u32 $0x7E00, s29;
	v13 =	vand.u32 $0x7FFF, v13  }
.LBB2_4:
0x6a: {  	p0 =	sne.s32 s30, $0x18F0;
	s0 =	sor.u32 s31, s0;
	[tilespmem:v12+s2+$0x0] =	vst.idx.msk vm1, v13  }
0x6b: {  	v12 =	vld [tilespmem:s0+$0x3480]  }
0x6c: {  	v13 =	vld [tilespmem:s0+$0x3500]  }
0x6d: {  	v14 =	vld [tilespmem:s0+$0x3580];
	_ =	sdelay $0x2  }
0x6e: {  	v12 =	vmul.u32 $0x34500, v12  }
0x6f: {  	v13 =	vmul.u32 $0x1B0, v13  }
0x70: {  	v12 =	vadd.s32 v0, v12  }
0x71: {  	v12 =	vadd.s32 v13, v12  }
0x72: {  	v12 =	vadd.s32 v14, v12  }
0x73: {  	v13 =	vshll.u32 v12, $0xF  }
0x74: {  	v13 =	vadd.s32 s28, v13;
	s28 =	smov.u32 s30  }
0x75: {  	vm1 =	vlt.u32 v12, $0x3450;
	v12 =	vadd.s32 v2, v13  }
0x76: {  	v12 =	vnsel vm1, $0x7FFFFFFF, v12  }
0x77: {  	v13 =	vxor.u32 $0x80000000, v12  }
0x78: {  	(xrf1) =	vsort.ascd.msk.u32 $0xffff, v13, v12;
	_ =	sdelay $0xd  }
0x79: {  	v13, _, _ =	vpop (xrf1)  }
0x7a: {  	v12 =	vxor.u32 $0x80000000, v13  }
0x7b: {  	[tilespmem:$0x1A780] =	vst v12  }
0x7c: {  	v14 =	vld.idx.msk [tilespmem:v3+s16+$0x0], $0xffff;
	_ =	sdelay $0x5  }
0x7d: {  	v12 =	vshra.s32 v12, $0xF;
	v14 =	vshra.s32 v14, $0xF  }
0x7e: {  	vm1 =	vne.s32 v12, v14  }
0x7f: {  	vm2 =	vne.s32 v13, $0xFFFFFFFF;
	vm1 =	vmor vm1, vm0  }
0x80: {  	vm1 =	vmand vm2, vm1  }
.Ltmp3:
0x81: {  	v12 =	vnsel vm1, $0x0, v12;
	(pc) =	sbr.rel @p0 .LBB2_4-.Ltmp3, $3  }
0x82: {  	_ =	sdelay $0x1  }
0x83: {  	s29 =	sadd.s32 $0x40, s29  }
0x84: {  	s0 =	sand.u32 $0x7E00, s29;
	s30 =	sadd.s32 $0x10, s30;
	s31 =	sand.u32 $0x70, s28;
	v13 =	vand.u32 $0x7FFF, v13  }
0x85: {  	_ =	sdelay $0x4  }
0x86: {  	s0 =	sor.u32 s31, s0;
	[tilespmem:v12+s2+$0x0] =	vst.idx.msk vm1, v13  }
0x87: {  	v12 =	vld [tilespmem:s0+$0x3480]  }
0x88: {  	v13 =	vld [tilespmem:s0+$0x3500];
	_ =	sdelay $0x2  }
0x89: {  	v14 =	vld [tilespmem:s0+$0x3580]  }
0x8a: {  	v12 =	vmul.u32 $0x34500, v12  }
0x8b: {  	v13 =	vmul.u32 $0x1B0, v13  }
0x8c: {  	v12 =	vadd.s32 v0, v12  }
0x8d: {  	v12 =	vadd.s32 v13, v12  }
0x8e: {  	v12 =	vadd.s32 v14, v12  }
0x8f: {  	v13 =	vshll.u32 v12, $0xF  }
0x90: {  	v13 =	vadd.s32 s28, v13  }
0x91: {  	vm1 =	vlt.u32 v12, $0x3450;
	v12 =	vadd.s32 v2, v13  }
0x92: {  	v12 =	vnsel vm1, $0x7FFFFFFF, v12  }
0x93: {  	v13 =	vxor.u32 $0x80000000, v12  }
0x94: {  	(xrf1) =	vsort.ascd.msk.u32 $0xffff, v13, v12;
	_ =	sdelay $0xd  }
0x95: {  	v12, _, _ =	vpop (xrf1)  }
0x96: {  	v13 =	vxor.u32 $0x80000000, v12  }
0x97: {  	[tilespmem:$0x1A780] =	vst v13  }
0x98: {  	v14 =	vld.idx.msk [tilespmem:v3+s16+$0x0], $0xffff;
	_ =	sdelay $0x4  }
0x99: {  	v13 =	vshra.s32 v13, $0xF;
	v14 =	vshra.s32 v14, $0xF  }
0x9a: {  	vm1 =	vne.s32 v13, v14  }
0x9b: {  	vm2 =	vne.s32 v12, $0xFFFFFFFF;
	vm1 =	vmor vm1, vm0  }
0x9c: {  	vm1 =	vmand vm2, vm1  }
0x9d: {  	v13 =	vnsel vm1, $0x0, v13;
	_ =	sdelay $0x3  }
0x9e: {  	v12 =	vand.u32 $0x7FFF, v12  }
0x9f: {  	[tilespmem:v13+s2+$0x0] =	vst.idx.msk vm1, v12  }
0xa0: {  	_ =	swait.ge [sflag:s14], $0x6400  }
0xa1: {  	[sflag:s14] =	ssyncset.done $0x0  }
0xa2: {  	s0 =	simm.s32 $0x0;
	[sflag:s14] =	ssyncadd.s32 $0xFFFF9C00  }
0xa3: {  	[tilespmem:s13], [sflag:$0x1] =	stream.linear.gather [hbm4b:s7+s0], $0x6400, $0x38;
	[tilespmem:$0x1A800] =	vst v63  }
0xa4: {  	s28 =	sand.u32 $0x70, s0;
	s0 =	sand.u32 $0x7E00, s0  }
0xa5: {  	s0 =	sor.u32 s28, s0  }
0xa6: {  	v12 =	vld [tilespmem:s0+$0x9880]  }
0xa7: {  	v13 =	vld [tilespmem:s0+$0x9900];
	_ =	sdelay $0x2  }
0xa8: {  	v14 =	vld [tilespmem:s0+$0x9980]  }
0xa9: {  	v12 =	vmul.u32 $0x34500, v12  }
0xaa: {  	v13 =	vmul.u32 $0x1B0, v13  }
0xab: {  	v12 =	vadd.s32 v0, v12  }
0xac: {  	v12 =	vadd.s32 v13, v12  }
0xad: {  	v12 =	vadd.s32 v14, v12  }
0xae: {  	s0 =	simm.s32 $0x1900;
	v13 =	vshll.u32 v12, $0xF  }
0xaf: {  	v13 =	vadd.s32 s0, v13  }
0xb0: {  	vm1 =	vlt.u32 v12, $0x3450;
	v12 =	vadd.s32 v2, v13  }
0xb1: {  	v12 =	vnsel vm1, $0x7FFFFFFF, v12  }
0xb2: {  	v13 =	vxor.u32 $0x80000000, v12  }
0xb3: {  	(xrf1) =	vsort.ascd.msk.u32 $0xffff, v13, v12;
	_ =	sdelay $0xd  }
0xb4: {  	v13, _, _ =	vpop (xrf1)  }
0xb5: {  	v12 =	vxor.u32 $0x80000000, v13  }
0xb6: {  	[tilespmem:$0x1A780] =	vst v12  }
0xb7: {  	v14 =	vld.idx.msk [tilespmem:v3+s16+$0x0], $0xffff;
	_ =	sdelay $0x4  }
0xb8: {  	v12 =	vshra.s32 v12, $0xF;
	v14 =	vshra.s32 v14, $0xF  }
0xb9: {  	vm1 =	vne.s32 v12, v14  }
0xba: {  	vm2 =	vne.s32 v13, $0xFFFFFFFF;
	vm1 =	vmor vm1, vm0  }
0xbb: {  	vm1 =	vmand vm2, vm1  }
0xbc: {  	v12 =	vnsel vm1, $0x0, v12;
	_ =	sdelay $0x2  }
0xbd: {  	s29 =	simm.s32 $0x40;
	s28 =	simm.s32 $0x10  }
0xbe: {  	s30 =	simm.s32 $0x20;
	s31 =	sand.u32 $0x70, s28;
	s0 =	sand.u32 $0x7E00, s29;
	v13 =	vand.u32 $0x7FFF, v13  }
.LBB2_6:
0xbf: {  	p0 =	sne.s32 s30, $0x18F0;
	s0 =	sor.u32 s31, s0;
	[tilespmem:v12+s2+$0x0] =	vst.idx.msk vm1, v13  }
0xc0: {  	v12 =	vld [tilespmem:s0+$0x9880]  }
0xc1: {  	v13 =	vld [tilespmem:s0+$0x9900]  }
0xc2: {  	v14 =	vld [tilespmem:s0+$0x9980];
	_ =	sdelay $0x2  }
0xc3: {  	v12 =	vmul.u32 $0x34500, v12  }
0xc4: {  	v13 =	vmul.u32 $0x1B0, v13  }
0xc5: {  	v12 =	vadd.s32 v0, v12  }
0xc6: {  	v12 =	vadd.s32 v13, v12  }
0xc7: {  	v12 =	vadd.s32 v14, v12  }
0xc8: {  	s0 =	sadd.s32 $0x1900, s28;
	s28 =	smov.u32 s30;
	v13 =	vshll.u32 v12, $0xF  }
0xc9: {  	v13 =	vadd.s32 s0, v13  }
0xca: {  	vm1 =	vlt.u32 v12, $0x3450;
	v12 =	vadd.s32 v2, v13  }
0xcb: {  	v12 =	vnsel vm1, $0x7FFFFFFF, v12  }
0xcc: {  	v13 =	vxor.u32 $0x80000000, v12  }
0xcd: {  	(xrf1) =	vsort.ascd.msk.u32 $0xffff, v13, v12;
	_ =	sdelay $0xd  }
0xce: {  	v13, _, _ =	vpop (xrf1)  }
0xcf: {  	v12 =	vxor.u32 $0x80000000, v13  }
0xd0: {  	[tilespmem:$0x1A780] =	vst v12  }
0xd1: {  	v14 =	vld.idx.msk [tilespmem:v3+s16+$0x0], $0xffff;
	_ =	sdelay $0x5  }
0xd2: {  	v12 =	vshra.s32 v12, $0xF;
	v14 =	vshra.s32 v14, $0xF  }
0xd3: {  	vm1 =	vne.s32 v12, v14  }
0xd4: {  	vm2 =	vne.s32 v13, $0xFFFFFFFF;
	vm1 =	vmor vm1, vm0  }
0xd5: {  	vm1 =	vmand vm2, vm1  }
.Ltmp4:
0xd6: {  	v12 =	vnsel vm1, $0x0, v12;
	(pc) =	sbr.rel @p0 .LBB2_6-.Ltmp4, $3  }
0xd7: {  	_ =	sdelay $0x1  }
0xd8: {  	s29 =	sadd.s32 $0x40, s29  }
0xd9: {  	s30 =	sadd.s32 $0x10, s30;
	s31 =	sand.u32 $0x70, s28;
	s0 =	sand.u32 $0x7E00, s29;
	v13 =	vand.u32 $0x7FFF, v13  }
0xda: {  	_ =	sdelay $0x4  }
0xdb: {  	s0 =	sor.u32 s31, s0;
	[tilespmem:v12+s2+$0x0] =	vst.idx.msk vm1, v13  }
0xdc: {  	v12 =	vld [tilespmem:s0+$0x9880]  }
0xdd: {  	v13 =	vld [tilespmem:s0+$0x9900];
	_ =	sdelay $0x2  }
0xde: {  	v14 =	vld [tilespmem:s0+$0x9980]  }
0xdf: {  	v12 =	vmul.u32 $0x34500, v12  }
0xe0: {  	v13 =	vmul.u32 $0x1B0, v13  }
0xe1: {  	v12 =	vadd.s32 v0, v12  }
0xe2: {  	v12 =	vadd.s32 v13, v12  }
0xe3: {  	v12 =	vadd.s32 v14, v12  }
0xe4: {  	s0 =	sadd.s32 $0x1900, s28;
	v13 =	vshll.u32 v12, $0xF  }
0xe5: {  	v13 =	vadd.s32 s0, v13  }
0xe6: {  	vm1 =	vlt.u32 v12, $0x3450;
	v12 =	vadd.s32 v2, v13  }
0xe7: {  	v12 =	vnsel vm1, $0x7FFFFFFF, v12  }
0xe8: {  	v13 =	vxor.u32 $0x80000000, v12  }
0xe9: {  	(xrf1) =	vsort.ascd.msk.u32 $0xffff, v13, v12;
	_ =	sdelay $0xd  }
0xea: {  	v12, _, _ =	vpop (xrf1)  }
0xeb: {  	v13 =	vxor.u32 $0x80000000, v12  }
0xec: {  	[tilespmem:$0x1A780] =	vst v13  }
0xed: {  	v14 =	vld.idx.msk [tilespmem:v3+s16+$0x0], $0xffff;
	_ =	sdelay $0x4  }
0xee: {  	v13 =	vshra.s32 v13, $0xF;
	v14 =	vshra.s32 v14, $0xF  }
0xef: {  	vm1 =	vne.s32 v13, v14  }
0xf0: {  	vm2 =	vne.s32 v12, $0xFFFFFFFF;
	vm1 =	vmor vm1, vm0  }
0xf1: {  	vm1 =	vmand vm2, vm1  }
0xf2: {  	v13 =	vnsel vm1, $0x0, v13;
	_ =	sdelay $0x3  }
0xf3: {  	v12 =	vand.u32 $0x7FFF, v12  }
0xf4: {  	[tilespmem:v13+s2+$0x0] =	vst.idx.msk vm1, v12  }
0xf5: {  	_ =	swait.ge [sflag:s14], $0x6400  }
0xf6: {  	[sflag:s14] =	ssyncset.done $0x0  }
0xf7: {  	s0 =	simm.s32 $0x0;
	[sflag:s14] =	ssyncadd.s32 $0xFFFF9C00  }
0xf8: {  	[tilespmem:s15], [sflag:$0x1] =	stream.linear.gather [hbm4b:s8+s0], $0x6400, $0x38;
	[tilespmem:$0x1A800] =	vst v63  }
0xf9: {  	s28 =	sand.u32 $0x70, s0;
	s0 =	sand.u32 $0x7E00, s0  }
0xfa: {  	s0 =	sor.u32 s28, s0  }
0xfb: {  	v12 =	vld [tilespmem:s0+$0x3480]  }
0xfc: {  	v13 =	vld [tilespmem:s0+$0x3500];
	_ =	sdelay $0x2  }
0xfd: {  	v14 =	vld [tilespmem:s0+$0x3580]  }
0xfe: {  	v12 =	vmul.u32 $0x34500, v12  }
0xff: {  	v13 =	vmul.u32 $0x1B0, v13  }
0x100: {  	v12 =	vadd.s32 v0, v12  }
0x101: {  	v12 =	vadd.s32 v13, v12  }
0x102: {  	v12 =	vadd.s32 v14, v12  }
0x103: {  	s0 =	simm.s32 $0x3200;
	v13 =	vshll.u32 v12, $0xF  }
0x104: {  	v13 =	vadd.s32 s0, v13  }
0x105: {  	vm1 =	vlt.u32 v12, $0x3450;
	v12 =	vadd.s32 v2, v13  }
0x106: {  	v12 =	vnsel vm1, $0x7FFFFFFF, v12  }
0x107: {  	v13 =	vxor.u32 $0x80000000, v12  }
0x108: {  	(xrf1) =	vsort.ascd.msk.u32 $0xffff, v13, v12;
	_ =	sdelay $0xd  }
0x109: {  	v13, _, _ =	vpop (xrf1)  }
0x10a: {  	v12 =	vxor.u32 $0x80000000, v13  }
0x10b: {  	[tilespmem:$0x1A780] =	vst v12  }
0x10c: {  	v14 =	vld.idx.msk [tilespmem:v3+s16+$0x0], $0xffff;
	_ =	sdelay $0x4  }
0x10d: {  	v12 =	vshra.s32 v12, $0xF;
	v14 =	vshra.s32 v14, $0xF  }
0x10e: {  	vm1 =	vne.s32 v12, v14  }
0x10f: {  	vm2 =	vne.s32 v13, $0xFFFFFFFF;
	vm1 =	vmor vm1, vm0  }
0x110: {  	vm1 =	vmand vm2, vm1  }
0x111: {  	v12 =	vnsel vm1, $0x0, v12;
	_ =	sdelay $0x2  }
0x112: {  	s29 =	simm.s32 $0x40;
	s28 =	simm.s32 $0x10  }
0x113: {  	s30 =	simm.s32 $0x20;
	s31 =	sand.u32 $0x70, s28;
	s0 =	sand.u32 $0x7E00, s29;
	v13 =	vand.u32 $0x7FFF, v13  }
.LBB2_8:
0x114: {  	p0 =	sne.s32 s30, $0x18F0;
	s0 =	sor.u32 s31, s0;
	[tilespmem:v12+s2+$0x0] =	vst.idx.msk vm1, v13  }
0x115: {  	v12 =	vld [tilespmem:s0+$0x3480]  }
0x116: {  	v13 =	vld [tilespmem:s0+$0x3500]  }
0x117: {  	v14 =	vld [tilespmem:s0+$0x3580];
	_ =	sdelay $0x2  }
0x118: {  	v12 =	vmul.u32 $0x34500, v12  }
0x119: {  	v13 =	vmul.u32 $0x1B0, v13  }
0x11a: {  	v12 =	vadd.s32 v0, v12  }
0x11b: {  	v12 =	vadd.s32 v13, v12  }
0x11c: {  	v12 =	vadd.s32 v14, v12  }
0x11d: {  	s0 =	sadd.s32 $0x3200, s28;
	s28 =	smov.u32 s30;
	v13 =	vshll.u32 v12, $0xF  }
0x11e: {  	v13 =	vadd.s32 s0, v13  }
0x11f: {  	vm1 =	vlt.u32 v12, $0x3450;
	v12 =	vadd.s32 v2, v13  }
0x120: {  	v12 =	vnsel vm1, $0x7FFFFFFF, v12  }
0x121: {  	v13 =	vxor.u32 $0x80000000, v12  }
0x122: {  	(xrf1) =	vsort.ascd.msk.u32 $0xffff, v13, v12;
	_ =	sdelay $0xd  }
0x123: {  	v13, _, _ =	vpop (xrf1)  }
0x124: {  	v12 =	vxor.u32 $0x80000000, v13  }
0x125: {  	[tilespmem:$0x1A780] =	vst v12  }
0x126: {  	v14 =	vld.idx.msk [tilespmem:v3+s16+$0x0], $0xffff;
	_ =	sdelay $0x5  }
0x127: {  	v12 =	vshra.s32 v12, $0xF;
	v14 =	vshra.s32 v14, $0xF  }
0x128: {  	vm1 =	vne.s32 v12, v14  }
0x129: {  	vm2 =	vne.s32 v13, $0xFFFFFFFF;
	vm1 =	vmor vm1, vm0  }
0x12a: {  	vm1 =	vmand vm2, vm1  }
.Ltmp5:
0x12b: {  	v12 =	vnsel vm1, $0x0, v12;
	(pc) =	sbr.rel @p0 .LBB2_8-.Ltmp5, $3  }
0x12c: {  	_ =	sdelay $0x1  }
0x12d: {  	s29 =	sadd.s32 $0x40, s29  }
0x12e: {  	s30 =	sadd.s32 $0x10, s30;
	s31 =	sand.u32 $0x70, s28;
	s0 =	sand.u32 $0x7E00, s29;
	v13 =	vand.u32 $0x7FFF, v13  }
0x12f: {  	_ =	sdelay $0x4  }
0x130: {  	s0 =	sor.u32 s31, s0;
	[tilespmem:v12+s2+$0x0] =	vst.idx.msk vm1, v13  }
0x131: {  	v12 =	vld [tilespmem:s0+$0x3480]  }
0x132: {  	v13 =	vld [tilespmem:s0+$0x3500];
	_ =	sdelay $0x2  }
0x133: {  	v14 =	vld [tilespmem:s0+$0x3580]  }
0x134: {  	v12 =	vmul.u32 $0x34500, v12  }
0x135: {  	v13 =	vmul.u32 $0x1B0, v13  }
0x136: {  	v12 =	vadd.s32 v0, v12  }
0x137: {  	v12 =	vadd.s32 v13, v12  }
0x138: {  	v12 =	vadd.s32 v14, v12  }
0x139: {  	s0 =	sadd.s32 $0x3200, s28;
	v13 =	vshll.u32 v12, $0xF  }
0x13a: {  	v13 =	vadd.s32 s0, v13  }
0x13b: {  	vm1 =	vlt.u32 v12, $0x3450;
	v12 =	vadd.s32 v2, v13  }
0x13c: {  	v12 =	vnsel vm1, $0x7FFFFFFF, v12  }
0x13d: {  	v13 =	vxor.u32 $0x80000000, v12  }
0x13e: {  	(xrf1) =	vsort.ascd.msk.u32 $0xffff, v13, v12;
	_ =	sdelay $0xd  }
0x13f: {  	v12, _, _ =	vpop (xrf1)  }
0x140: {  	v13 =	vxor.u32 $0x80000000, v12  }
0x141: {  	[tilespmem:$0x1A780] =	vst v13  }
0x142: {  	v14 =	vld.idx.msk [tilespmem:v3+s16+$0x0], $0xffff;
	_ =	sdelay $0x4  }
0x143: {  	v13 =	vshra.s32 v13, $0xF;
	v14 =	vshra.s32 v14, $0xF  }
0x144: {  	vm1 =	vne.s32 v13, v14  }
0x145: {  	vm2 =	vne.s32 v12, $0xFFFFFFFF;
	vm1 =	vmor vm1, vm0  }
0x146: {  	vm1 =	vmand vm2, vm1  }
0x147: {  	v13 =	vnsel vm1, $0x0, v13;
	_ =	sdelay $0x3  }
0x148: {  	v12 =	vand.u32 $0x7FFF, v12  }
0x149: {  	[tilespmem:v13+s2+$0x0] =	vst.idx.msk vm1, v12  }
0x14a: {  	_ =	swait.ge [sflag:s14], $0x6400  }
0x14b: {  	[sflag:s14] =	ssyncset.done $0x0  }
0x14c: {  	s0 =	simm.s32 $0x0;
	[sflag:s14] =	ssyncadd.s32 $0xFFFF9C00  }
0x14d: {  	[tilespmem:s13], [sflag:$0x1] =	stream.linear.gather [hbm4b:s9+s0], $0x6400, $0x38;
	[tilespmem:$0x1A800] =	vst v63  }
0x14e: {  	s28 =	sand.u32 $0x70, s0;
	s0 =	sand.u32 $0x7E00, s0  }
0x14f: {  	s0 =	sor.u32 s28, s0  }
0x150: {  	v12 =	vld [tilespmem:s0+$0x9880]  }
0x151: {  	v13 =	vld [tilespmem:s0+$0x9900];
	_ =	sdelay $0x2  }
0x152: {  	v14 =	vld [tilespmem:s0+$0x9980]  }
0x153: {  	v12 =	vmul.u32 $0x34500, v12  }
0x154: {  	v13 =	vmul.u32 $0x1B0, v13  }
0x155: {  	v12 =	vadd.s32 v0, v12  }
0x156: {  	v12 =	vadd.s32 v13, v12  }
0x157: {  	v12 =	vadd.s32 v14, v12  }
0x158: {  	s0 =	simm.s32 $0x4B00;
	v13 =	vshll.u32 v12, $0xF  }
0x159: {  	v13 =	vadd.s32 s0, v13  }
0x15a: {  	vm1 =	vlt.u32 v12, $0x3450;
	v12 =	vadd.s32 v2, v13  }
0x15b: {  	v12 =	vnsel vm1, $0x7FFFFFFF, v12  }
0x15c: {  	v13 =	vxor.u32 $0x80000000, v12  }
0x15d: {  	(xrf1) =	vsort.ascd.msk.u32 $0xffff, v13, v12;
	_ =	sdelay $0xd  }
0x15e: {  	v13, _, _ =	vpop (xrf1)  }
0x15f: {  	v12 =	vxor.u32 $0x80000000, v13  }
0x160: {  	[tilespmem:$0x1A780] =	vst v12  }
0x161: {  	v14 =	vld.idx.msk [tilespmem:v3+s16+$0x0], $0xffff;
	_ =	sdelay $0x4  }
0x162: {  	v12 =	vshra.s32 v12, $0xF;
	v14 =	vshra.s32 v14, $0xF  }
0x163: {  	vm1 =	vne.s32 v12, v14  }
0x164: {  	vm2 =	vne.s32 v13, $0xFFFFFFFF;
	vm1 =	vmor vm1, vm0  }
0x165: {  	vm1 =	vmand vm2, vm1  }
0x166: {  	v12 =	vnsel vm1, $0x0, v12;
	_ =	sdelay $0x2  }
0x167: {  	s29 =	simm.s32 $0x40;
	s28 =	simm.s32 $0x10  }
0x168: {  	s30 =	simm.s32 $0x20;
	s31 =	sand.u32 $0x70, s28;
	s0 =	sand.u32 $0x7E00, s29;
	v13 =	vand.u32 $0x7FFF, v13  }
.LBB2_10:
0x169: {  	p0 =	sne.s32 s30, $0x18F0;
	s0 =	sor.u32 s31, s0;
	[tilespmem:v12+s2+$0x0] =	vst.idx.msk vm1, v13  }
0x16a: {  	v12 =	vld [tilespmem:s0+$0x9880]  }
0x16b: {  	v13 =	vld [tilespmem:s0+$0x9900]  }
0x16c: {  	v14 =	vld [tilespmem:s0+$0x9980];
	_ =	sdelay $0x2  }
0x16d: {  	v12 =	vmul.u32 $0x34500, v12  }
0x16e: {  	v13 =	vmul.u32 $0x1B0, v13  }
0x16f: {  	v12 =	vadd.s32 v0, v12  }
0x170: {  	v12 =	vadd.s32 v13, v12  }
0x171: {  	v12 =	vadd.s32 v14, v12  }
0x172: {  	s0 =	sadd.s32 $0x4B00, s28;
	s28 =	smov.u32 s30;
	v13 =	vshll.u32 v12, $0xF  }
0x173: {  	v13 =	vadd.s32 s0, v13  }
0x174: {  	vm1 =	vlt.u32 v12, $0x3450;
	v12 =	vadd.s32 v2, v13  }
0x175: {  	v12 =	vnsel vm1, $0x7FFFFFFF, v12  }
0x176: {  	v13 =	vxor.u32 $0x80000000, v12  }
0x177: {  	(xrf1) =	vsort.ascd.msk.u32 $0xffff, v13, v12;
	_ =	sdelay $0xd  }
0x178: {  	v13, _, _ =	vpop (xrf1)  }
0x179: {  	v12 =	vxor.u32 $0x80000000, v13  }
0x17a: {  	[tilespmem:$0x1A780] =	vst v12  }
0x17b: {  	v14 =	vld.idx.msk [tilespmem:v3+s16+$0x0], $0xffff;
	_ =	sdelay $0x5  }
0x17c: {  	v12 =	vshra.s32 v12, $0xF;
	v14 =	vshra.s32 v14, $0xF  }
0x17d: {  	vm1 =	vne.s32 v12, v14  }
0x17e: {  	vm2 =	vne.s32 v13, $0xFFFFFFFF;
	vm1 =	vmor vm1, vm0  }
0x17f: {  	vm1 =	vmand vm2, vm1  }
.Ltmp6:
0x180: {  	v12 =	vnsel vm1, $0x0, v12;
	(pc) =	sbr.rel @p0 .LBB2_10-.Ltmp6, $3  }
0x181: {  	_ =	sdelay $0x1  }
0x182: {  	s29 =	sadd.s32 $0x40, s29  }
0x183: {  	s30 =	sadd.s32 $0x10, s30;
	s31 =	sand.u32 $0x70, s28;
	s0 =	sand.u32 $0x7E00, s29;
	v13 =	vand.u32 $0x7FFF, v13  }
0x184: {  	_ =	sdelay $0x4  }
0x185: {  	s0 =	sor.u32 s31, s0;
	[tilespmem:v12+s2+$0x0] =	vst.idx.msk vm1, v13  }
0x186: {  	v12 =	vld [tilespmem:s0+$0x9880]  }
0x187: {  	v13 =	vld [tilespmem:s0+$0x9900];
	_ =	sdelay $0x2  }
0x188: {  	v14 =	vld [tilespmem:s0+$0x9980]  }
0x189: {  	v12 =	vmul.u32 $0x34500, v12  }
0x18a: {  	v13 =	vmul.u32 $0x1B0, v13  }
0x18b: {  	v12 =	vadd.s32 v0, v12  }
0x18c: {  	v12 =	vadd.s32 v13, v12  }
0x18d: {  	v12 =	vadd.s32 v14, v12  }
0x18e: {  	s31 =	sadd.s32 $0x4B00, s28;
	v59 =	vshll.u32 v12, $0xF  }
0x18f: {  	v13 =	vadd.s32 s31, v59  }
0x190: {  	vm1 =	vlt.u32 v12, $0x3450;
	v60 =	vadd.s32 v2, v13  }
0x191: {  	v12 =	vnsel vm1, $0x7FFFFFFF, v60  }
0x192: {  	v61 =	vxor.u32 $0x80000000, v12  }
0x193: {  	(xrf1) =	vsort.ascd.msk.u32 $0xffff, v61, v12;
	_ =	sdelay $0xd  }
0x194: {  	v12, _, _ =	vpop (xrf1)  }
0x195: {  	v62 =	vxor.u32 $0x80000000, v12  }
0x196: {  	[tilespmem:$0x1A780] =	vst v62  }
0x197: {  	v63 =	vld.idx.msk [tilespmem:v3+s16+$0x0], $0xffff;
	_ =	sdelay $0x4  }
0x198: {  	v13 =	vshra.s32 v62, $0xF;
	v14 =	vshra.s32 v63, $0xF  }
0x199: {  	vm1 =	vne.s32 v13, v14  }
0x19a: {  	vm2 =	vne.s32 v12, $0xFFFFFFFF;
	vm1 =	vmor vm1, vm0  }
0x19b: {  	vm1 =	vmand vm2, vm1  }
0x19c: {  	v13 =	vnsel vm1, $0x0, v13;
	_ =	sdelay $0x3  }
0x19d: {  	v12 =	vand.u32 $0x7FFF, v12  }
0x19e: {  	[tilespmem:v13+s2+$0x0] =	vst.idx.msk vm1, v12  }
0x19f: {  	_ =	swait.ge [sflag:s14], $0x6400  }
0x1a0: {  	s28 =	simm.s32 $0x0;
	[sflag:s14] =	ssyncset.done $0x0  }
0x1a1: {  	s29 =	simm.s32 $0x0;
	s30 =	simm.s32 $0x0;
	[sflag:s14] =	ssyncadd.s32 $0xFFFF9C00  }
.LBB2_12:
0x1a2: {  	s0 =	sand.u32 $0x70, s30;
	s31 =	sand.u32 $0x7E00, s29  }
0x1a3: {  	s0 =	sor.u32 s0, s31  }
0x1a4: {  	v12 =	vld [tilespmem:s0+$0x3480]  }
0x1a5: {  	v13 =	vld [tilespmem:s0+$0x3500];
	_ =	sdelay $0x2  }
0x1a6: {  	v14 =	vld [tilespmem:s0+$0x3580]  }
0x1a7: {  	v12 =	vmul.u32 $0x34500, v12  }
0x1a8: {  	v13 =	vmul.u32 $0x1B0, v13  }
0x1a9: {  	v12 =	vadd.s32 v0, v12  }
0x1aa: {  	v12 =	vadd.s32 v13, v12  }
0x1ab: {  	v12 =	vadd.s32 v14, v12  }
0x1ac: {  	s31 =	sadd.s32 $0x6400, s30;
	v59 =	vshll.u32 v12, $0xF  }
0x1ad: {  	v13 =	vor.u32 s31, v59  }
0x1ae: {  	vm1 =	vlt.u32 v12, $0x3450;
	v60 =	vor.u32 v2, v13  }
0x1af: {  	v12 =	vnsel vm1, $0x7FFFFFFF, v60  }
0x1b0: {  	v61 =	vxor.u32 $0x80000000, v12  }
0x1b1: {  	(xrf1) =	vsort.ascd.msk.u32 $0xffff, v61, v12;
	_ =	sdelay $0xd  }
0x1b2: {  	v12, _, _ =	vpop (xrf1)  }
0x1b3: {  	v62 =	vxor.u32 $0x80000000, v12  }
0x1b4: {  	[tilespmem:$0x1A780] =	vst v62  }
0x1b5: {  	v63 =	vld.idx.msk [tilespmem:v3+s16+$0x0], $0xffff;
	_ =	sdelay $0x4  }
0x1b6: {  	v13 =	vshra.s32 v62, $0xF;
	v14 =	vshra.s32 v63, $0xF  }
0x1b7: {  	vm1 =	vne.s32 v13, v14  }
0x1b8: {  	vm2 =	vne.s32 v12, $0xFFFFFFFF;
	vm1 =	vmor vm1, vm0  }
0x1b9: {  	vm1 =	vmand vm2, vm1  }
0x1ba: {  	p0 =	sne.s32 s30, $0x18F0;
	v13 =	vnsel vm1, $0x0, v13  }
.Ltmp7:
0x1bb: {  	_ = 	snop;
	(pc) =	sbr.rel @p0 .LBB2_12-.Ltmp7, $3  }
0x1bc: {  	_ =	sdelay $0x1  }
0x1bd: {  	v12 =	vand.u32 $0x7FFF, v12  }
0x1be: {  	s29 =	sadd.s32 $0x40, s29;
	s30 =	sadd.s32 $0x10, s30;
	[tilespmem:v13+s28+$0x0] =	vst.idx.msk vm1, v12  }
0x1bf: {  	s0 =	simm.s32 $0x0  }
0x1c0: {  	v12 =	vld [tilespmem:s0+$0x0];
	_ =	sdelay $0x4  }
0x1c1: {  	vm1 =	vgt.s32 v12, $0xFFFFFFFF  }
0x1c2: {  	v13 =	vsel vm1, $0x1, v4  }
0x1c3: {  	(xrf0) =	vadd.scan.msk.s32 $0xffff, v13;
	_ =	sdelay $0x5  }
0x1c4: {  	v13 =	vimm.s32 $0x0;
	v14, _, _ =	vpop (xrf0)  }
0x1c5: {  	v14 =	vadd.s32 v14, v13  }
0x1c6: {  	v15 =	vadd.s32 $0xFFFFFFFF, v14;
	_ =	sdelay $0x3  }
0x1c7: {  	v14 =	vmpcnt.ones.xlane vm1  }
0x1c8: {  	[tilespmem:v15+s17+$0x0] =	vst.idx.msk vm1, v12;
	v12 =	vor.u32 s12, v2  }
0x1c9: {  	s31 =	simm.s32 $0x10;
	v14 =	vadd.s32 v13, v14;
	[tilespmem:v15+s18+$0x0] =	vst.idx.msk vm1, v12  }
0x1ca: {  	s29 =	simm.s32 $0x80;
	s28 =	smov.u32 s12;
	v13 =	vmov v14;
	v12 =	vld [tilespmem:s31+$0x0]  }
.LBB2_14:
0x1cb: {  	p0 =	sne.s32 s29, $0xD100;
	_ =	sdelay $0x3  }
0x1cc: {  	vm1 =	vgt.s32 v12, $0xFFFFFFFF  }
0x1cd: {  	v15 =	vsel vm1, $0x1, v4;
	v16 =	vmpcnt.ones.xlane vm1  }
0x1ce: {  	(xrf0) =	vadd.scan.msk.s32 $0xffff, v15  }
0x1cf: {  	v14 =	vadd.s32 v14, v16;
	_ =	sdelay $0x4  }
0x1d0: {  	v15, _, _ =	vpop (xrf0)  }
0x1d1: {  	v15 =	vadd.s32 v15, v13;
	v13 =	vmov v14  }
0x1d2: {  	v15 =	vadd.s32 $0xFFFFFFFF, v15;
	_ =	sdelay $0x2  }
.Ltmp8:
0x1d3: {  	(pc) =	sbr.rel @p0 .LBB2_14-.Ltmp8, $4  }
0x1d4: {  	s28 =	sadd.s32 $0x10, s28  }
0x1d5: {  	[tilespmem:v15+s17+$0x0] =	vst.idx.msk vm1, v12;
	v12 =	vor.u32 s28, v2  }
0x1d6: {  	s0 =	sshra.s32 s29, $0x2;
	[tilespmem:v15+s18+$0x0] =	vst.idx.msk vm1, v12  }
0x1d7: {  	s29 =	sadd.s32 $0x40, s29;
	v12 =	vld [tilespmem:s0+$0x0]  }
0x1d8: {  	_ =	sdelay $0x3  }
0x1d9: {  	vm1 =	vgt.s32 v12, $0xFFFFFFFF  }
0x1da: {  	v15 =	vmpcnt.ones.xlane vm1;
	_ =	sdelay $0x1  }
0x1db: {  	v16 =	vsel vm1, $0x1, v4;
	v14 =	vadd.s32 v14, v15  }
0x1dc: {  	(xrf0) =	vadd.scan.msk.s32 $0xffff, v16;
	v14 =	vxor.u32 $0x80000000, v14  }
0x1dd: {  	(xrf0) =	vmax.scan.msk.u32 $0xffff, v14;
	_ =	sdelay $0x4  }
0x1de: {  	v61, _, _ =	vpop (xrf0)  }
0x1df: {  	v62, _, _ =	vpop (xrf0)  }
0x1e0: {  	(v2sf) =	vpush v62, $0xF;
	_ =	sdelay $0xb  }
0x1e1: {  	v13 =	vadd.s32 v61, v13  }
0x1e2: {  	v13 =	vadd.s32 $0xFFFFFFFF, v13;
	_ =	sdelay $0x1  }
0x1e3: {  	s0 =	spop (v2sf)  }
0x1e4: {  	s29 =	sxor.u32 $0x80000000, s0  }
0x1e5: {  	s28 =	sadd.s32 $0x10, s28;
	p0 =	slt.s32 s29, $0x1  }
0x1e6: {  	v63 =	vor.u32 s28, v2;
	[tilespmem:v13+s17+$0x0] =	vst.idx.msk vm1, v12;
	s28 =	sadd.s32 @!p0 $0x7FFFFFFF, s0  }
0x1e7: {  	[tilespmem:v13+s18+$0x0] =	vst.idx.msk vm1, v63;
	v12 =	vmov @!p0 s28  }
0x1e8: {  	[hbm4b:s10+s2] =	stream.linear.scatter [tilespmem:s2], [sflag:$0x4], $0x3450, $0x38;
	[tilespmem:$0x1A800] =	vst v63  }
0x1e9: {  	_ =	swait.ge [sflag:s19], $0x3450  }
0x1ea: {  	[sflag:s19] =	ssyncset.done $0x0  }
0x1eb: {  	[sflag:s19] =	ssyncadd.s32 $0xFFFFCBB0;
	v13 =	vlaneseq.u32 @!p0;
	s28 =	simm.s32 @!p0 $0xFC80  }
0x1ec: {  	s30 =	simm.s32 @!p0 $0x13180;
	v15 =	vadd.s32 @!p0 s29, v13;
	v14 =	vld.idx.msk @!p0 [tilespmem:v12+s28+$0x0], $0xffff  }
0x1ed: {  	v16 =	vor.u32 @!p0 $0x10, v13;
	v12 =	vld.idx.msk @!p0 [tilespmem:v12+s30+$0x0], $0xffff  }
0x1ee: {  	v16 =	vadd.s32 @!p0 s29, v16  }
0x1ef: {  	v17 =	vor.u32 @!p0 $0x20, v13  }
0x1f0: {  	v17 =	vadd.s32 @!p0 s29, v17  }
0x1f1: {  	v18 =	vor.u32 @!p0 $0x30, v13;
	[tilespmem:v15+s28+$0x0] =	vst.idx.msk @!p0 $0xffff, v14  }
0x1f2: {  	[tilespmem:v15+s30+$0x0] =	vst.idx.msk @!p0 $0xffff, v12;
	v15 =	vadd.s32 @!p0 s29, v18  }
0x1f3: {  	v18 =	vor.u32 @!p0 $0x40, v13;
	[tilespmem:v16+s28+$0x0] =	vst.idx.msk @!p0 $0xffff, v14  }
0x1f4: {  	[tilespmem:v16+s30+$0x0] =	vst.idx.msk @!p0 $0xffff, v12;
	v16 =	vadd.s32 @!p0 s29, v18  }
0x1f5: {  	v18 =	vor.u32 @!p0 $0x50, v13;
	[tilespmem:v17+s28+$0x0] =	vst.idx.msk @!p0 $0xffff, v14  }
0x1f6: {  	[tilespmem:v17+s30+$0x0] =	vst.idx.msk @!p0 $0xffff, v12;
	v17 =	vadd.s32 @!p0 s29, v18  }
0x1f7: {  	v18 =	vor.u32 @!p0 $0x60, v13;
	[tilespmem:v15+s28+$0x0] =	vst.idx.msk @!p0 $0xffff, v14  }
0x1f8: {  	s0 =	sadd.s32 @!p0 $0x8000007F, s0;
	[tilespmem:v15+s30+$0x0] =	vst.idx.msk @!p0 $0xffff, v12;
	v15 =	vadd.s32 @!p0 s29, v18  }
0x1f9: {  	s0 =	sshra.s32 @!p0 s0, $0x7;
	v13 =	vor.u32 @!p0 $0x70, v13;
	[tilespmem:v16+s28+$0x0] =	vst.idx.msk @!p0 $0xffff, v14  }
0x1fa: {  	p1 =	slt.s32 @!p0 s0, $0x1;
	v13 =	vadd.s32 @!p0 s29, v13;
	[tilespmem:v16+s30+$0x0] =	vst.idx.msk @!p0 $0xffff, v12  }
0x1fb: {  	p1 =	por p0, p1;
	[tilespmem:v17+s28+$0x0] =	vst.idx.msk @!p0 $0xffff, v14  }
.Ltmp9:
0x1fc: {  	[tilespmem:v17+s30+$0x0] =	vst.idx.msk @!p0 $0xffff, v12;
	(pc) =	sbr.rel @p1 .LBB2_20-.Ltmp9, $4  }
0x1fd: {  	[tilespmem:v15+s28+$0x0] =	vst.idx.msk @!p0 $0xffff, v14  }
0x1fe: {  	[tilespmem:v15+s30+$0x0] =	vst.idx.msk @!p0 $0xffff, v12  }
0x1ff: {  	[tilespmem:v13+s28+$0x0] =	vst.idx.msk @!p0 $0xffff, v14  }
0x200: {  	s28 =	simm.s32 @!p0 $0x0;
	[tilespmem:v13+s30+$0x0] =	vst.idx.msk @!p0 $0xffff, v12  }
0x201: {  	p1 =	sne.s32 s0, $0x1  }
.Ltmp10:
0x202: {  	_ = 	snop;
	(pc) =	sbr.rel @!p1 .LBB2_19-.Ltmp10, $2  }
0x203: {  	_ =	sdelay $0x2  }
0x204: {  	s29 =	sadd.s32 $0xFFFFFFFF, s0;
	v12 =	vor.u32 s28, v2;
	p0 =	por $0x0, $0x0  }
0x205: {  	_ =	sdelay $0x3  }
0x206: {  	v13 =	vld.idx.msk [tilespmem:v12+s17+$0x0], $0xffff;
	_ =	sdelay $0x4  }
0x207: {  	[tilespmem:$0x16680] =	vst v13  }
0x208: {  	v12 =	vld.idx.msk [tilespmem:v12+s18+$0x0], $0xffff  }
0x209: {  	v13 =	vor.u32 s28, v5;
	_ =	sdelay $0x3  }
0x20a: {  	[tilespmem:$0x16700] =	vst v12  }
0x20b: {  	v12 =	vld.idx.msk [tilespmem:v13+s17+$0x0], $0xffff;
	_ =	sdelay $0x4  }
0x20c: {  	[tilespmem:$0x16690] =	vst v12  }
0x20d: {  	v12 =	vld.idx.msk [tilespmem:v13+s18+$0x0], $0xffff  }
0x20e: {  	v13 =	vor.u32 s28, v6;
	_ =	sdelay $0x3  }
0x20f: {  	[tilespmem:$0x16710] =	vst v12  }
0x210: {  	v12 =	vld.idx.msk [tilespmem:v13+s17+$0x0], $0xffff;
	_ =	sdelay $0x4  }
0x211: {  	[tilespmem:$0x166A0] =	vst v12  }
0x212: {  	v12 =	vld.idx.msk [tilespmem:v13+s18+$0x0], $0xffff  }
0x213: {  	v13 =	vor.u32 s28, v7;
	_ =	sdelay $0x3  }
0x214: {  	[tilespmem:$0x16720] =	vst v12  }
0x215: {  	v12 =	vld.idx.msk [tilespmem:v13+s17+$0x0], $0xffff;
	_ =	sdelay $0x4  }
0x216: {  	[tilespmem:$0x166B0] =	vst v12  }
0x217: {  	v12 =	vld.idx.msk [tilespmem:v13+s18+$0x0], $0xffff  }
0x218: {  	v13 =	vor.u32 s28, v8;
	_ =	sdelay $0x3  }
0x219: {  	[tilespmem:$0x16730] =	vst v12  }
0x21a: {  	v12 =	vld.idx.msk [tilespmem:v13+s17+$0x0], $0xffff;
	_ =	sdelay $0x4  }
0x21b: {  	[tilespmem:$0x166C0] =	vst v12  }
0x21c: {  	v12 =	vld.idx.msk [tilespmem:v13+s18+$0x0], $0xffff  }
0x21d: {  	v13 =	vor.u32 s28, v9;
	_ =	sdelay $0x3  }
0x21e: {  	[tilespmem:$0x16740] =	vst v12  }
0x21f: {  	v12 =	vld.idx.msk [tilespmem:v13+s17+$0x0], $0xffff;
	_ =	sdelay $0x4  }
0x220: {  	[tilespmem:$0x166D0] =	vst v12  }
0x221: {  	v12 =	vld.idx.msk [tilespmem:v13+s18+$0x0], $0xffff  }
0x222: {  	v13 =	vor.u32 s28, v10;
	_ =	sdelay $0x3  }
0x223: {  	[tilespmem:$0x16750] =	vst v12  }
0x224: {  	v12 =	vld.idx.msk [tilespmem:v13+s17+$0x0], $0xffff;
	_ =	sdelay $0x4  }
0x225: {  	[tilespmem:$0x166E0] =	vst v12  }
0x226: {  	v12 =	vld.idx.msk [tilespmem:v13+s18+$0x0], $0xffff  }
0x227: {  	v13 =	vor.u32 s28, v11;
	_ =	sdelay $0x3  }
0x228: {  	[tilespmem:$0x16760] =	vst v12  }
0x229: {  	v12 =	vld.idx.msk [tilespmem:v13+s17+$0x0], $0xffff;
	_ =	sdelay $0x4  }
0x22a: {  	[tilespmem:$0x166F0] =	vst v12  }
0x22b: {  	v12 =	vld.idx.msk [tilespmem:v13+s18+$0x0], $0xffff;
	_ =	sdelay $0x4  }
0x22c: {  	[tilespmem:$0x16770] =	vst v12  }
0x22d: {  	[tilespmem:s22], [sflag:$0x2] =	stream.indirect.gather [hbm4b:s1+s20], $0x80, s21, s20, $0xb8;
	[tilespmem:$0x1A800] =	vst v63  }
0x22e: {  	p1 =	sne.s32 s29, $0x1;
	_ =	swait.ge [sflag:s23], $0x4000  }
.Ltmp11:
0x22f: {  	s28 =	sadd.s32 $0x80, s28;
	[sflag:s23] =	ssyncset.done $0x0;
	(pc) =	sbr.rel @!p1 .LBB2_19-.Ltmp11, $4  }
0x230: {  	v12 =	vor.u32 s28, v2;
	[sflag:s23] =	ssyncadd.s32 $0xFFFFC000  }
0x231: {  	[hbm4b:s5+s20] =	stream.indirect.scatter [tilespmem:s22], [sflag:$0x3], $0x80, s24, s20, $0xb8;
	[tilespmem:$0x1A800] =	vst v63  }
0x232: {  	_ =	swait.ge [sflag:s25], $0x4000  }
0x233: {  	s29 =	sadd.s32 $0xFFFFFFFF, s29;
	p0 =	por $0x1, $0x1;
	[sflag:s25] =	ssyncset.done $0x0  }
.LBB2_18:
0x234: {  	p1 =	sne.s32 s29, $0x1;
	s29 =	sadd.s32 $0xFFFFFFFF, s29;
	[sflag:s25] =	ssyncadd.s32 $0xFFFFC000  }
0x235: {  	v13 =	vld.idx.msk [tilespmem:v12+s17+$0x0], $0xffff;
	_ =	sdelay $0x5  }
0x236: {  	[tilespmem:$0x16680] =	vst v13  }
0x237: {  	v12 =	vld.idx.msk [tilespmem:v12+s18+$0x0], $0xffff;
	_ =	sdelay $0x1  }
0x238: {  	v13 =	vor.u32 s28, v5;
	_ =	sdelay $0x3  }
0x239: {  	[tilespmem:$0x16700] =	vst v12  }
0x23a: {  	v12 =	vld.idx.msk [tilespmem:v13+s17+$0x0], $0xffff;
	_ =	sdelay $0x5  }
0x23b: {  	[tilespmem:$0x16690] =	vst v12  }
0x23c: {  	v12 =	vld.idx.msk [tilespmem:v13+s18+$0x0], $0xffff;
	_ =	sdelay $0x1  }
0x23d: {  	v13 =	vor.u32 s28, v6;
	_ =	sdelay $0x3  }
0x23e: {  	[tilespmem:$0x16710] =	vst v12  }
0x23f: {  	v12 =	vld.idx.msk [tilespmem:v13+s17+$0x0], $0xffff;
	_ =	sdelay $0x5  }
0x240: {  	[tilespmem:$0x166A0] =	vst v12  }
0x241: {  	v12 =	vld.idx.msk [tilespmem:v13+s18+$0x0], $0xffff;
	_ =	sdelay $0x1  }
0x242: {  	v13 =	vor.u32 s28, v7;
	_ =	sdelay $0x3  }
0x243: {  	[tilespmem:$0x16720] =	vst v12  }
0x244: {  	v12 =	vld.idx.msk [tilespmem:v13+s17+$0x0], $0xffff;
	_ =	sdelay $0x5  }
0x245: {  	[tilespmem:$0x166B0] =	vst v12  }
0x246: {  	v12 =	vld.idx.msk [tilespmem:v13+s18+$0x0], $0xffff;
	_ =	sdelay $0x1  }
0x247: {  	v13 =	vor.u32 s28, v8;
	_ =	sdelay $0x3  }
0x248: {  	[tilespmem:$0x16730] =	vst v12  }
0x249: {  	v12 =	vld.idx.msk [tilespmem:v13+s17+$0x0], $0xffff;
	_ =	sdelay $0x5  }
0x24a: {  	[tilespmem:$0x166C0] =	vst v12  }
0x24b: {  	v12 =	vld.idx.msk [tilespmem:v13+s18+$0x0], $0xffff;
	_ =	sdelay $0x1  }
0x24c: {  	v13 =	vor.u32 s28, v9;
	_ =	sdelay $0x3  }
0x24d: {  	[tilespmem:$0x16740] =	vst v12  }
0x24e: {  	v12 =	vld.idx.msk [tilespmem:v13+s17+$0x0], $0xffff;
	_ =	sdelay $0x5  }
0x24f: {  	[tilespmem:$0x166D0] =	vst v12  }
0x250: {  	v12 =	vld.idx.msk [tilespmem:v13+s18+$0x0], $0xffff;
	_ =	sdelay $0x1  }
0x251: {  	v13 =	vor.u32 s28, v10;
	_ =	sdelay $0x3  }
0x252: {  	[tilespmem:$0x16750] =	vst v12  }
0x253: {  	v12 =	vld.idx.msk [tilespmem:v13+s17+$0x0], $0xffff;
	_ =	sdelay $0x5  }
0x254: {  	[tilespmem:$0x166E0] =	vst v12  }
0x255: {  	v12 =	vld.idx.msk [tilespmem:v13+s18+$0x0], $0xffff;
	_ =	sdelay $0x1  }
0x256: {  	v13 =	vor.u32 s28, v11;
	_ =	sdelay $0x3  }
0x257: {  	[tilespmem:$0x16760] =	vst v12  }
0x258: {  	v12 =	vld.idx.msk [tilespmem:v13+s17+$0x0], $0xffff;
	_ =	sdelay $0x5  }
0x259: {  	[tilespmem:$0x166F0] =	vst v12  }
0x25a: {  	v12 =	vld.idx.msk [tilespmem:v13+s18+$0x0], $0xffff;
	_ =	sdelay $0x5  }
0x25b: {  	[tilespmem:$0x16770] =	vst v12  }
0x25c: {  	[tilespmem:s22], [sflag:$0x2] =	stream.indirect.gather [hbm4b:s1+s20], $0x80, s21, s20, $0xb8;
	[tilespmem:$0x1A800] =	vst v63  }
0x25d: {  	_ =	swait.ge [sflag:s23], $0x4000  }
.Ltmp12:
0x25e: {  	s28 =	sadd.s32 $0x80, s28;
	[sflag:s23] =	ssyncset.done $0x0;
	(pc) =	sbr.rel @p1 .LBB2_18-.Ltmp12, $4  }
0x25f: {  	v12 =	vor.u32 s28, v2;
	[sflag:s23] =	ssyncadd.s32 $0xFFFFC000  }
0x260: {  	[hbm4b:s5+s20] =	stream.indirect.scatter [tilespmem:s22], [sflag:$0x3], $0x80, s24, s20, $0xb8;
	[tilespmem:$0x1A800] =	vst v63  }
0x261: {  	_ =	swait.ge [sflag:s25], $0x4000  }
0x262: {  	[sflag:s25] =	ssyncset.done $0x0  }
.Ltmp13:
0x263: {  	_ = 	snop;
	(pc) =	sbr.rel .LBB2_19-.Ltmp13, $1  }
0x264: {  	_ =	sdelay $0x3  }
.LBB2_21:
0x265: {  	_ =	sfence.sel $0x180000  }
0x266: {  	[bflag:$0x0] =	sbarrier.arrive $0xFFFF  }
0x267: {  	_ =	strace $0x90000047  }
0x268: {  	[bflag:$0x2] =	sbarrier.arrive $0xFFFF  }
0x269: {  	p0 =	sne.s32 s3, $0x0;
	s0 =	rddreg [dreg:$0x3]  }
0x26a: {  	s0 =	sadd.s32 @!p0 $0x100000, s0  }
0x26b: {  	[sflag:s0] =	ssyncadd.tile.s32 @!p0 $0x1;
	_ =	shalt  }
.Lfunc_end2:
_tile_overlayer_lowered:
.L_overlay_start_2:
0x26c: {  	(tag) =	ssettag $0x2  }
0x26d: {  	s0 =	rddreg [dreg:$0x0];
	s2 =	stileid.u32  }
0x26e: {  	s1 =	rddreg [dreg:$0x1];
	p0 =	sne.s32 s2, $0x0  }
0x26f: {  	s3 =	rddreg [dreg:$0x2];
	[bflag:$0x3] =	sbarrier.arrive $0xFFFF;
	s2 =	simm.s32 @!p0 $0x1C04  }
0x270: {  	[timem:s3], [sflag:s2] =	dma.local @!p0 [hbm:s0], s1  }
0x271: {  	s0 =	simm.s32 @!p0 $0x4  }
0x272: {  	_ =	swait.ge @!p0 [sflag:s0], s1  }
0x273: {  	s1 =	ssub.s32 @!p0 $0x0, s1;
	[sflag:s0] =	ssyncset.done @!p0 $0x0  }
0x274: {  	[sflag:s0] =	ssyncadd.s32 @!p0 s1  }
0x275: {  	[bflag:$0x3] =	sbarrier.arrive $0xFFFF  }
0x276: {  	_ =	shalt  }

</sc_bundles>
